<compile_context>
chip_gen: v7x
topology: tpu7x:2x2x1
jax: 0.10.2.dev20260603
libtpu: 0.0.44.dev20260713+nightly
codegen_flags: <defaults>
</compile_context>

<pallas_src>
import functools

import jax
import jax.numpy as jnp
import numpy as np
from jax import lax
from jax.experimental import pallas as pl
from jax.experimental.pallas import tpu as pltpu
from jax.experimental.pallas import tpu_sc as plsc

KNN_K = 16
SAMPLES = 1024
NEG_INF = float("-inf")


def _rotl(x, d):
    return ((x << np.uint32(d)) | (x >> np.uint32(32 - d))).astype(np.uint32)


def _threefry2x32(k1, k2, x0, x1):
    ks = [np.uint32(k1), np.uint32(k2), np.uint32(k1 ^ k2 ^ 0x1BD11BDA)]
    rots = ((13, 15, 26, 6), (17, 29, 16, 24))
    x0 = (x0 + ks[0]).astype(np.uint32)
    x1 = (x1 + ks[1]).astype(np.uint32)
    for i in range(5):
        for d in rots[i % 2]:
            x0 = (x0 + x1).astype(np.uint32)
            x1 = _rotl(x1, d) ^ x0
        x0 = (x0 + ks[(i + 1) % 3]).astype(np.uint32)
        x1 = (x1 + ks[(i + 2) % 3] + np.uint32(i + 1)).astype(np.uint32)
    return x0, x1


@functools.lru_cache(maxsize=None)
def _sample_rows(b, p):
    n = b * p
    iota = np.arange(n, dtype=np.uint64)
    hi = (iota >> np.uint64(32)).astype(np.uint32)
    lo = (iota & np.uint64(0xFFFFFFFF)).astype(np.uint32)
    o0, o1 = _threefry2x32(np.uint32(0), np.uint32(42), hi, lo)
    bits = o0 ^ o1
    f = ((bits >> np.uint32(9)) | np.uint32(0x3F800000)).view(np.float32)
    rand = np.maximum(np.float32(0.0), (f - np.float32(1.0)).astype(np.float32))
    perm = np.argsort(rand.reshape(b, p), axis=1, kind="stable")[:, :SAMPLES]
    flat = perm.astype(np.int32) + (np.arange(b, dtype=np.int32) * p)[:, None]
    return flat.reshape(-1)


def _sc_gather(table, idx, chunk=128):
    _, c = table.shape
    n = idx.shape[0]
    info = plsc.get_sparse_core_info()
    ncores = info.num_cores
    nw = ncores * info.num_subcores
    per_w = n // nw
    chunk = min(chunk, per_w)
    n_chunks = per_w // chunk
    assert per_w % chunk == 0 and n % nw == 0
    mesh = plsc.VectorSubcoreMesh(core_axis_name="c", subcore_axis_name="s")

    @functools.partial(
        pl.kernel,
        mesh=mesh,
        compiler_params=pltpu.CompilerParams(use_tc_tiling_on_sc=False),
        out_type=jax.ShapeDtypeStruct((n, c), table.dtype),
        scratch_types=[
            pltpu.VMEM((chunk,), jnp.int32),
            pltpu.VMEM((chunk, c), table.dtype),
            pltpu.SemaphoreType.DMA,
        ],
    )
    def gather(table_hbm, idx_hbm, out_hbm, idx_v, rows_v, sem):
        wid = lax.axis_index("s") * ncores + lax.axis_index("c")
        base = wid * per_w

        def body(j, carry):
            off = base + j * chunk
            pltpu.sync_copy(idx_hbm.at[pl.ds(off, chunk)], idx_v)
            pltpu.async_copy(table_hbm.at[idx_v], rows_v, sem).wait()
            pltpu.sync_copy(rows_v, out_hbm.at[pl.ds(off, chunk)])
            return carry

        lax.fori_loop(0, n_chunks, body, 0)

    return gather(table, idx)


def _tc_knn(x, sel, b0=0, s_blk=256):
    b, c, p = x.shape
    s = sel.shape[1]

    def body(x_ref, sel_ref, out_ref):
        bi = pl.program_id(0) + b0
        xb = x_ref[0]
        sb = sel_ref[0]
        inner = -2.0 * lax.dot_general(
            sb, xb, (((1,), (0,)), ((), ())),
            preferred_element_type=jnp.float32,
            precision=lax.Precision.DEFAULT)
        aa = jnp.sum(xb * xb, axis=0, keepdims=True)
        bbn = jnp.sum(sb * sb, axis=1, keepdims=True)
        scores = (-aa) - inner - bbn
        pio = lax.broadcasted_iota(jnp.int32, scores.shape, 1)
        kio = lax.broadcasted_iota(jnp.int32, (s_blk, KNN_K), 1)
        acc = jnp.zeros((s_blk, KNN_K), jnp.int32)
        for j in range(KNN_K):
            am = jnp.argmax(scores, axis=1).astype(jnp.int32)[:, None]
            acc = jnp.where(kio == j, am, acc)
            if j + 1 < KNN_K:
                scores = jnp.where(pio == am, NEG_INF, scores)
        out_ref[0] = acc.T + bi * p

    return pl.pallas_call(
        body,
        grid=(b, s // s_blk),
        in_specs=[
            pl.BlockSpec((1, c, p), lambda bi, si: (bi, 0, 0)),
            pl.BlockSpec((1, s_blk, c), lambda bi, si: (bi, si, 0)),
        ],
        out_specs=pl.BlockSpec((1, KNN_K, s_blk), lambda bi, si: (bi, 0, si)),
        out_shape=jax.ShapeDtypeStruct((b, KNN_K, s), jnp.int32),
    )(x, sel)


def kernel(x, s_num):
    del s_num
    b, c, p = x.shape
    row_ids = jnp.asarray(_sample_rows(b, p)).reshape(b, SAMPLES)
    xt = jnp.swapaxes(x, 1, 2).reshape(b * p, c)
    groups = [(b0, 4) for b0 in range(0, b, 4)]
    outs = []
    for b0, gb in groups:
        xg = lax.slice_in_dim(x, b0, b0 + gb, axis=0)
        ids_g = row_ids[b0:b0 + gb].reshape(-1)
        sel_g = _sc_gather(xt, ids_g).reshape(gb, SAMPLES, c)
        nbr_g = _tc_knn(xg, sel_g, b0=b0)
        feat_g = _sc_gather(xt, nbr_g.reshape(-1))
        feat_g = feat_g.reshape(gb, SAMPLES, KNN_K, c)
        outs.append(jnp.transpose(feat_g, (0, 3, 1, 2)))
    return jnp.concatenate(outs, axis=0)

# --- scband reference (transcript-rebuilt; emitter-appended) ---
"""Pipeline reference for scband-dynamic-sampling-86526411145631 (READ-ONLY COPY).

The authoritative reference and input builder live on the scoring server;
editing this copy changes nothing except your own understanding.
"""

import jax, jax.numpy as jnp
import numpy as np

K = 16  # init kwarg k
S_NUM = 1024  # static sample count always passed by setup_inputs

def _knn(a, b, k):
    # a: [B, C, P], b: [B, C, S]
    inner = -2.0 * jnp.matmul(jnp.swapaxes(a, 2, 1), b)          # [B, P, S]
    aa = jnp.sum(a ** 2, axis=1, keepdims=True)                  # [B, 1, P]
    bb = jnp.sum(b ** 2, axis=1, keepdims=True)                  # [B, 1, S]
    pd = -jnp.swapaxes(aa, 2, 1) - inner - bb                    # [B, P, S]
    # torch topk(dim=-2) over P -> indices [B, k, S]
    _, idx = jax.lax.top_k(jnp.swapaxes(pd, -1, -2), k)          # [B, S, k]
    return jnp.swapaxes(idx, -1, -2)                             # [B, k, S]

def setup_inputs(seed: int = 0) -> dict:
    key = jax.random.key(seed)
    x = jax.random.normal(key, (16, 64, 4096), dtype=jnp.float32)
    return {"x": x, "s_num": 1024}

def reference(x, s_num):
    B, C, P = x.shape
    k = K
    # s_num <= P branch, Is_temp=False
    rkey = jax.random.key(42)
    rand_num = jnp.abs(jax.random.uniform(rkey, (B, P)))
    batch_rand_perm = jnp.argsort(rand_num, axis=1)[:, :S_NUM]   # [B, s_num]
    gather_idx = jnp.broadcast_to(batch_rand_perm[:, None, :], (B, C, S_NUM))
    select_point = jnp.take_along_axis(x, gather_idx, axis=2)    # [B, C, s_num]
    if C == 4:
        indx = _knn(x[:, :3, :], select_point[:, :3, :], k)
    else:
        indx = _knn(x, select_point, k)                          # [B, k, s_num]
    indx = jax.lax.stop_gradient(indx)
    idx_base = jnp.arange(B).reshape(-1, 1, 1) * P
    indx = (indx + idx_base + 0 * s_num).reshape(-1)
    xt = jnp.swapaxes(x, 2, 1).reshape(B * P, C)
    feature = jnp.take(xt, indx, axis=0)                         # [B*k*s_num, C]
    feature = feature.reshape(B, S_NUM, k, C)                    # faithful view (same as torch)
    return jnp.transpose(feature, (0, 3, 1, 2))                  # [B, C, s_num, k]

if __name__ == "__main__":
    import jax
    _d = setup_inputs()
    print(jax.jit(kernel)(*tuple(_d.values())))

</pallas_src>

<mosaic_0001>
#map = affine_map<(d0, d1) -> (0, 0)>
#map1 = affine_map<(d0, d1) -> (0)>
module attributes {stable_mosaic.version = 14 : i64} {
  func.func @gather(%arg0: i32, %arg1: i32, %arg2: memref<65536x64xf32, #tpu.memory_space<hbm>>, %arg3: memref<4096xi32, #tpu.memory_space<hbm>>, %arg4: memref<4096x64xf32, #tpu.memory_space<hbm>>, %arg5: memref<128xi32, #tpu.memory_space<vmem>>, %arg6: memref<128x64xf32, #tpu.memory_space<vmem>>, %arg7: memref<!tpu.dma_semaphore, #tpu.memory_space<semaphore_mem>>) attributes {dimension_semantics = [#tpu.dimension_semantics<core_parallel>, #tpu.dimension_semantics<subcore_parallel>], iteration_bounds = array<i64: 2, 16>, scalar_prefetch = 0 : i64, scratch_operands = 3 : i64, tpu.core_type = #tpu.core_type<sc_vector_subcore>, window_params = [{transform_indices = #map}, {transform_indices = #map1}, {transform_indices = #map}]} {
    %mul3A = arith.constant 2 : i32
    %mul3A_0 = arith.muli %arg1, %mul3A : i32
    %add3A = arith.addi %mul3A_0, %arg0 : i32
    %mul3A_1 = arith.constant 128 : i32
    %mul3A_2 = arith.muli %add3A, %mul3A_1 : i32
    %scan3A = arith.constant 0 : i32
    %scan3A_3 = arith.constant 0 : i32
    %mul3A_4 = arith.constant 128 : i32
    %mul3A_5 = arith.muli %scan3A_3, %mul3A_4 : i32
    %add3A_6 = arith.addi %mul3A_2, %mul3A_5 : i32
    "tpu.region"() ({
      %run_scoped3A = tpu.sem_alloc : memref<!tpu.dma_semaphore, #tpu.memory_space<semaphore_mem>>
      %dma_start3A_12 = tpu.memref_slice %arg3[%add3A_6] : memref<4096xi32, #tpu.memory_space<hbm>> -> memref<128xi32, #tpu.memory_space<hbm>>
      %dma_start3A_13 = tpu.memref_slice %arg3[%add3A_6] : memref<4096xi32, #tpu.memory_space<hbm>> -> memref<128xi32, #tpu.memory_space<hbm>>
      tpu.enqueue_dma source(%dma_start3A_13 : memref<128xi32, #tpu.memory_space<hbm>>) target(%arg5 : memref<128xi32, #tpu.memory_space<vmem>>) target_semaphore(%run_scoped3A : memref<!tpu.dma_semaphore, #tpu.memory_space<semaphore_mem>>)
      %dma_wait3A_14 = tpu.memref_slice %arg3[%add3A_6] : memref<4096xi32, #tpu.memory_space<hbm>> -> memref<128xi32, #tpu.memory_space<hbm>>
      %dma_wait3A_15 = tpu.memref_slice %arg3[%add3A_6] : memref<4096xi32, #tpu.memory_space<hbm>> -> memref<128xi32, #tpu.memory_space<hbm>>
      tpu.wait_dma2 semaphore(%run_scoped3A : memref<!tpu.dma_semaphore, #tpu.memory_space<semaphore_mem>>) src(%dma_wait3A_15 : memref<128xi32, #tpu.memory_space<hbm>>) dst(%arg5 : memref<128xi32, #tpu.memory_space<vmem>>)
      tpu.yield
    }) : () -> ()
    %dma_start3A = arith.constant 0 : i32
    %dma_start3A_7 = arith.constant 0 : i32
    %dma_start3A_8 = tpu.memref_slice %arg2[%dma_start3A, %dma_start3A_7] : memref<65536x64xf32, #tpu.memory_space<hbm>> -> memref<65536x64xf32, #tpu.memory_space<hbm>>
    tpu.enqueue_indirect_dma source(%dma_start3A_8 : memref<65536x64xf32, #tpu.memory_space<hbm>>) target(%arg6 : memref<128x64xf32, #tpu.memory_space<vmem>>) offsets(%arg5 : memref<128xi32, #tpu.memory_space<vmem>>) semaphore(%arg7 : memref<!tpu.dma_semaphore, #tpu.memory_space<semaphore_mem>>)
    %dma_wait3A = arith.constant 0 : i32
    %dma_wait3A_9 = arith.constant 0 : i32
    %dma_wait3A_10 = tpu.memref_slice %arg2[%dma_wait3A, %dma_wait3A_9] : memref<65536x64xf32, #tpu.memory_space<hbm>> -> memref<65536x64xf32, #tpu.memory_space<hbm>>
    tpu.wait_indirect_dma semaphore(%arg7 : memref<!tpu.dma_semaphore, #tpu.memory_space<semaphore_mem>>) src(%dma_wait3A_10 : memref<65536x64xf32, #tpu.memory_space<hbm>>) dst(%arg6 : memref<128x64xf32, #tpu.memory_space<vmem>>)
    "tpu.region"() ({
      %run_scoped3A = tpu.sem_alloc : memref<!tpu.dma_semaphore, #tpu.memory_space<semaphore_mem>>
      %dma_start3A_12 = arith.constant 0 : i32
      %dma_start3A_13 = tpu.memref_slice %arg4[%add3A_6, %dma_start3A_12] : memref<4096x64xf32, #tpu.memory_space<hbm>> -> memref<128x64xf32, #tpu.memory_space<hbm>>
      %dma_start3A_14 = arith.constant 0 : i32
      %dma_start3A_15 = tpu.memref_slice %arg4[%add3A_6, %dma_start3A_14] : memref<4096x64xf32, #tpu.memory_space<hbm>> -> memref<128x64xf32, #tpu.memory_space<hbm>>
      tpu.enqueue_dma source(%arg6 : memref<128x64xf32, #tpu.memory_space<vmem>>) target(%dma_start3A_15 : memref<128x64xf32, #tpu.memory_space<hbm>>) target_semaphore(%run_scoped3A : memref<!tpu.dma_semaphore, #tpu.memory_space<semaphore_mem>>)
      %dma_wait3A_16 = arith.constant 0 : i32
      %dma_wait3A_17 = tpu.memref_slice %arg4[%add3A_6, %dma_wait3A_16] : memref<4096x64xf32, #tpu.memory_space<hbm>> -> memref<128x64xf32, #tpu.memory_space<hbm>>
      %dma_wait3A_18 = arith.constant 0 : i32
      %dma_wait3A_19 = tpu.memref_slice %arg4[%add3A_6, %dma_wait3A_18] : memref<4096x64xf32, #tpu.memory_space<hbm>> -> memref<128x64xf32, #tpu.memory_space<hbm>>
      tpu.wait_dma2 semaphore(%run_scoped3A : memref<!tpu.dma_semaphore, #tpu.memory_space<semaphore_mem>>) src(%arg6 : memref<128x64xf32, #tpu.memory_space<vmem>>) dst(%dma_wait3A_19 : memref<128x64xf32, #tpu.memory_space<hbm>>)
      tpu.yield
    }) : () -> ()
    %scan3A_11 = arith.constant 1 : i32
    return
  }
}

#map = affine_map<(d0, d1) -> (0, 0)>
#map1 = affine_map<(d0, d1) -> (0)>
module attributes {stable_mosaic.version = 14 : i64} {
  func.func @gather(%arg0: i32, %arg1: i32, %arg2: memref<65536x64xf32, #tpu.memory_space<hbm>>, %arg3: memref<4096xi32, #tpu.memory_space<hbm>>, %arg4: memref<4096x64xf32, #tpu.memory_space<hbm>>, %arg5: memref<128xi32, #tpu.memory_space<vmem>>, %arg6: memref<128x64xf32, #tpu.memory_space<vmem>>, %arg7: memref<!tpu.dma_semaphore, #tpu.memory_space<semaphore_mem>>) attributes {dimension_semantics = [#tpu.dimension_semantics<core_parallel>, #tpu.dimension_semantics<subcore_parallel>], iteration_bounds = array<i64: 2, 16>, scalar_prefetch = 0 : i64, scratch_operands = 3 : i64, tpu.core_type = #tpu.core_type<sc_vector_subcore>, window_params = [{transform_indices = #map}, {transform_indices = #map1}, {transform_indices = #map}]} {
    %mul3A = arith.constant 2 : i32
    %mul3A_0 = arith.muli %arg1, %mul3A : i32
    %add3A = arith.addi %mul3A_0, %arg0 : i32
    %mul3A_1 = arith.constant 128 : i32
    %mul3A_2 = arith.muli %add3A, %mul3A_1 : i32
    %scan3A = arith.constant 0 : i32
    %scan3A_3 = arith.constant 0 : i32
    %mul3A_4 = arith.constant 128 : i32
    %mul3A_5 = arith.muli %scan3A_3, %mul3A_4 : i32
    %add3A_6 = arith.addi %mul3A_2, %mul3A_5 : i32
    "tpu.region"() ({
      %run_scoped3A = tpu.sem_alloc : memref<!tpu.dma_semaphore, #tpu.memory_space<semaphore_mem>>
      %dma_start3A_12 = tpu.memref_slice %arg3[%add3A_6] : memref<4096xi32, #tpu.memory_space<hbm>> -> memref<128xi32, #tpu.memory_space<hbm>>
      %dma_start3A_13 = tpu.memref_slice %arg3[%add3A_6] : memref<4096xi32, #tpu.memory_space<hbm>> -> memref<128xi32, #tpu.memory_space<hbm>>
      tpu.enqueue_dma source(%dma_start3A_13 : memref<128xi32, #tpu.memory_space<hbm>>) target(%arg5 : memref<128xi32, #tpu.memory_space<vmem>>) target_semaphore(%run_scoped3A : memref<!tpu.dma_semaphore, #tpu.memory_space<semaphore_mem>>)
      %dma_wait3A_14 = tpu.memref_slice %arg3[%add3A_6] : memref<4096xi32, #tpu.memory_space<hbm>> -> memref<128xi32, #tpu.memory_space<hbm>>
      %dma_wait3A_15 = tpu.memref_slice %arg3[%add3A_6] : memref<4096xi32, #tpu.memory_space<hbm>> -> memref<128xi32, #tpu.memory_space<hbm>>
      tpu.wait_dma2 semaphore(%run_scoped3A : memref<!tpu.dma_semaphore, #tpu.memory_space<semaphore_mem>>) src(%dma_wait3A_15 : memref<128xi32, #tpu.memory_space<hbm>>) dst(%arg5 : memref<128xi32, #tpu.memory_space<vmem>>)
      tpu.yield
    }) : () -> ()
    %dma_start3A = arith.constant 0 : i32
    %dma_start3A_7 = arith.constant 0 : i32
    %dma_start3A_8 = tpu.memref_slice %arg2[%dma_start3A, %dma_start3A_7] : memref<65536x64xf32, #tpu.memory_space<hbm>> -> memref<65536x64xf32, #tpu.memory_space<hbm>>
    tpu.enqueue_indirect_dma source(%dma_start3A_8 : memref<65536x64xf32, #tpu.memory_space<hbm>>) target(%arg6 : memref<128x64xf32, #tpu.memory_space<vmem>>) offsets(%arg5 : memref<128xi32, #tpu.memory_space<vmem>>) semaphore(%arg7 : memref<!tpu.dma_semaphore, #tpu.memory_space<semaphore_mem>>)
    %dma_wait3A = arith.constant 0 : i32
    %dma_wait3A_9 = arith.constant 0 : i32
    %dma_wait3A_10 = tpu.memref_slice %arg2[%dma_wait3A, %dma_wait3A_9] : memref<65536x64xf32, #tpu.memory_space<hbm>> -> memref<65536x64xf32, #tpu.memory_space<hbm>>
    tpu.wait_indirect_dma semaphore(%arg7 : memref<!tpu.dma_semaphore, #tpu.memory_space<semaphore_mem>>) src(%dma_wait3A_10 : memref<65536x64xf32, #tpu.memory_space<hbm>>) dst(%arg6 : memref<128x64xf32, #tpu.memory_space<vmem>>)
    "tpu.region"() ({
      %run_scoped3A = tpu.sem_alloc : memref<!tpu.dma_semaphore, #tpu.memory_space<semaphore_mem>>
      %dma_start3A_12 = arith.constant 0 : i32
      %dma_start3A_13 = tpu.memref_slice %arg4[%add3A_6, %dma_start3A_12] : memref<4096x64xf32, #tpu.memory_space<hbm>> -> memref<128x64xf32, #tpu.memory_space<hbm>>
      %dma_start3A_14 = arith.constant 0 : i32
      %dma_start3A_15 = tpu.memref_slice %arg4[%add3A_6, %dma_start3A_14] : memref<4096x64xf32, #tpu.memory_space<hbm>> -> memref<128x64xf32, #tpu.memory_space<hbm>>
      tpu.enqueue_dma source(%arg6 : memref<128x64xf32, #tpu.memory_space<vmem>>) target(%dma_start3A_15 : memref<128x64xf32, #tpu.memory_space<hbm>>) target_semaphore(%run_scoped3A : memref<!tpu.dma_semaphore, #tpu.memory_space<semaphore_mem>>)
      %dma_wait3A_16 = arith.constant 0 : i32
      %dma_wait3A_17 = tpu.memref_slice %arg4[%add3A_6, %dma_wait3A_16] : memref<4096x64xf32, #tpu.memory_space<hbm>> -> memref<128x64xf32, #tpu.memory_space<hbm>>
      %dma_wait3A_18 = arith.constant 0 : i32
      %dma_wait3A_19 = tpu.memref_slice %arg4[%add3A_6, %dma_wait3A_18] : memref<4096x64xf32, #tpu.memory_space<hbm>> -> memref<128x64xf32, #tpu.memory_space<hbm>>
      tpu.wait_dma2 semaphore(%run_scoped3A : memref<!tpu.dma_semaphore, #tpu.memory_space<semaphore_mem>>) src(%arg6 : memref<128x64xf32, #tpu.memory_space<vmem>>) dst(%dma_wait3A_19 : memref<128x64xf32, #tpu.memory_space<hbm>>)
      tpu.yield
    }) : () -> ()
    %scan3A_11 = arith.constant 1 : i32
    return
  }
}

#map = affine_map<(d0, d1) -> (0, 0)>
#map1 = affine_map<(d0, d1) -> (0)>
module attributes {stable_mosaic.version = 14 : i64} {
  func.func @gather(%arg0: i32, %arg1: i32, %arg2: memref<65536x64xf32, #tpu.memory_space<hbm>>, %arg3: memref<4096xi32, #tpu.memory_space<hbm>>, %arg4: memref<4096x64xf32, #tpu.memory_space<hbm>>, %arg5: memref<128xi32, #tpu.memory_space<vmem>>, %arg6: memref<128x64xf32, #tpu.memory_space<vmem>>, %arg7: memref<!tpu.dma_semaphore, #tpu.memory_space<semaphore_mem>>) attributes {dimension_semantics = [#tpu.dimension_semantics<core_parallel>, #tpu.dimension_semantics<subcore_parallel>], iteration_bounds = array<i64: 2, 16>, scalar_prefetch = 0 : i64, scratch_operands = 3 : i64, tpu.core_type = #tpu.core_type<sc_vector_subcore>, window_params = [{transform_indices = #map}, {transform_indices = #map1}, {transform_indices = #map}]} {
    %mul3A = arith.constant 2 : i32
    %mul3A_0 = arith.muli %arg1, %mul3A : i32
    %add3A = arith.addi %mul3A_0, %arg0 : i32
    %mul3A_1 = arith.constant 128 : i32
    %mul3A_2 = arith.muli %add3A, %mul3A_1 : i32
    %scan3A = arith.constant 0 : i32
    %scan3A_3 = arith.constant 0 : i32
    %mul3A_4 = arith.constant 128 : i32
    %mul3A_5 = arith.muli %scan3A_3, %mul3A_4 : i32
    %add3A_6 = arith.addi %mul3A_2, %mul3A_5 : i32
    "tpu.region"() ({
      %run_scoped3A = tpu.sem_alloc : memref<!tpu.dma_semaphore, #tpu.memory_space<semaphore_mem>>
      %dma_start3A_12 = tpu.memref_slice %arg3[%add3A_6] : memref<4096xi32, #tpu.memory_space<hbm>> -> memref<128xi32, #tpu.memory_space<hbm>>
      %dma_start3A_13 = tpu.memref_slice %arg3[%add3A_6] : memref<4096xi32, #tpu.memory_space<hbm>> -> memref<128xi32, #tpu.memory_space<hbm>>
      tpu.enqueue_dma source(%dma_start3A_13 : memref<128xi32, #tpu.memory_space<hbm>>) target(%arg5 : memref<128xi32, #tpu.memory_space<vmem>>) target_semaphore(%run_scoped3A : memref<!tpu.dma_semaphore, #tpu.memory_space<semaphore_mem>>)
      %dma_wait3A_14 = tpu.memref_slice %arg3[%add3A_6] : memref<4096xi32, #tpu.memory_space<hbm>> -> memref<128xi32, #tpu.memory_space<hbm>>
      %dma_wait3A_15 = tpu.memref_slice %arg3[%add3A_6] : memref<4096xi32, #tpu.memory_space<hbm>> -> memref<128xi32, #tpu.memory_space<hbm>>
      tpu.wait_dma2 semaphore(%run_scoped3A : memref<!tpu.dma_semaphore, #tpu.memory_space<semaphore_mem>>) src(%dma_wait3A_15 : memref<128xi32, #tpu.memory_space<hbm>>) dst(%arg5 : memref<128xi32, #tpu.memory_space<vmem>>)
      tpu.yield
    }) : () -> ()
    %dma_start3A = arith.constant 0 : i32
    %dma_start3A_7 = arith.constant 0 : i32
    %dma_start3A_8 = tpu.memref_slice %arg2[%dma_start3A, %dma_start3A_7] : memref<65536x64xf32, #tpu.memory_space<hbm>> -> memref<65536x64xf32, #tpu.memory_space<hbm>>
    tpu.enqueue_indirect_dma source(%dma_start3A_8 : memref<65536x64xf32, #tpu.memory_space<hbm>>) target(%arg6 : memref<128x64xf32, #tpu.memory_space<vmem>>) offsets(%arg5 : memref<128xi32, #tpu.memory_space<vmem>>) semaphore(%arg7 : memref<!tpu.dma_semaphore, #tpu.memory_space<semaphore_mem>>)
    %dma_wait3A = arith.constant 0 : i32
    %dma_wait3A_9 = arith.constant 0 : i32
    %dma_wait3A_10 = tpu.memref_slice %arg2[%dma_wait3A, %dma_wait3A_9] : memref<65536x64xf32, #tpu.memory_space<hbm>> -> memref<65536x64xf32, #tpu.memory_space<hbm>>
    tpu.wait_indirect_dma semaphore(%arg7 : memref<!tpu.dma_semaphore, #tpu.memory_space<semaphore_mem>>) src(%dma_wait3A_10 : memref<65536x64xf32, #tpu.memory_space<hbm>>) dst(%arg6 : memref<128x64xf32, #tpu.memory_space<vmem>>)
    "tpu.region"() ({
      %run_scoped3A = tpu.sem_alloc : memref<!tpu.dma_semaphore, #tpu.memory_space<semaphore_mem>>
      %dma_start3A_12 = arith.constant 0 : i32
      %dma_start3A_13 = tpu.memref_slice %arg4[%add3A_6, %dma_start3A_12] : memref<4096x64xf32, #tpu.memory_space<hbm>> -> memref<128x64xf32, #tpu.memory_space<hbm>>
      %dma_start3A_14 = arith.constant 0 : i32
      %dma_start3A_15 = tpu.memref_slice %arg4[%add3A_6, %dma_start3A_14] : memref<4096x64xf32, #tpu.memory_space<hbm>> -> memref<128x64xf32, #tpu.memory_space<hbm>>
      tpu.enqueue_dma source(%arg6 : memref<128x64xf32, #tpu.memory_space<vmem>>) target(%dma_start3A_15 : memref<128x64xf32, #tpu.memory_space<hbm>>) target_semaphore(%run_scoped3A : memref<!tpu.dma_semaphore, #tpu.memory_space<semaphore_mem>>)
      %dma_wait3A_16 = arith.constant 0 : i32
      %dma_wait3A_17 = tpu.memref_slice %arg4[%add3A_6, %dma_wait3A_16] : memref<4096x64xf32, #tpu.memory_space<hbm>> -> memref<128x64xf32, #tpu.memory_space<hbm>>
      %dma_wait3A_18 = arith.constant 0 : i32
      %dma_wait3A_19 = tpu.memref_slice %arg4[%add3A_6, %dma_wait3A_18] : memref<4096x64xf32, #tpu.memory_space<hbm>> -> memref<128x64xf32, #tpu.memory_space<hbm>>
      tpu.wait_dma2 semaphore(%run_scoped3A : memref<!tpu.dma_semaphore, #tpu.memory_space<semaphore_mem>>) src(%arg6 : memref<128x64xf32, #tpu.memory_space<vmem>>) dst(%dma_wait3A_19 : memref<128x64xf32, #tpu.memory_space<hbm>>)
      tpu.yield
    }) : () -> ()
    %scan3A_11 = arith.constant 1 : i32
    return
  }
}

#map = affine_map<(d0, d1) -> (0, 0)>
#map1 = affine_map<(d0, d1) -> (0)>
module attributes {stable_mosaic.version = 14 : i64} {
  func.func @gather(%arg0: i32, %arg1: i32, %arg2: memref<65536x64xf32, #tpu.memory_space<hbm>>, %arg3: memref<4096xi32, #tpu.memory_space<hbm>>, %arg4: memref<4096x64xf32, #tpu.memory_space<hbm>>, %arg5: memref<128xi32, #tpu.memory_space<vmem>>, %arg6: memref<128x64xf32, #tpu.memory_space<vmem>>, %arg7: memref<!tpu.dma_semaphore, #tpu.memory_space<semaphore_mem>>) attributes {dimension_semantics = [#tpu.dimension_semantics<core_parallel>, #tpu.dimension_semantics<subcore_parallel>], iteration_bounds = array<i64: 2, 16>, scalar_prefetch = 0 : i64, scratch_operands = 3 : i64, tpu.core_type = #tpu.core_type<sc_vector_subcore>, window_params = [{transform_indices = #map}, {transform_indices = #map1}, {transform_indices = #map}]} {
    %mul3A = arith.constant 2 : i32
    %mul3A_0 = arith.muli %arg1, %mul3A : i32
    %add3A = arith.addi %mul3A_0, %arg0 : i32
    %mul3A_1 = arith.constant 128 : i32
    %mul3A_2 = arith.muli %add3A, %mul3A_1 : i32
    %scan3A = arith.constant 0 : i32
    %scan3A_3 = arith.constant 0 : i32
    %mul3A_4 = arith.constant 128 : i32
    %mul3A_5 = arith.muli %scan3A_3, %mul3A_4 : i32
    %add3A_6 = arith.addi %mul3A_2, %mul3A_5 : i32
    "tpu.region"() ({
      %run_scoped3A = tpu.sem_alloc : memref<!tpu.dma_semaphore, #tpu.memory_space<semaphore_mem>>
      %dma_start3A_12 = tpu.memref_slice %arg3[%add3A_6] : memref<4096xi32, #tpu.memory_space<hbm>> -> memref<128xi32, #tpu.memory_space<hbm>>
      %dma_start3A_13 = tpu.memref_slice %arg3[%add3A_6] : memref<4096xi32, #tpu.memory_space<hbm>> -> memref<128xi32, #tpu.memory_space<hbm>>
      tpu.enqueue_dma source(%dma_start3A_13 : memref<128xi32, #tpu.memory_space<hbm>>) target(%arg5 : memref<128xi32, #tpu.memory_space<vmem>>) target_semaphore(%run_scoped3A : memref<!tpu.dma_semaphore, #tpu.memory_space<semaphore_mem>>)
      %dma_wait3A_14 = tpu.memref_slice %arg3[%add3A_6] : memref<4096xi32, #tpu.memory_space<hbm>> -> memref<128xi32, #tpu.memory_space<hbm>>
      %dma_wait3A_15 = tpu.memref_slice %arg3[%add3A_6] : memref<4096xi32, #tpu.memory_space<hbm>> -> memref<128xi32, #tpu.memory_space<hbm>>
      tpu.wait_dma2 semaphore(%run_scoped3A : memref<!tpu.dma_semaphore, #tpu.memory_space<semaphore_mem>>) src(%dma_wait3A_15 : memref<128xi32, #tpu.memory_space<hbm>>) dst(%arg5 : memref<128xi32, #tpu.memory_space<vmem>>)
      tpu.yield
    }) : () -> ()
    %dma_start3A = arith.constant 0 : i32
    %dma_start3A_7 = arith.constant 0 : i32
    %dma_start3A_8 = tpu.memref_slice %arg2[%dma_start3A, %dma_start3A_7] : memref<65536x64xf32, #tpu.memory_space<hbm>> -> memref<65536x64xf32, #tpu.memory_space<hbm>>
    tpu.enqueue_indirect_dma source(%dma_start3A_8 : memref<65536x64xf32, #tpu.memory_space<hbm>>) target(%arg6 : memref<128x64xf32, #tpu.memory_space<vmem>>) offsets(%arg5 : memref<128xi32, #tpu.memory_space<vmem>>) semaphore(%arg7 : memref<!tpu.dma_semaphore, #tpu.memory_space<semaphore_mem>>)
    %dma_wait3A = arith.constant 0 : i32
    %dma_wait3A_9 = arith.constant 0 : i32
    %dma_wait3A_10 = tpu.memref_slice %arg2[%dma_wait3A, %dma_wait3A_9] : memref<65536x64xf32, #tpu.memory_space<hbm>> -> memref<65536x64xf32, #tpu.memory_space<hbm>>
    tpu.wait_indirect_dma semaphore(%arg7 : memref<!tpu.dma_semaphore, #tpu.memory_space<semaphore_mem>>) src(%dma_wait3A_10 : memref<65536x64xf32, #tpu.memory_space<hbm>>) dst(%arg6 : memref<128x64xf32, #tpu.memory_space<vmem>>)
    "tpu.region"() ({
      %run_scoped3A = tpu.sem_alloc : memref<!tpu.dma_semaphore, #tpu.memory_space<semaphore_mem>>
      %dma_start3A_12 = arith.constant 0 : i32
      %dma_start3A_13 = tpu.memref_slice %arg4[%add3A_6, %dma_start3A_12] : memref<4096x64xf32, #tpu.memory_space<hbm>> -> memref<128x64xf32, #tpu.memory_space<hbm>>
      %dma_start3A_14 = arith.constant 0 : i32
      %dma_start3A_15 = tpu.memref_slice %arg4[%add3A_6, %dma_start3A_14] : memref<4096x64xf32, #tpu.memory_space<hbm>> -> memref<128x64xf32, #tpu.memory_space<hbm>>
      tpu.enqueue_dma source(%arg6 : memref<128x64xf32, #tpu.memory_space<vmem>>) target(%dma_start3A_15 : memref<128x64xf32, #tpu.memory_space<hbm>>) target_semaphore(%run_scoped3A : memref<!tpu.dma_semaphore, #tpu.memory_space<semaphore_mem>>)
      %dma_wait3A_16 = arith.constant 0 : i32
      %dma_wait3A_17 = tpu.memref_slice %arg4[%add3A_6, %dma_wait3A_16] : memref<4096x64xf32, #tpu.memory_space<hbm>> -> memref<128x64xf32, #tpu.memory_space<hbm>>
      %dma_wait3A_18 = arith.constant 0 : i32
      %dma_wait3A_19 = tpu.memref_slice %arg4[%add3A_6, %dma_wait3A_18] : memref<4096x64xf32, #tpu.memory_space<hbm>> -> memref<128x64xf32, #tpu.memory_space<hbm>>
      tpu.wait_dma2 semaphore(%run_scoped3A : memref<!tpu.dma_semaphore, #tpu.memory_space<semaphore_mem>>) src(%arg6 : memref<128x64xf32, #tpu.memory_space<vmem>>) dst(%dma_wait3A_19 : memref<128x64xf32, #tpu.memory_space<hbm>>)
      tpu.yield
    }) : () -> ()
    %scan3A_11 = arith.constant 1 : i32
    return
  }
}

#map = affine_map<(d0, d1) -> (0, 0)>
#map1 = affine_map<(d0, d1) -> (0)>
module attributes {stable_mosaic.version = 14 : i64} {
  func.func @gather(%arg0: i32, %arg1: i32, %arg2: memref<65536x64xf32, #tpu.memory_space<hbm>>, %arg3: memref<65536xi32, #tpu.memory_space<hbm>>, %arg4: memref<65536x64xf32, #tpu.memory_space<hbm>>, %arg5: memref<128xi32, #tpu.memory_space<vmem>>, %arg6: memref<128x64xf32, #tpu.memory_space<vmem>>, %arg7: memref<!tpu.dma_semaphore, #tpu.memory_space<semaphore_mem>>) attributes {dimension_semantics = [#tpu.dimension_semantics<core_parallel>, #tpu.dimension_semantics<subcore_parallel>], iteration_bounds = array<i64: 2, 16>, scalar_prefetch = 0 : i64, scratch_operands = 3 : i64, tpu.core_type = #tpu.core_type<sc_vector_subcore>, window_params = [{transform_indices = #map}, {transform_indices = #map1}, {transform_indices = #map}]} {
    %mul3A = arith.constant 2 : i32
    %mul3A_0 = arith.muli %arg1, %mul3A : i32
    %add3A = arith.addi %mul3A_0, %arg0 : i32
    %mul3A_1 = arith.constant 2048 : i32
    %mul3A_2 = arith.muli %add3A, %mul3A_1 : i32
    %scan3A = arith.constant 0 : i32
    %scan3A_3 = arith.constant 0 : i32
    %scan3A_4 = arith.constant 16 : i32
    %scan3A_5 = arith.addi %scan3A_3, %scan3A_4 : i32
    %scan3A_6 = arith.constant 1 : i32
    scf.for %scan3A_8 = %scan3A_3 to %scan3A_5 step %scan3A_6  : i32 {
      %mul3A_9 = arith.constant 128 : i32
      %mul3A_10 = arith.muli %scan3A_8, %mul3A_9 : i32
      %add3A_11 = arith.addi %mul3A_2, %mul3A_10 : i32
      "tpu.region"() ({
        %run_scoped3A = tpu.sem_alloc : memref<!tpu.dma_semaphore, #tpu.memory_space<semaphore_mem>>
        %dma_start3A_16 = tpu.memref_slice %arg3[%add3A_11] : memref<65536xi32, #tpu.memory_space<hbm>> -> memref<128xi32, #tpu.memory_space<hbm>>
        %dma_start3A_17 = tpu.memref_slice %arg3[%add3A_11] : memref<65536xi32, #tpu.memory_space<hbm>> -> memref<128xi32, #tpu.memory_space<hbm>>
        tpu.enqueue_dma source(%dma_start3A_17 : memref<128xi32, #tpu.memory_space<hbm>>) target(%arg5 : memref<128xi32, #tpu.memory_space<vmem>>) target_semaphore(%run_scoped3A : memref<!tpu.dma_semaphore, #tpu.memory_space<semaphore_mem>>)
        %dma_wait3A_18 = tpu.memref_slice %arg3[%add3A_11] : memref<65536xi32, #tpu.memory_space<hbm>> -> memref<128xi32, #tpu.memory_space<hbm>>
        %dma_wait3A_19 = tpu.memref_slice %arg3[%add3A_11] : memref<65536xi32, #tpu.memory_space<hbm>> -> memref<128xi32, #tpu.memory_space<hbm>>
        tpu.wait_dma2 semaphore(%run_scoped3A : memref<!tpu.dma_semaphore, #tpu.memory_space<semaphore_mem>>) src(%dma_wait3A_19 : memref<128xi32, #tpu.memory_space<hbm>>) dst(%arg5 : memref<128xi32, #tpu.memory_space<vmem>>)
        tpu.yield
      }) : () -> ()
      %dma_start3A = arith.constant 0 : i32
      %dma_start3A_12 = arith.constant 0 : i32
      %dma_start3A_13 = tpu.memref_slice %arg2[%dma_start3A, %dma_start3A_12] : memref<65536x64xf32, #tpu.memory_space<hbm>> -> memref<65536x64xf32, #tpu.memory_space<hbm>>
      tpu.enqueue_indirect_dma source(%dma_start3A_13 : memref<65536x64xf32, #tpu.memory_space<hbm>>) target(%arg6 : memref<128x64xf32, #tpu.memory_space<vmem>>) offsets(%arg5 : memref<128xi32, #tpu.memory_space<vmem>>) semaphore(%arg7 : memref<!tpu.dma_semaphore, #tpu.memory_space<semaphore_mem>>)
      %dma_wait3A = arith.constant 0 : i32
      %dma_wait3A_14 = arith.constant 0 : i32
      %dma_wait3A_15 = tpu.memref_slice %arg2[%dma_wait3A, %dma_wait3A_14] : memref<65536x64xf32, #tpu.memory_space<hbm>> -> memref<65536x64xf32, #tpu.memory_space<hbm>>
      tpu.wait_indirect_dma semaphore(%arg7 : memref<!tpu.dma_semaphore, #tpu.memory_space<semaphore_mem>>) src(%dma_wait3A_15 : memref<65536x64xf32, #tpu.memory_space<hbm>>) dst(%arg6 : memref<128x64xf32, #tpu.memory_space<vmem>>)
      "tpu.region"() ({
        %run_scoped3A = tpu.sem_alloc : memref<!tpu.dma_semaphore, #tpu.memory_space<semaphore_mem>>
        %dma_start3A_16 = arith.constant 0 : i32
        %dma_start3A_17 = tpu.memref_slice %arg4[%add3A_11, %dma_start3A_16] : memref<65536x64xf32, #tpu.memory_space<hbm>> -> memref<128x64xf32, #tpu.memory_space<hbm>>
        %dma_start3A_18 = arith.constant 0 : i32
        %dma_start3A_19 = tpu.memref_slice %arg4[%add3A_11, %dma_start3A_18] : memref<65536x64xf32, #tpu.memory_space<hbm>> -> memref<128x64xf32, #tpu.memory_space<hbm>>
        tpu.enqueue_dma source(%arg6 : memref<128x64xf32, #tpu.memory_space<vmem>>) target(%dma_start3A_19 : memref<128x64xf32, #tpu.memory_space<hbm>>) target_semaphore(%run_scoped3A : memref<!tpu.dma_semaphore, #tpu.memory_space<semaphore_mem>>)
        %dma_wait3A_20 = arith.constant 0 : i32
        %dma_wait3A_21 = tpu.memref_slice %arg4[%add3A_11, %dma_wait3A_20] : memref<65536x64xf32, #tpu.memory_space<hbm>> -> memref<128x64xf32, #tpu.memory_space<hbm>>
        %dma_wait3A_22 = arith.constant 0 : i32
        %dma_wait3A_23 = tpu.memref_slice %arg4[%add3A_11, %dma_wait3A_22] : memref<65536x64xf32, #tpu.memory_space<hbm>> -> memref<128x64xf32, #tpu.memory_space<hbm>>
        tpu.wait_dma2 semaphore(%run_scoped3A : memref<!tpu.dma_semaphore, #tpu.memory_space<semaphore_mem>>) src(%arg6 : memref<128x64xf32, #tpu.memory_space<vmem>>) dst(%dma_wait3A_23 : memref<128x64xf32, #tpu.memory_space<hbm>>)
        tpu.yield
      }) : () -> ()
    }
    %scan3A_7 = arith.constant 16 : i32
    return
  }
}

#map = affine_map<(d0, d1) -> (0, 0)>
#map1 = affine_map<(d0, d1) -> (0)>
module attributes {stable_mosaic.version = 14 : i64} {
  func.func @gather(%arg0: i32, %arg1: i32, %arg2: memref<65536x64xf32, #tpu.memory_space<hbm>>, %arg3: memref<65536xi32, #tpu.memory_space<hbm>>, %arg4: memref<65536x64xf32, #tpu.memory_space<hbm>>, %arg5: memref<128xi32, #tpu.memory_space<vmem>>, %arg6: memref<128x64xf32, #tpu.memory_space<vmem>>, %arg7: memref<!tpu.dma_semaphore, #tpu.memory_space<semaphore_mem>>) attributes {dimension_semantics = [#tpu.dimension_semantics<core_parallel>, #tpu.dimension_semantics<subcore_parallel>], iteration_bounds = array<i64: 2, 16>, scalar_prefetch = 0 : i64, scratch_operands = 3 : i64, tpu.core_type = #tpu.core_type<sc_vector_subcore>, window_params = [{transform_indices = #map}, {transform_indices = #map1}, {transform_indices = #map}]} {
    %mul3A = arith.constant 2 : i32
    %mul3A_0 = arith.muli %arg1, %mul3A : i32
    %add3A = arith.addi %mul3A_0, %arg0 : i32
    %mul3A_1 = arith.constant 2048 : i32
    %mul3A_2 = arith.muli %add3A, %mul3A_1 : i32
    %scan3A = arith.constant 0 : i32
    %scan3A_3 = arith.constant 0 : i32
    %scan3A_4 = arith.constant 16 : i32
    %scan3A_5 = arith.addi %scan3A_3, %scan3A_4 : i32
    %scan3A_6 = arith.constant 1 : i32
    scf.for %scan3A_8 = %scan3A_3 to %scan3A_5 step %scan3A_6  : i32 {
      %mul3A_9 = arith.constant 128 : i32
      %mul3A_10 = arith.muli %scan3A_8, %mul3A_9 : i32
      %add3A_11 = arith.addi %mul3A_2, %mul3A_10 : i32
      "tpu.region"() ({
        %run_scoped3A = tpu.sem_alloc : memref<!tpu.dma_semaphore, #tpu.memory_space<semaphore_mem>>
        %dma_start3A_16 = tpu.memref_slice %arg3[%add3A_11] : memref<65536xi32, #tpu.memory_space<hbm>> -> memref<128xi32, #tpu.memory_space<hbm>>
        %dma_start3A_17 = tpu.memref_slice %arg3[%add3A_11] : memref<65536xi32, #tpu.memory_space<hbm>> -> memref<128xi32, #tpu.memory_space<hbm>>
        tpu.enqueue_dma source(%dma_start3A_17 : memref<128xi32, #tpu.memory_space<hbm>>) target(%arg5 : memref<128xi32, #tpu.memory_space<vmem>>) target_semaphore(%run_scoped3A : memref<!tpu.dma_semaphore, #tpu.memory_space<semaphore_mem>>)
        %dma_wait3A_18 = tpu.memref_slice %arg3[%add3A_11] : memref<65536xi32, #tpu.memory_space<hbm>> -> memref<128xi32, #tpu.memory_space<hbm>>
        %dma_wait3A_19 = tpu.memref_slice %arg3[%add3A_11] : memref<65536xi32, #tpu.memory_space<hbm>> -> memref<128xi32, #tpu.memory_space<hbm>>
        tpu.wait_dma2 semaphore(%run_scoped3A : memref<!tpu.dma_semaphore, #tpu.memory_space<semaphore_mem>>) src(%dma_wait3A_19 : memref<128xi32, #tpu.memory_space<hbm>>) dst(%arg5 : memref<128xi32, #tpu.memory_space<vmem>>)
        tpu.yield
      }) : () -> ()
      %dma_start3A = arith.constant 0 : i32
      %dma_start3A_12 = arith.constant 0 : i32
      %dma_start3A_13 = tpu.memref_slice %arg2[%dma_start3A, %dma_start3A_12] : memref<65536x64xf32, #tpu.memory_space<hbm>> -> memref<65536x64xf32, #tpu.memory_space<hbm>>
      tpu.enqueue_indirect_dma source(%dma_start3A_13 : memref<65536x64xf32, #tpu.memory_space<hbm>>) target(%arg6 : memref<128x64xf32, #tpu.memory_space<vmem>>) offsets(%arg5 : memref<128xi32, #tpu.memory_space<vmem>>) semaphore(%arg7 : memref<!tpu.dma_semaphore, #tpu.memory_space<semaphore_mem>>)
      %dma_wait3A = arith.constant 0 : i32
      %dma_wait3A_14 = arith.constant 0 : i32
      %dma_wait3A_15 = tpu.memref_slice %arg2[%dma_wait3A, %dma_wait3A_14] : memref<65536x64xf32, #tpu.memory_space<hbm>> -> memref<65536x64xf32, #tpu.memory_space<hbm>>
      tpu.wait_indirect_dma semaphore(%arg7 : memref<!tpu.dma_semaphore, #tpu.memory_space<semaphore_mem>>) src(%dma_wait3A_15 : memref<65536x64xf32, #tpu.memory_space<hbm>>) dst(%arg6 : memref<128x64xf32, #tpu.memory_space<vmem>>)
      "tpu.region"() ({
        %run_scoped3A = tpu.sem_alloc : memref<!tpu.dma_semaphore, #tpu.memory_space<semaphore_mem>>
        %dma_start3A_16 = arith.constant 0 : i32
        %dma_start3A_17 = tpu.memref_slice %arg4[%add3A_11, %dma_start3A_16] : memref<65536x64xf32, #tpu.memory_space<hbm>> -> memref<128x64xf32, #tpu.memory_space<hbm>>
        %dma_start3A_18 = arith.constant 0 : i32
        %dma_start3A_19 = tpu.memref_slice %arg4[%add3A_11, %dma_start3A_18] : memref<65536x64xf32, #tpu.memory_space<hbm>> -> memref<128x64xf32, #tpu.memory_space<hbm>>
        tpu.enqueue_dma source(%arg6 : memref<128x64xf32, #tpu.memory_space<vmem>>) target(%dma_start3A_19 : memref<128x64xf32, #tpu.memory_space<hbm>>) target_semaphore(%run_scoped3A : memref<!tpu.dma_semaphore, #tpu.memory_space<semaphore_mem>>)
        %dma_wait3A_20 = arith.constant 0 : i32
        %dma_wait3A_21 = tpu.memref_slice %arg4[%add3A_11, %dma_wait3A_20] : memref<65536x64xf32, #tpu.memory_space<hbm>> -> memref<128x64xf32, #tpu.memory_space<hbm>>
        %dma_wait3A_22 = arith.constant 0 : i32
        %dma_wait3A_23 = tpu.memref_slice %arg4[%add3A_11, %dma_wait3A_22] : memref<65536x64xf32, #tpu.memory_space<hbm>> -> memref<128x64xf32, #tpu.memory_space<hbm>>
        tpu.wait_dma2 semaphore(%run_scoped3A : memref<!tpu.dma_semaphore, #tpu.memory_space<semaphore_mem>>) src(%arg6 : memref<128x64xf32, #tpu.memory_space<vmem>>) dst(%dma_wait3A_23 : memref<128x64xf32, #tpu.memory_space<hbm>>)
        tpu.yield
      }) : () -> ()
    }
    %scan3A_7 = arith.constant 16 : i32
    return
  }
}

#map = affine_map<(d0, d1) -> (0, 0)>
#map1 = affine_map<(d0, d1) -> (0)>
module attributes {stable_mosaic.version = 14 : i64} {
  func.func @gather(%arg0: i32, %arg1: i32, %arg2: memref<65536x64xf32, #tpu.memory_space<hbm>>, %arg3: memref<65536xi32, #tpu.memory_space<hbm>>, %arg4: memref<65536x64xf32, #tpu.memory_space<hbm>>, %arg5: memref<128xi32, #tpu.memory_space<vmem>>, %arg6: memref<128x64xf32, #tpu.memory_space<vmem>>, %arg7: memref<!tpu.dma_semaphore, #tpu.memory_space<semaphore_mem>>) attributes {dimension_semantics = [#tpu.dimension_semantics<core_parallel>, #tpu.dimension_semantics<subcore_parallel>], iteration_bounds = array<i64: 2, 16>, scalar_prefetch = 0 : i64, scratch_operands = 3 : i64, tpu.core_type = #tpu.core_type<sc_vector_subcore>, window_params = [{transform_indices = #map}, {transform_indices = #map1}, {transform_indices = #map}]} {
    %mul3A = arith.constant 2 : i32
    %mul3A_0 = arith.muli %arg1, %mul3A : i32
    %add3A = arith.addi %mul3A_0, %arg0 : i32
    %mul3A_1 = arith.constant 2048 : i32
    %mul3A_2 = arith.muli %add3A, %mul3A_1 : i32
    %scan3A = arith.constant 0 : i32
    %scan3A_3 = arith.constant 0 : i32
    %scan3A_4 = arith.constant 16 : i32
    %scan3A_5 = arith.addi %scan3A_3, %scan3A_4 : i32
    %scan3A_6 = arith.constant 1 : i32
    scf.for %scan3A_8 = %scan3A_3 to %scan3A_5 step %scan3A_6  : i32 {
      %mul3A_9 = arith.constant 128 : i32
      %mul3A_10 = arith.muli %scan3A_8, %mul3A_9 : i32
      %add3A_11 = arith.addi %mul3A_2, %mul3A_10 : i32
      "tpu.region"() ({
        %run_scoped3A = tpu.sem_alloc : memref<!tpu.dma_semaphore, #tpu.memory_space<semaphore_mem>>
        %dma_start3A_16 = tpu.memref_slice %arg3[%add3A_11] : memref<65536xi32, #tpu.memory_space<hbm>> -> memref<128xi32, #tpu.memory_space<hbm>>
        %dma_start3A_17 = tpu.memref_slice %arg3[%add3A_11] : memref<65536xi32, #tpu.memory_space<hbm>> -> memref<128xi32, #tpu.memory_space<hbm>>
        tpu.enqueue_dma source(%dma_start3A_17 : memref<128xi32, #tpu.memory_space<hbm>>) target(%arg5 : memref<128xi32, #tpu.memory_space<vmem>>) target_semaphore(%run_scoped3A : memref<!tpu.dma_semaphore, #tpu.memory_space<semaphore_mem>>)
        %dma_wait3A_18 = tpu.memref_slice %arg3[%add3A_11] : memref<65536xi32, #tpu.memory_space<hbm>> -> memref<128xi32, #tpu.memory_space<hbm>>
        %dma_wait3A_19 = tpu.memref_slice %arg3[%add3A_11] : memref<65536xi32, #tpu.memory_space<hbm>> -> memref<128xi32, #tpu.memory_space<hbm>>
        tpu.wait_dma2 semaphore(%run_scoped3A : memref<!tpu.dma_semaphore, #tpu.memory_space<semaphore_mem>>) src(%dma_wait3A_19 : memref<128xi32, #tpu.memory_space<hbm>>) dst(%arg5 : memref<128xi32, #tpu.memory_space<vmem>>)
        tpu.yield
      }) : () -> ()
      %dma_start3A = arith.constant 0 : i32
      %dma_start3A_12 = arith.constant 0 : i32
      %dma_start3A_13 = tpu.memref_slice %arg2[%dma_start3A, %dma_start3A_12] : memref<65536x64xf32, #tpu.memory_space<hbm>> -> memref<65536x64xf32, #tpu.memory_space<hbm>>
      tpu.enqueue_indirect_dma source(%dma_start3A_13 : memref<65536x64xf32, #tpu.memory_space<hbm>>) target(%arg6 : memref<128x64xf32, #tpu.memory_space<vmem>>) offsets(%arg5 : memref<128xi32, #tpu.memory_space<vmem>>) semaphore(%arg7 : memref<!tpu.dma_semaphore, #tpu.memory_space<semaphore_mem>>)
      %dma_wait3A = arith.constant 0 : i32
      %dma_wait3A_14 = arith.constant 0 : i32
      %dma_wait3A_15 = tpu.memref_slice %arg2[%dma_wait3A, %dma_wait3A_14] : memref<65536x64xf32, #tpu.memory_space<hbm>> -> memref<65536x64xf32, #tpu.memory_space<hbm>>
      tpu.wait_indirect_dma semaphore(%arg7 : memref<!tpu.dma_semaphore, #tpu.memory_space<semaphore_mem>>) src(%dma_wait3A_15 : memref<65536x64xf32, #tpu.memory_space<hbm>>) dst(%arg6 : memref<128x64xf32, #tpu.memory_space<vmem>>)
      "tpu.region"() ({
        %run_scoped3A = tpu.sem_alloc : memref<!tpu.dma_semaphore, #tpu.memory_space<semaphore_mem>>
        %dma_start3A_16 = arith.constant 0 : i32
        %dma_start3A_17 = tpu.memref_slice %arg4[%add3A_11, %dma_start3A_16] : memref<65536x64xf32, #tpu.memory_space<hbm>> -> memref<128x64xf32, #tpu.memory_space<hbm>>
        %dma_start3A_18 = arith.constant 0 : i32
        %dma_start3A_19 = tpu.memref_slice %arg4[%add3A_11, %dma_start3A_18] : memref<65536x64xf32, #tpu.memory_space<hbm>> -> memref<128x64xf32, #tpu.memory_space<hbm>>
        tpu.enqueue_dma source(%arg6 : memref<128x64xf32, #tpu.memory_space<vmem>>) target(%dma_start3A_19 : memref<128x64xf32, #tpu.memory_space<hbm>>) target_semaphore(%run_scoped3A : memref<!tpu.dma_semaphore, #tpu.memory_space<semaphore_mem>>)
        %dma_wait3A_20 = arith.constant 0 : i32
        %dma_wait3A_21 = tpu.memref_slice %arg4[%add3A_11, %dma_wait3A_20] : memref<65536x64xf32, #tpu.memory_space<hbm>> -> memref<128x64xf32, #tpu.memory_space<hbm>>
        %dma_wait3A_22 = arith.constant 0 : i32
        %dma_wait3A_23 = tpu.memref_slice %arg4[%add3A_11, %dma_wait3A_22] : memref<65536x64xf32, #tpu.memory_space<hbm>> -> memref<128x64xf32, #tpu.memory_space<hbm>>
        tpu.wait_dma2 semaphore(%run_scoped3A : memref<!tpu.dma_semaphore, #tpu.memory_space<semaphore_mem>>) src(%arg6 : memref<128x64xf32, #tpu.memory_space<vmem>>) dst(%dma_wait3A_23 : memref<128x64xf32, #tpu.memory_space<hbm>>)
        tpu.yield
      }) : () -> ()
    }
    %scan3A_7 = arith.constant 16 : i32
    return
  }
}

#map = affine_map<(d0, d1) -> (0, 0)>
#map1 = affine_map<(d0, d1) -> (0)>
module attributes {stable_mosaic.version = 14 : i64} {
  func.func @gather(%arg0: i32, %arg1: i32, %arg2: memref<65536x64xf32, #tpu.memory_space<hbm>>, %arg3: memref<65536xi32, #tpu.memory_space<hbm>>, %arg4: memref<65536x64xf32, #tpu.memory_space<hbm>>, %arg5: memref<128xi32, #tpu.memory_space<vmem>>, %arg6: memref<128x64xf32, #tpu.memory_space<vmem>>, %arg7: memref<!tpu.dma_semaphore, #tpu.memory_space<semaphore_mem>>) attributes {dimension_semantics = [#tpu.dimension_semantics<core_parallel>, #tpu.dimension_semantics<subcore_parallel>], iteration_bounds = array<i64: 2, 16>, scalar_prefetch = 0 : i64, scratch_operands = 3 : i64, tpu.core_type = #tpu.core_type<sc_vector_subcore>, window_params = [{transform_indices = #map}, {transform_indices = #map1}, {transform_indices = #map}]} {
    %mul3A = arith.constant 2 : i32
    %mul3A_0 = arith.muli %arg1, %mul3A : i32
    %add3A = arith.addi %mul3A_0, %arg0 : i32
    %mul3A_1 = arith.constant 2048 : i32
    %mul3A_2 = arith.muli %add3A, %mul3A_1 : i32
    %scan3A = arith.constant 0 : i32
    %scan3A_3 = arith.constant 0 : i32
    %scan3A_4 = arith.constant 16 : i32
    %scan3A_5 = arith.addi %scan3A_3, %scan3A_4 : i32
    %scan3A_6 = arith.constant 1 : i32
    scf.for %scan3A_8 = %scan3A_3 to %scan3A_5 step %scan3A_6  : i32 {
      %mul3A_9 = arith.constant 128 : i32
      %mul3A_10 = arith.muli %scan3A_8, %mul3A_9 : i32
      %add3A_11 = arith.addi %mul3A_2, %mul3A_10 : i32
      "tpu.region"() ({
        %run_scoped3A = tpu.sem_alloc : memref<!tpu.dma_semaphore, #tpu.memory_space<semaphore_mem>>
        %dma_start3A_16 = tpu.memref_slice %arg3[%add3A_11] : memref<65536xi32, #tpu.memory_space<hbm>> -> memref<128xi32, #tpu.memory_space<hbm>>
        %dma_start3A_17 = tpu.memref_slice %arg3[%add3A_11] : memref<65536xi32, #tpu.memory_space<hbm>> -> memref<128xi32, #tpu.memory_space<hbm>>
        tpu.enqueue_dma source(%dma_start3A_17 : memref<128xi32, #tpu.memory_space<hbm>>) target(%arg5 : memref<128xi32, #tpu.memory_space<vmem>>) target_semaphore(%run_scoped3A : memref<!tpu.dma_semaphore, #tpu.memory_space<semaphore_mem>>)
        %dma_wait3A_18 = tpu.memref_slice %arg3[%add3A_11] : memref<65536xi32, #tpu.memory_space<hbm>> -> memref<128xi32, #tpu.memory_space<hbm>>
        %dma_wait3A_19 = tpu.memref_slice %arg3[%add3A_11] : memref<65536xi32, #tpu.memory_space<hbm>> -> memref<128xi32, #tpu.memory_space<hbm>>
        tpu.wait_dma2 semaphore(%run_scoped3A : memref<!tpu.dma_semaphore, #tpu.memory_space<semaphore_mem>>) src(%dma_wait3A_19 : memref<128xi32, #tpu.memory_space<hbm>>) dst(%arg5 : memref<128xi32, #tpu.memory_space<vmem>>)
        tpu.yield
      }) : () -> ()
      %dma_start3A = arith.constant 0 : i32
      %dma_start3A_12 = arith.constant 0 : i32
      %dma_start3A_13 = tpu.memref_slice %arg2[%dma_start3A, %dma_start3A_12] : memref<65536x64xf32, #tpu.memory_space<hbm>> -> memref<65536x64xf32, #tpu.memory_space<hbm>>
      tpu.enqueue_indirect_dma source(%dma_start3A_13 : memref<65536x64xf32, #tpu.memory_space<hbm>>) target(%arg6 : memref<128x64xf32, #tpu.memory_space<vmem>>) offsets(%arg5 : memref<128xi32, #tpu.memory_space<vmem>>) semaphore(%arg7 : memref<!tpu.dma_semaphore, #tpu.memory_space<semaphore_mem>>)
      %dma_wait3A = arith.constant 0 : i32
      %dma_wait3A_14 = arith.constant 0 : i32
      %dma_wait3A_15 = tpu.memref_slice %arg2[%dma_wait3A, %dma_wait3A_14] : memref<65536x64xf32, #tpu.memory_space<hbm>> -> memref<65536x64xf32, #tpu.memory_space<hbm>>
      tpu.wait_indirect_dma semaphore(%arg7 : memref<!tpu.dma_semaphore, #tpu.memory_space<semaphore_mem>>) src(%dma_wait3A_15 : memref<65536x64xf32, #tpu.memory_space<hbm>>) dst(%arg6 : memref<128x64xf32, #tpu.memory_space<vmem>>)
      "tpu.region"() ({
        %run_scoped3A = tpu.sem_alloc : memref<!tpu.dma_semaphore, #tpu.memory_space<semaphore_mem>>
        %dma_start3A_16 = arith.constant 0 : i32
        %dma_start3A_17 = tpu.memref_slice %arg4[%add3A_11, %dma_start3A_16] : memref<65536x64xf32, #tpu.memory_space<hbm>> -> memref<128x64xf32, #tpu.memory_space<hbm>>
        %dma_start3A_18 = arith.constant 0 : i32
        %dma_start3A_19 = tpu.memref_slice %arg4[%add3A_11, %dma_start3A_18] : memref<65536x64xf32, #tpu.memory_space<hbm>> -> memref<128x64xf32, #tpu.memory_space<hbm>>
        tpu.enqueue_dma source(%arg6 : memref<128x64xf32, #tpu.memory_space<vmem>>) target(%dma_start3A_19 : memref<128x64xf32, #tpu.memory_space<hbm>>) target_semaphore(%run_scoped3A : memref<!tpu.dma_semaphore, #tpu.memory_space<semaphore_mem>>)
        %dma_wait3A_20 = arith.constant 0 : i32
        %dma_wait3A_21 = tpu.memref_slice %arg4[%add3A_11, %dma_wait3A_20] : memref<65536x64xf32, #tpu.memory_space<hbm>> -> memref<128x64xf32, #tpu.memory_space<hbm>>
        %dma_wait3A_22 = arith.constant 0 : i32
        %dma_wait3A_23 = tpu.memref_slice %arg4[%add3A_11, %dma_wait3A_22] : memref<65536x64xf32, #tpu.memory_space<hbm>> -> memref<128x64xf32, #tpu.memory_space<hbm>>
        tpu.wait_dma2 semaphore(%run_scoped3A : memref<!tpu.dma_semaphore, #tpu.memory_space<semaphore_mem>>) src(%arg6 : memref<128x64xf32, #tpu.memory_space<vmem>>) dst(%dma_wait3A_23 : memref<128x64xf32, #tpu.memory_space<hbm>>)
        tpu.yield
      }) : () -> ()
    }
    %scan3A_7 = arith.constant 16 : i32
    return
  }
}

module attributes {stable_mosaic.version = 14 : i64} {
  func.func @body(%arg0: i32, %arg1: i32, %arg2: memref<1x64x4096xf32, #tpu.memory_space<vmem>>, %arg3: memref<1x256x64xf32, #tpu.memory_space<vmem>>, %arg4: memref<1x16x256xi32, #tpu.memory_space<vmem>>) attributes {dimension_semantics = [#tpu.dimension_semantics<arbitrary>, #tpu.dimension_semantics<arbitrary>], iteration_bounds = array<i64: 4, 4>, scalar_prefetch = 0 : i64, scratch_operands = 0 : i64, tpu.core_type = #tpu.core_type<tc>, window_params = [{transform_indices = @transform_0, window_bounds = array<i64: 1, 64, 4096>}, {transform_indices = @transform_1, window_bounds = array<i64: 1, 256, 64>}, {transform_indices = @transform_2, window_bounds = array<i64: 1, 16, 256>}]} {
    %add3A = arith.constant 0 : i32
    %add3A_0 = arith.addi %arg0, %add3A : i32
    %get3A = arith.constant 0 : index
    %get3A_1 = arith.constant 0 : index
    %get3A_2 = arith.constant 0 : index
    %get3A_3 = vector.load %arg2[%get3A, %get3A_1, %get3A_2] : memref<1x64x4096xf32, #tpu.memory_space<vmem>>, vector<1x64x4096xf32>
    %get3A_4 = vector.shape_cast %get3A_3 : vector<1x64x4096xf32> to vector<64x4096xf32>
    %get3A_5 = arith.constant 0 : index
    %get3A_6 = arith.constant 0 : index
    %get3A_7 = arith.constant 0 : index
    %get3A_8 = vector.load %arg3[%get3A_5, %get3A_6, %get3A_7] : memref<1x256x64xf32, #tpu.memory_space<vmem>>, vector<1x256x64xf32>
    %get3A_9 = vector.shape_cast %get3A_8 : vector<1x256x64xf32> to vector<256x64xf32>
    %dot_general3A = arith.constant dense<0.000000e+00> : vector<256x4096xf32>
    %dot_general3A_10 = tpu.matmul %get3A_9, %get3A_4, %dot_general3A {dimension_numbers = #tpu.dot_dimension_numbers<[1], [0], [0], [1], [0, 0, 1, 1], [], []>, transpose_lhs_hint = false} : vector<256x64xf32>, vector<64x4096xf32>, vector<256x4096xf32> -> vector<256x4096xf32>
    %mul3A = arith.constant -2.000000e+00 : f32
    %mul3A_11 = vector.broadcast %mul3A : f32 to vector<256x4096xf32>
    %mul3A_12 = arith.mulf %mul3A_11, %dot_general3A_10 : vector<256x4096xf32>
    %mul3A_13 = arith.mulf %get3A_4, %get3A_4 : vector<64x4096xf32>
    %reduce_sum3A = arith.constant dense<0.000000e+00> : vector<4096xf32>
    %reduce_sum3A_14 = vector.multi_reduction <add>, %mul3A_13, %reduce_sum3A [0] : vector<64x4096xf32> to vector<4096xf32>
    %broadcast_in_dim3A = vector.shape_cast %reduce_sum3A_14 : vector<4096xf32> to vector<1x4096xf32>
    %mul3A_15 = arith.mulf %get3A_9, %get3A_9 : vector<256x64xf32>
    %reduce_sum3A_16 = arith.constant dense<0.000000e+00> : vector<256xf32>
    %reduce_sum3A_17 = vector.multi_reduction <add>, %mul3A_15, %reduce_sum3A_16 [1] : vector<256x64xf32> to vector<256xf32>
    %broadcast_in_dim3A_18 = vector.shape_cast %reduce_sum3A_17 : vector<256xf32> to vector<256x1xf32>
    %neg3A = arith.constant 0.000000e+00 : f32
    %neg3A_19 = vector.broadcast %neg3A : f32 to vector<1x4096xf32>
    %neg3A_20 = arith.subf %neg3A_19, %broadcast_in_dim3A : vector<1x4096xf32>
    %sub3A = vector.broadcast %neg3A_20 : vector<1x4096xf32> to vector<256x4096xf32>
    %sub3A_21 = arith.subf %sub3A, %mul3A_12 : vector<256x4096xf32>
    %sub3A_22 = vector.broadcast %broadcast_in_dim3A_18 : vector<256x1xf32> to vector<256x4096xf32>
    %sub3A_23 = arith.subf %sub3A_21, %sub3A_22 : vector<256x4096xf32>
    %iota3A = tpu.iota {dimensions = array<i32: 1>} : vector<256x4096xi32>
    %iota3A_24 = tpu.iota {dimensions = array<i32: 1>} : vector<256x16xi32>
    %broadcast_in_dim3A_25 = arith.constant 0 : i32
    %broadcast_in_dim3A_26 = vector.broadcast %broadcast_in_dim3A_25 : i32 to vector<256x16xi32>
    %argmax3A = tpu.reduce_index %sub3A_23 {axis = 1 : i32, kind = #tpu.reduction_kind<arg_max>} : vector<256x4096xf32> -> vector<256xi32>
    %broadcast_in_dim3A_27 = vector.shape_cast %argmax3A : vector<256xi32> to vector<256x1xi32>
    %eq3A = arith.constant 0 : i32
    %eq3A_28 = vector.broadcast %eq3A : i32 to vector<256x16xi32>
    %eq3A_29 = arith.cmpi eq, %iota3A_24, %eq3A_28 : vector<256x16xi32>
    %broadcast_in_dim3A_30 = vector.shape_cast %broadcast_in_dim3A_27 : vector<256x1xi32> to vector<256x1xi32>
    %broadcast_in_dim3A_31 = vector.broadcast %broadcast_in_dim3A_30 : vector<256x1xi32> to vector<256x16xi32>
    %select_n3A = arith.select %eq3A_29, %broadcast_in_dim3A_31, %broadcast_in_dim3A_26 : vector<256x16xi1>, vector<256x16xi32>
    %eq3A_32 = vector.broadcast %broadcast_in_dim3A_27 : vector<256x1xi32> to vector<256x4096xi32>
    %eq3A_33 = arith.cmpi eq, %iota3A, %eq3A_32 : vector<256x4096xi32>
    %jit3A = arith.constant 0xFF800000 : f32
    %broadcast_in_dim3A_34 = vector.broadcast %jit3A : f32 to vector<256x4096xf32>
    %select_n3A_35 = arith.select %eq3A_33, %broadcast_in_dim3A_34, %sub3A_23 : vector<256x4096xi1>, vector<256x4096xf32>
    %argmax3A_36 = tpu.reduce_index %select_n3A_35 {axis = 1 : i32, kind = #tpu.reduction_kind<arg_max>} : vector<256x4096xf32> -> vector<256xi32>
    %broadcast_in_dim3A_37 = vector.shape_cast %argmax3A_36 : vector<256xi32> to vector<256x1xi32>
    %eq3A_38 = arith.constant 1 : i32
    %eq3A_39 = vector.broadcast %eq3A_38 : i32 to vector<256x16xi32>
    %eq3A_40 = arith.cmpi eq, %iota3A_24, %eq3A_39 : vector<256x16xi32>
    %broadcast_in_dim3A_41 = vector.shape_cast %broadcast_in_dim3A_37 : vector<256x1xi32> to vector<256x1xi32>
    %broadcast_in_dim3A_42 = vector.broadcast %broadcast_in_dim3A_41 : vector<256x1xi32> to vector<256x16xi32>
    %select_n3A_43 = arith.select %eq3A_40, %broadcast_in_dim3A_42, %select_n3A : vector<256x16xi1>, vector<256x16xi32>
    %eq3A_44 = vector.broadcast %broadcast_in_dim3A_37 : vector<256x1xi32> to vector<256x4096xi32>
    %eq3A_45 = arith.cmpi eq, %iota3A, %eq3A_44 : vector<256x4096xi32>
    %jit3A_46 = arith.constant 0xFF800000 : f32
    %broadcast_in_dim3A_47 = vector.broadcast %jit3A_46 : f32 to vector<256x4096xf32>
    %select_n3A_48 = arith.select %eq3A_45, %broadcast_in_dim3A_47, %select_n3A_35 : vector<256x4096xi1>, vector<256x4096xf32>
    %argmax3A_49 = tpu.reduce_index %select_n3A_48 {axis = 1 : i32, kind = #tpu.reduction_kind<arg_max>} : vector<256x4096xf32> -> vector<256xi32>
    %broadcast_in_dim3A_50 = vector.shape_cast %argmax3A_49 : vector<256xi32> to vector<256x1xi32>
    %eq3A_51 = arith.constant 2 : i32
    %eq3A_52 = vector.broadcast %eq3A_51 : i32 to vector<256x16xi32>
    %eq3A_53 = arith.cmpi eq, %iota3A_24, %eq3A_52 : vector<256x16xi32>
    %broadcast_in_dim3A_54 = vector.shape_cast %broadcast_in_dim3A_50 : vector<256x1xi32> to vector<256x1xi32>
    %broadcast_in_dim3A_55 = vector.broadcast %broadcast_in_dim3A_54 : vector<256x1xi32> to vector<256x16xi32>
    %select_n3A_56 = arith.select %eq3A_53, %broadcast_in_dim3A_55, %select_n3A_43 : vector<256x16xi1>, vector<256x16xi32>
    %eq3A_57 = vector.broadcast %broadcast_in_dim3A_50 : vector<256x1xi32> to vector<256x4096xi32>
    %eq3A_58 = arith.cmpi eq, %iota3A, %eq3A_57 : vector<256x4096xi32>
    %jit3A_59 = arith.constant 0xFF800000 : f32
    %broadcast_in_dim3A_60 = vector.broadcast %jit3A_59 : f32 to vector<256x4096xf32>
    %select_n3A_61 = arith.select %eq3A_58, %broadcast_in_dim3A_60, %select_n3A_48 : vector<256x4096xi1>, vector<256x4096xf32>
    %argmax3A_62 = tpu.reduce_index %select_n3A_61 {axis = 1 : i32, kind = #tpu.reduction_kind<arg_max>} : vector<256x4096xf32> -> vector<256xi32>
    %broadcast_in_dim3A_63 = vector.shape_cast %argmax3A_62 : vector<256xi32> to vector<256x1xi32>
    %eq3A_64 = arith.constant 3 : i32
    %eq3A_65 = vector.broadcast %eq3A_64 : i32 to vector<256x16xi32>
    %eq3A_66 = arith.cmpi eq, %iota3A_24, %eq3A_65 : vector<256x16xi32>
    %broadcast_in_dim3A_67 = vector.shape_cast %broadcast_in_dim3A_63 : vector<256x1xi32> to vector<256x1xi32>
    %broadcast_in_dim3A_68 = vector.broadcast %broadcast_in_dim3A_67 : vector<256x1xi32> to vector<256x16xi32>
    %select_n3A_69 = arith.select %eq3A_66, %broadcast_in_dim3A_68, %select_n3A_56 : vector<256x16xi1>, vector<256x16xi32>
    %eq3A_70 = vector.broadcast %broadcast_in_dim3A_63 : vector<256x1xi32> to vector<256x4096xi32>
    %eq3A_71 = arith.cmpi eq, %iota3A, %eq3A_70 : vector<256x4096xi32>
    %jit3A_72 = arith.constant 0xFF800000 : f32
    %broadcast_in_dim3A_73 = vector.broadcast %jit3A_72 : f32 to vector<256x4096xf32>
    %select_n3A_74 = arith.select %eq3A_71, %broadcast_in_dim3A_73, %select_n3A_61 : vector<256x4096xi1>, vector<256x4096xf32>
    %argmax3A_75 = tpu.reduce_index %select_n3A_74 {axis = 1 : i32, kind = #tpu.reduction_kind<arg_max>} : vector<256x4096xf32> -> vector<256xi32>
    %broadcast_in_dim3A_76 = vector.shape_cast %argmax3A_75 : vector<256xi32> to vector<256x1xi32>
    %eq3A_77 = arith.constant 4 : i32
    %eq3A_78 = vector.broadcast %eq3A_77 : i32 to vector<256x16xi32>
    %eq3A_79 = arith.cmpi eq, %iota3A_24, %eq3A_78 : vector<256x16xi32>
    %broadcast_in_dim3A_80 = vector.shape_cast %broadcast_in_dim3A_76 : vector<256x1xi32> to vector<256x1xi32>
    %broadcast_in_dim3A_81 = vector.broadcast %broadcast_in_dim3A_80 : vector<256x1xi32> to vector<256x16xi32>
    %select_n3A_82 = arith.select %eq3A_79, %broadcast_in_dim3A_81, %select_n3A_69 : vector<256x16xi1>, vector<256x16xi32>
    %eq3A_83 = vector.broadcast %broadcast_in_dim3A_76 : vector<256x1xi32> to vector<256x4096xi32>
    %eq3A_84 = arith.cmpi eq, %iota3A, %eq3A_83 : vector<256x4096xi32>
    %jit3A_85 = arith.constant 0xFF800000 : f32
    %broadcast_in_dim3A_86 = vector.broadcast %jit3A_85 : f32 to vector<256x4096xf32>
    %select_n3A_87 = arith.select %eq3A_84, %broadcast_in_dim3A_86, %select_n3A_74 : vector<256x4096xi1>, vector<256x4096xf32>
    %argmax3A_88 = tpu.reduce_index %select_n3A_87 {axis = 1 : i32, kind = #tpu.reduction_kind<arg_max>} : vector<256x4096xf32> -> vector<256xi32>
    %broadcast_in_dim3A_89 = vector.shape_cast %argmax3A_88 : vector<256xi32> to vector<256x1xi32>
    %eq3A_90 = arith.constant 5 : i32
    %eq3A_91 = vector.broadcast %eq3A_90 : i32 to vector<256x16xi32>
    %eq3A_92 = arith.cmpi eq, %iota3A_24, %eq3A_91 : vector<256x16xi32>
    %broadcast_in_dim3A_93 = vector.shape_cast %broadcast_in_dim3A_89 : vector<256x1xi32> to vector<256x1xi32>
    %broadcast_in_dim3A_94 = vector.broadcast %broadcast_in_dim3A_93 : vector<256x1xi32> to vector<256x16xi32>
    %select_n3A_95 = arith.select %eq3A_92, %broadcast_in_dim3A_94, %select_n3A_82 : vector<256x16xi1>, vector<256x16xi32>
    %eq3A_96 = vector.broadcast %broadcast_in_dim3A_89 : vector<256x1xi32> to vector<256x4096xi32>
    %eq3A_97 = arith.cmpi eq, %iota3A, %eq3A_96 : vector<256x4096xi32>
    %jit3A_98 = arith.constant 0xFF800000 : f32
    %broadcast_in_dim3A_99 = vector.broadcast %jit3A_98 : f32 to vector<256x4096xf32>
    %select_n3A_100 = arith.select %eq3A_97, %broadcast_in_dim3A_99, %select_n3A_87 : vector<256x4096xi1>, vector<256x4096xf32>
    %argmax3A_101 = tpu.reduce_index %select_n3A_100 {axis = 1 : i32, kind = #tpu.reduction_kind<arg_max>} : vector<256x4096xf32> -> vector<256xi32>
    %broadcast_in_dim3A_102 = vector.shape_cast %argmax3A_101 : vector<256xi32> to vector<256x1xi32>
    %eq3A_103 = arith.constant 6 : i32
    %eq3A_104 = vector.broadcast %eq3A_103 : i32 to vector<256x16xi32>
    %eq3A_105 = arith.cmpi eq, %iota3A_24, %eq3A_104 : vector<256x16xi32>
    %broadcast_in_dim3A_106 = vector.shape_cast %broadcast_in_dim3A_102 : vector<256x1xi32> to vector<256x1xi32>
    %broadcast_in_dim3A_107 = vector.broadcast %broadcast_in_dim3A_106 : vector<256x1xi32> to vector<256x16xi32>
    %select_n3A_108 = arith.select %eq3A_105, %broadcast_in_dim3A_107, %select_n3A_95 : vector<256x16xi1>, vector<256x16xi32>
    %eq3A_109 = vector.broadcast %broadcast_in_dim3A_102 : vector<256x1xi32> to vector<256x4096xi32>
    %eq3A_110 = arith.cmpi eq, %iota3A, %eq3A_109 : vector<256x4096xi32>
    %jit3A_111 = arith.constant 0xFF800000 : f32
    %broadcast_in_dim3A_112 = vector.broadcast %jit3A_111 : f32 to vector<256x4096xf32>
    %select_n3A_113 = arith.select %eq3A_110, %broadcast_in_dim3A_112, %select_n3A_100 : vector<256x4096xi1>, vector<256x4096xf32>
    %argmax3A_114 = tpu.reduce_index %select_n3A_113 {axis = 1 : i32, kind = #tpu.reduction_kind<arg_max>} : vector<256x4096xf32> -> vector<256xi32>
    %broadcast_in_dim3A_115 = vector.shape_cast %argmax3A_114 : vector<256xi32> to vector<256x1xi32>
    %eq3A_116 = arith.constant 7 : i32
    %eq3A_117 = vector.broadcast %eq3A_116 : i32 to vector<256x16xi32>
    %eq3A_118 = arith.cmpi eq, %iota3A_24, %eq3A_117 : vector<256x16xi32>
    %broadcast_in_dim3A_119 = vector.shape_cast %broadcast_in_dim3A_115 : vector<256x1xi32> to vector<256x1xi32>
    %broadcast_in_dim3A_120 = vector.broadcast %broadcast_in_dim3A_119 : vector<256x1xi32> to vector<256x16xi32>
    %select_n3A_121 = arith.select %eq3A_118, %broadcast_in_dim3A_120, %select_n3A_108 : vector<256x16xi1>, vector<256x16xi32>
    %eq3A_122 = vector.broadcast %broadcast_in_dim3A_115 : vector<256x1xi32> to vector<256x4096xi32>
    %eq3A_123 = arith.cmpi eq, %iota3A, %eq3A_122 : vector<256x4096xi32>
    %jit3A_124 = arith.constant 0xFF800000 : f32
    %broadcast_in_dim3A_125 = vector.broadcast %jit3A_124 : f32 to vector<256x4096xf32>
    %select_n3A_126 = arith.select %eq3A_123, %broadcast_in_dim3A_125, %select_n3A_113 : vector<256x4096xi1>, vector<256x4096xf32>
    %argmax3A_127 = tpu.reduce_index %select_n3A_126 {axis = 1 : i32, kind = #tpu.reduction_kind<arg_max>} : vector<256x4096xf32> -> vector<256xi32>
    %broadcast_in_dim3A_128 = vector.shape_cast %argmax3A_127 : vector<256xi32> to vector<256x1xi32>
    %eq3A_129 = arith.constant 8 : i32
    %eq3A_130 = vector.broadcast %eq3A_129 : i32 to vector<256x16xi32>
    %eq3A_131 = arith.cmpi eq, %iota3A_24, %eq3A_130 : vector<256x16xi32>
    %broadcast_in_dim3A_132 = vector.shape_cast %broadcast_in_dim3A_128 : vector<256x1xi32> to vector<256x1xi32>
    %broadcast_in_dim3A_133 = vector.broadcast %broadcast_in_dim3A_132 : vector<256x1xi32> to vector<256x16xi32>
    %select_n3A_134 = arith.select %eq3A_131, %broadcast_in_dim3A_133, %select_n3A_121 : vector<256x16xi1>, vector<256x16xi32>
    %eq3A_135 = vector.broadcast %broadcast_in_dim3A_128 : vector<256x1xi32> to vector<256x4096xi32>
    %eq3A_136 = arith.cmpi eq, %iota3A, %eq3A_135 : vector<256x4096xi32>
    %jit3A_137 = arith.constant 0xFF800000 : f32
    %broadcast_in_dim3A_138 = vector.broadcast %jit3A_137 : f32 to vector<256x4096xf32>
    %select_n3A_139 = arith.select %eq3A_136, %broadcast_in_dim3A_138, %select_n3A_126 : vector<256x4096xi1>, vector<256x4096xf32>
    %argmax3A_140 = tpu.reduce_index %select_n3A_139 {axis = 1 : i32, kind = #tpu.reduction_kind<arg_max>} : vector<256x4096xf32> -> vector<256xi32>
    %broadcast_in_dim3A_141 = vector.shape_cast %argmax3A_140 : vector<256xi32> to vector<256x1xi32>
    %eq3A_142 = arith.constant 9 : i32
    %eq3A_143 = vector.broadcast %eq3A_142 : i32 to vector<256x16xi32>
    %eq3A_144 = arith.cmpi eq, %iota3A_24, %eq3A_143 : vector<256x16xi32>
    %broadcast_in_dim3A_145 = vector.shape_cast %broadcast_in_dim3A_141 : vector<256x1xi32> to vector<256x1xi32>
    %broadcast_in_dim3A_146 = vector.broadcast %broadcast_in_dim3A_145 : vector<256x1xi32> to vector<256x16xi32>
    %select_n3A_147 = arith.select %eq3A_144, %broadcast_in_dim3A_146, %select_n3A_134 : vector<256x16xi1>, vector<256x16xi32>
    %eq3A_148 = vector.broadcast %broadcast_in_dim3A_141 : vector<256x1xi32> to vector<256x4096xi32>
    %eq3A_149 = arith.cmpi eq, %iota3A, %eq3A_148 : vector<256x4096xi32>
    %jit3A_150 = arith.constant 0xFF800000 : f32
    %broadcast_in_dim3A_151 = vector.broadcast %jit3A_150 : f32 to vector<256x4096xf32>
    %select_n3A_152 = arith.select %eq3A_149, %broadcast_in_dim3A_151, %select_n3A_139 : vector<256x4096xi1>, vector<256x4096xf32>
    %argmax3A_153 = tpu.reduce_index %select_n3A_152 {axis = 1 : i32, kind = #tpu.reduction_kind<arg_max>} : vector<256x4096xf32> -> vector<256xi32>
    %broadcast_in_dim3A_154 = vector.shape_cast %argmax3A_153 : vector<256xi32> to vector<256x1xi32>
    %eq3A_155 = arith.constant 10 : i32
    %eq3A_156 = vector.broadcast %eq3A_155 : i32 to vector<256x16xi32>
    %eq3A_157 = arith.cmpi eq, %iota3A_24, %eq3A_156 : vector<256x16xi32>
    %broadcast_in_dim3A_158 = vector.shape_cast %broadcast_in_dim3A_154 : vector<256x1xi32> to vector<256x1xi32>
    %broadcast_in_dim3A_159 = vector.broadcast %broadcast_in_dim3A_158 : vector<256x1xi32> to vector<256x16xi32>
    %select_n3A_160 = arith.select %eq3A_157, %broadcast_in_dim3A_159, %select_n3A_147 : vector<256x16xi1>, vector<256x16xi32>
    %eq3A_161 = vector.broadcast %broadcast_in_dim3A_154 : vector<256x1xi32> to vector<256x4096xi32>
    %eq3A_162 = arith.cmpi eq, %iota3A, %eq3A_161 : vector<256x4096xi32>
    %jit3A_163 = arith.constant 0xFF800000 : f32
    %broadcast_in_dim3A_164 = vector.broadcast %jit3A_163 : f32 to vector<256x4096xf32>
    %select_n3A_165 = arith.select %eq3A_162, %broadcast_in_dim3A_164, %select_n3A_152 : vector<256x4096xi1>, vector<256x4096xf32>
    %argmax3A_166 = tpu.reduce_index %select_n3A_165 {axis = 1 : i32, kind = #tpu.reduction_kind<arg_max>} : vector<256x4096xf32> -> vector<256xi32>
    %broadcast_in_dim3A_167 = vector.shape_cast %argmax3A_166 : vector<256xi32> to vector<256x1xi32>
    %eq3A_168 = arith.constant 11 : i32
    %eq3A_169 = vector.broadcast %eq3A_168 : i32 to vector<256x16xi32>
    %eq3A_170 = arith.cmpi eq, %iota3A_24, %eq3A_169 : vector<256x16xi32>
    %broadcast_in_dim3A_171 = vector.shape_cast %broadcast_in_dim3A_167 : vector<256x1xi32> to vector<256x1xi32>
    %broadcast_in_dim3A_172 = vector.broadcast %broadcast_in_dim3A_171 : vector<256x1xi32> to vector<256x16xi32>
    %select_n3A_173 = arith.select %eq3A_170, %broadcast_in_dim3A_172, %select_n3A_160 : vector<256x16xi1>, vector<256x16xi32>
    %eq3A_174 = vector.broadcast %broadcast_in_dim3A_167 : vector<256x1xi32> to vector<256x4096xi32>
    %eq3A_175 = arith.cmpi eq, %iota3A, %eq3A_174 : vector<256x4096xi32>
    %jit3A_176 = arith.constant 0xFF800000 : f32
    %broadcast_in_dim3A_177 = vector.broadcast %jit3A_176 : f32 to vector<256x4096xf32>
    %select_n3A_178 = arith.select %eq3A_175, %broadcast_in_dim3A_177, %select_n3A_165 : vector<256x4096xi1>, vector<256x4096xf32>
    %argmax3A_179 = tpu.reduce_index %select_n3A_178 {axis = 1 : i32, kind = #tpu.reduction_kind<arg_max>} : vector<256x4096xf32> -> vector<256xi32>
    %broadcast_in_dim3A_180 = vector.shape_cast %argmax3A_179 : vector<256xi32> to vector<256x1xi32>
    %eq3A_181 = arith.constant 12 : i32
    %eq3A_182 = vector.broadcast %eq3A_181 : i32 to vector<256x16xi32>
    %eq3A_183 = arith.cmpi eq, %iota3A_24, %eq3A_182 : vector<256x16xi32>
    %broadcast_in_dim3A_184 = vector.shape_cast %broadcast_in_dim3A_180 : vector<256x1xi32> to vector<256x1xi32>
    %broadcast_in_dim3A_185 = vector.broadcast %broadcast_in_dim3A_184 : vector<256x1xi32> to vector<256x16xi32>
    %select_n3A_186 = arith.select %eq3A_183, %broadcast_in_dim3A_185, %select_n3A_173 : vector<256x16xi1>, vector<256x16xi32>
    %eq3A_187 = vector.broadcast %broadcast_in_dim3A_180 : vector<256x1xi32> to vector<256x4096xi32>
    %eq3A_188 = arith.cmpi eq, %iota3A, %eq3A_187 : vector<256x4096xi32>
    %jit3A_189 = arith.constant 0xFF800000 : f32
    %broadcast_in_dim3A_190 = vector.broadcast %jit3A_189 : f32 to vector<256x4096xf32>
    %select_n3A_191 = arith.select %eq3A_188, %broadcast_in_dim3A_190, %select_n3A_178 : vector<256x4096xi1>, vector<256x4096xf32>
    %argmax3A_192 = tpu.reduce_index %select_n3A_191 {axis = 1 : i32, kind = #tpu.reduction_kind<arg_max>} : vector<256x4096xf32> -> vector<256xi32>
    %broadcast_in_dim3A_193 = vector.shape_cast %argmax3A_192 : vector<256xi32> to vector<256x1xi32>
    %eq3A_194 = arith.constant 13 : i32
    %eq3A_195 = vector.broadcast %eq3A_194 : i32 to vector<256x16xi32>
    %eq3A_196 = arith.cmpi eq, %iota3A_24, %eq3A_195 : vector<256x16xi32>
    %broadcast_in_dim3A_197 = vector.shape_cast %broadcast_in_dim3A_193 : vector<256x1xi32> to vector<256x1xi32>
    %broadcast_in_dim3A_198 = vector.broadcast %broadcast_in_dim3A_197 : vector<256x1xi32> to vector<256x16xi32>
    %select_n3A_199 = arith.select %eq3A_196, %broadcast_in_dim3A_198, %select_n3A_186 : vector<256x16xi1>, vector<256x16xi32>
    %eq3A_200 = vector.broadcast %broadcast_in_dim3A_193 : vector<256x1xi32> to vector<256x4096xi32>
    %eq3A_201 = arith.cmpi eq, %iota3A, %eq3A_200 : vector<256x4096xi32>
    %jit3A_202 = arith.constant 0xFF800000 : f32
    %broadcast_in_dim3A_203 = vector.broadcast %jit3A_202 : f32 to vector<256x4096xf32>
    %select_n3A_204 = arith.select %eq3A_201, %broadcast_in_dim3A_203, %select_n3A_191 : vector<256x4096xi1>, vector<256x4096xf32>
    %argmax3A_205 = tpu.reduce_index %select_n3A_204 {axis = 1 : i32, kind = #tpu.reduction_kind<arg_max>} : vector<256x4096xf32> -> vector<256xi32>
    %broadcast_in_dim3A_206 = vector.shape_cast %argmax3A_205 : vector<256xi32> to vector<256x1xi32>
    %eq3A_207 = arith.constant 14 : i32
    %eq3A_208 = vector.broadcast %eq3A_207 : i32 to vector<256x16xi32>
    %eq3A_209 = arith.cmpi eq, %iota3A_24, %eq3A_208 : vector<256x16xi32>
    %broadcast_in_dim3A_210 = vector.shape_cast %broadcast_in_dim3A_206 : vector<256x1xi32> to vector<256x1xi32>
    %broadcast_in_dim3A_211 = vector.broadcast %broadcast_in_dim3A_210 : vector<256x1xi32> to vector<256x16xi32>
    %select_n3A_212 = arith.select %eq3A_209, %broadcast_in_dim3A_211, %select_n3A_199 : vector<256x16xi1>, vector<256x16xi32>
    %eq3A_213 = vector.broadcast %broadcast_in_dim3A_206 : vector<256x1xi32> to vector<256x4096xi32>
    %eq3A_214 = arith.cmpi eq, %iota3A, %eq3A_213 : vector<256x4096xi32>
    %jit3A_215 = arith.constant 0xFF800000 : f32
    %broadcast_in_dim3A_216 = vector.broadcast %jit3A_215 : f32 to vector<256x4096xf32>
    %select_n3A_217 = arith.select %eq3A_214, %broadcast_in_dim3A_216, %select_n3A_204 : vector<256x4096xi1>, vector<256x4096xf32>
    %argmax3A_218 = tpu.reduce_index %select_n3A_217 {axis = 1 : i32, kind = #tpu.reduction_kind<arg_max>} : vector<256x4096xf32> -> vector<256xi32>
    %broadcast_in_dim3A_219 = vector.shape_cast %argmax3A_218 : vector<256xi32> to vector<256x1xi32>
    %eq3A_220 = arith.constant 15 : i32
    %eq3A_221 = vector.broadcast %eq3A_220 : i32 to vector<256x16xi32>
    %eq3A_222 = arith.cmpi eq, %iota3A_24, %eq3A_221 : vector<256x16xi32>
    %broadcast_in_dim3A_223 = vector.shape_cast %broadcast_in_dim3A_219 : vector<256x1xi32> to vector<256x1xi32>
    %broadcast_in_dim3A_224 = vector.broadcast %broadcast_in_dim3A_223 : vector<256x1xi32> to vector<256x16xi32>
    %select_n3A_225 = arith.select %eq3A_222, %broadcast_in_dim3A_224, %select_n3A_212 : vector<256x16xi1>, vector<256x16xi32>
    %transpose3A = tpu.transpose %select_n3A_225, [1, 0] : vector<256x16xi32> -> vector<16x256xi32>
    %mul3A_226 = arith.constant 4096 : i32
    %mul3A_227 = arith.muli %add3A_0, %mul3A_226 : i32
    %add3A_228 = vector.broadcast %mul3A_227 : i32 to vector<16x256xi32>
    %add3A_229 = arith.addi %transpose3A, %add3A_228 : vector<16x256xi32>
    %swap3A = arith.constant 0 : index
    %swap3A_230 = arith.constant 0 : index
    %swap3A_231 = arith.constant 0 : index
    %swap3A_232 = vector.load %arg4[%swap3A, %swap3A_230, %swap3A_231] : memref<1x16x256xi32, #tpu.memory_space<vmem>>, vector<1x16x256xi32>
    %swap3A_233 = vector.shape_cast %swap3A_232 : vector<1x16x256xi32> to vector<16x256xi32>
    %swap3A_234 = vector.shape_cast %add3A_229 : vector<16x256xi32> to vector<1x16x256xi32>
    tpu.vector_store %arg4[%swap3A, %swap3A_230, %swap3A_231], %swap3A_234 {strides = array<i32>} : memref<1x16x256xi32, #tpu.memory_space<vmem>>, vector<1x16x256xi32>,
    return
  }
  func.func @transform_0(%arg0: i32, %arg1: i32) -> (i32, i32, i32) {
    %c0_i32 = arith.constant 0 : i32
    %c0_i32_0 = arith.constant 0 : i32
    %c0_i32_1 = arith.constant 0 : i32
    return %arg0, %c0_i32, %c0_i32_0 : i32, i32, i32
  }
  func.func @transform_1(%arg0: i32, %arg1: i32) -> (i32, i32, i32) {
    %c0_i32 = arith.constant 0 : i32
    %c0_i32_0 = arith.constant 0 : i32
    return %arg0, %arg1, %c0_i32 : i32, i32, i32
  }
  func.func @transform_2(%arg0: i32, %arg1: i32) -> (i32, i32, i32) {
    %c0_i32 = arith.constant 0 : i32
    %c0_i32_0 = arith.constant 0 : i32
    return %arg0, %c0_i32, %arg1 : i32, i32, i32
  }
}

module attributes {stable_mosaic.version = 14 : i64} {
  func.func @body(%arg0: i32, %arg1: i32, %arg2: memref<1x64x4096xf32, #tpu.memory_space<vmem>>, %arg3: memref<1x256x64xf32, #tpu.memory_space<vmem>>, %arg4: memref<1x16x256xi32, #tpu.memory_space<vmem>>) attributes {dimension_semantics = [#tpu.dimension_semantics<arbitrary>, #tpu.dimension_semantics<arbitrary>], iteration_bounds = array<i64: 4, 4>, scalar_prefetch = 0 : i64, scratch_operands = 0 : i64, tpu.core_type = #tpu.core_type<tc>, window_params = [{transform_indices = @transform_0, window_bounds = array<i64: 1, 64, 4096>}, {transform_indices = @transform_1, window_bounds = array<i64: 1, 256, 64>}, {transform_indices = @transform_2, window_bounds = array<i64: 1, 16, 256>}]} {
    %add3A = arith.constant 4 : i32
    %add3A_0 = arith.addi %arg0, %add3A : i32
    %get3A = arith.constant 0 : index
    %get3A_1 = arith.constant 0 : index
    %get3A_2 = arith.constant 0 : index
    %get3A_3 = vector.load %arg2[%get3A, %get3A_1, %get3A_2] : memref<1x64x4096xf32, #tpu.memory_space<vmem>>, vector<1x64x4096xf32>
    %get3A_4 = vector.shape_cast %get3A_3 : vector<1x64x4096xf32> to vector<64x4096xf32>
    %get3A_5 = arith.constant 0 : index
    %get3A_6 = arith.constant 0 : index
    %get3A_7 = arith.constant 0 : index
    %get3A_8 = vector.load %arg3[%get3A_5, %get3A_6, %get3A_7] : memref<1x256x64xf32, #tpu.memory_space<vmem>>, vector<1x256x64xf32>
    %get3A_9 = vector.shape_cast %get3A_8 : vector<1x256x64xf32> to vector<256x64xf32>
    %dot_general3A = arith.constant dense<0.000000e+00> : vector<256x4096xf32>
    %dot_general3A_10 = tpu.matmul %get3A_9, %get3A_4, %dot_general3A {dimension_numbers = #tpu.dot_dimension_numbers<[1], [0], [0], [1], [0, 0, 1, 1], [], []>, transpose_lhs_hint = false} : vector<256x64xf32>, vector<64x4096xf32>, vector<256x4096xf32> -> vector<256x4096xf32>
    %mul3A = arith.constant -2.000000e+00 : f32
    %mul3A_11 = vector.broadcast %mul3A : f32 to vector<256x4096xf32>
    %mul3A_12 = arith.mulf %mul3A_11, %dot_general3A_10 : vector<256x4096xf32>
    %mul3A_13 = arith.mulf %get3A_4, %get3A_4 : vector<64x4096xf32>
    %reduce_sum3A = arith.constant dense<0.000000e+00> : vector<4096xf32>
    %reduce_sum3A_14 = vector.multi_reduction <add>, %mul3A_13, %reduce_sum3A [0] : vector<64x4096xf32> to vector<4096xf32>
    %broadcast_in_dim3A = vector.shape_cast %reduce_sum3A_14 : vector<4096xf32> to vector<1x4096xf32>
    %mul3A_15 = arith.mulf %get3A_9, %get3A_9 : vector<256x64xf32>
    %reduce_sum3A_16 = arith.constant dense<0.000000e+00> : vector<256xf32>
    %reduce_sum3A_17 = vector.multi_reduction <add>, %mul3A_15, %reduce_sum3A_16 [1] : vector<256x64xf32> to vector<256xf32>
    %broadcast_in_dim3A_18 = vector.shape_cast %reduce_sum3A_17 : vector<256xf32> to vector<256x1xf32>
    %neg3A = arith.constant 0.000000e+00 : f32
    %neg3A_19 = vector.broadcast %neg3A : f32 to vector<1x4096xf32>
    %neg3A_20 = arith.subf %neg3A_19, %broadcast_in_dim3A : vector<1x4096xf32>
    %sub3A = vector.broadcast %neg3A_20 : vector<1x4096xf32> to vector<256x4096xf32>
    %sub3A_21 = arith.subf %sub3A, %mul3A_12 : vector<256x4096xf32>
    %sub3A_22 = vector.broadcast %broadcast_in_dim3A_18 : vector<256x1xf32> to vector<256x4096xf32>
    %sub3A_23 = arith.subf %sub3A_21, %sub3A_22 : vector<256x4096xf32>
    %iota3A = tpu.iota {dimensions = array<i32: 1>} : vector<256x4096xi32>
    %iota3A_24 = tpu.iota {dimensions = array<i32: 1>} : vector<256x16xi32>
    %broadcast_in_dim3A_25 = arith.constant 0 : i32
    %broadcast_in_dim3A_26 = vector.broadcast %broadcast_in_dim3A_25 : i32 to vector<256x16xi32>
    %argmax3A = tpu.reduce_index %sub3A_23 {axis = 1 : i32, kind = #tpu.reduction_kind<arg_max>} : vector<256x4096xf32> -> vector<256xi32>
    %broadcast_in_dim3A_27 = vector.shape_cast %argmax3A : vector<256xi32> to vector<256x1xi32>
    %eq3A = arith.constant 0 : i32
    %eq3A_28 = vector.broadcast %eq3A : i32 to vector<256x16xi32>
    %eq3A_29 = arith.cmpi eq, %iota3A_24, %eq3A_28 : vector<256x16xi32>
    %broadcast_in_dim3A_30 = vector.shape_cast %broadcast_in_dim3A_27 : vector<256x1xi32> to vector<256x1xi32>
    %broadcast_in_dim3A_31 = vector.broadcast %broadcast_in_dim3A_30 : vector<256x1xi32> to vector<256x16xi32>
    %select_n3A = arith.select %eq3A_29, %broadcast_in_dim3A_31, %broadcast_in_dim3A_26 : vector<256x16xi1>, vector<256x16xi32>
    %eq3A_32 = vector.broadcast %broadcast_in_dim3A_27 : vector<256x1xi32> to vector<256x4096xi32>
    %eq3A_33 = arith.cmpi eq, %iota3A, %eq3A_32 : vector<256x4096xi32>
    %jit3A = arith.constant 0xFF800000 : f32
    %broadcast_in_dim3A_34 = vector.broadcast %jit3A : f32 to vector<256x4096xf32>
    %select_n3A_35 = arith.select %eq3A_33, %broadcast_in_dim3A_34, %sub3A_23 : vector<256x4096xi1>, vector<256x4096xf32>
    %argmax3A_36 = tpu.reduce_index %select_n3A_35 {axis = 1 : i32, kind = #tpu.reduction_kind<arg_max>} : vector<256x4096xf32> -> vector<256xi32>
    %broadcast_in_dim3A_37 = vector.shape_cast %argmax3A_36 : vector<256xi32> to vector<256x1xi32>
    %eq3A_38 = arith.constant 1 : i32
    %eq3A_39 = vector.broadcast %eq3A_38 : i32 to vector<256x16xi32>
    %eq3A_40 = arith.cmpi eq, %iota3A_24, %eq3A_39 : vector<256x16xi32>
    %broadcast_in_dim3A_41 = vector.shape_cast %broadcast_in_dim3A_37 : vector<256x1xi32> to vector<256x1xi32>
    %broadcast_in_dim3A_42 = vector.broadcast %broadcast_in_dim3A_41 : vector<256x1xi32> to vector<256x16xi32>
    %select_n3A_43 = arith.select %eq3A_40, %broadcast_in_dim3A_42, %select_n3A : vector<256x16xi1>, vector<256x16xi32>
    %eq3A_44 = vector.broadcast %broadcast_in_dim3A_37 : vector<256x1xi32> to vector<256x4096xi32>
    %eq3A_45 = arith.cmpi eq, %iota3A, %eq3A_44 : vector<256x4096xi32>
    %jit3A_46 = arith.constant 0xFF800000 : f32
    %broadcast_in_dim3A_47 = vector.broadcast %jit3A_46 : f32 to vector<256x4096xf32>
    %select_n3A_48 = arith.select %eq3A_45, %broadcast_in_dim3A_47, %select_n3A_35 : vector<256x4096xi1>, vector<256x4096xf32>
    %argmax3A_49 = tpu.reduce_index %select_n3A_48 {axis = 1 : i32, kind = #tpu.reduction_kind<arg_max>} : vector<256x4096xf32> -> vector<256xi32>
    %broadcast_in_dim3A_50 = vector.shape_cast %argmax3A_49 : vector<256xi32> to vector<256x1xi32>
    %eq3A_51 = arith.constant 2 : i32
    %eq3A_52 = vector.broadcast %eq3A_51 : i32 to vector<256x16xi32>
    %eq3A_53 = arith.cmpi eq, %iota3A_24, %eq3A_52 : vector<256x16xi32>
    %broadcast_in_dim3A_54 = vector.shape_cast %broadcast_in_dim3A_50 : vector<256x1xi32> to vector<256x1xi32>
    %broadcast_in_dim3A_55 = vector.broadcast %broadcast_in_dim3A_54 : vector<256x1xi32> to vector<256x16xi32>
    %select_n3A_56 = arith.select %eq3A_53, %broadcast_in_dim3A_55, %select_n3A_43 : vector<256x16xi1>, vector<256x16xi32>
    %eq3A_57 = vector.broadcast %broadcast_in_dim3A_50 : vector<256x1xi32> to vector<256x4096xi32>
    %eq3A_58 = arith.cmpi eq, %iota3A, %eq3A_57 : vector<256x4096xi32>
    %jit3A_59 = arith.constant 0xFF800000 : f32
    %broadcast_in_dim3A_60 = vector.broadcast %jit3A_59 : f32 to vector<256x4096xf32>
    %select_n3A_61 = arith.select %eq3A_58, %broadcast_in_dim3A_60, %select_n3A_48 : vector<256x4096xi1>, vector<256x4096xf32>
    %argmax3A_62 = tpu.reduce_index %select_n3A_61 {axis = 1 : i32, kind = #tpu.reduction_kind<arg_max>} : vector<256x4096xf32> -> vector<256xi32>
    %broadcast_in_dim3A_63 = vector.shape_cast %argmax3A_62 : vector<256xi32> to vector<256x1xi32>
    %eq3A_64 = arith.constant 3 : i32
    %eq3A_65 = vector.broadcast %eq3A_64 : i32 to vector<256x16xi32>
    %eq3A_66 = arith.cmpi eq, %iota3A_24, %eq3A_65 : vector<256x16xi32>
    %broadcast_in_dim3A_67 = vector.shape_cast %broadcast_in_dim3A_63 : vector<256x1xi32> to vector<256x1xi32>
    %broadcast_in_dim3A_68 = vector.broadcast %broadcast_in_dim3A_67 : vector<256x1xi32> to vector<256x16xi32>
    %select_n3A_69 = arith.select %eq3A_66, %broadcast_in_dim3A_68, %select_n3A_56 : vector<256x16xi1>, vector<256x16xi32>
    %eq3A_70 = vector.broadcast %broadcast_in_dim3A_63 : vector<256x1xi32> to vector<256x4096xi32>
    %eq3A_71 = arith.cmpi eq, %iota3A, %eq3A_70 : vector<256x4096xi32>
    %jit3A_72 = arith.constant 0xFF800000 : f32
    %broadcast_in_dim3A_73 = vector.broadcast %jit3A_72 : f32 to vector<256x4096xf32>
    %select_n3A_74 = arith.select %eq3A_71, %broadcast_in_dim3A_73, %select_n3A_61 : vector<256x4096xi1>, vector<256x4096xf32>
    %argmax3A_75 = tpu.reduce_index %select_n3A_74 {axis = 1 : i32, kind = #tpu.reduction_kind<arg_max>} : vector<256x4096xf32> -> vector<256xi32>
    %broadcast_in_dim3A_76 = vector.shape_cast %argmax3A_75 : vector<256xi32> to vector<256x1xi32>
    %eq3A_77 = arith.constant 4 : i32
    %eq3A_78 = vector.broadcast %eq3A_77 : i32 to vector<256x16xi32>
    %eq3A_79 = arith.cmpi eq, %iota3A_24, %eq3A_78 : vector<256x16xi32>
    %broadcast_in_dim3A_80 = vector.shape_cast %broadcast_in_dim3A_76 : vector<256x1xi32> to vector<256x1xi32>
    %broadcast_in_dim3A_81 = vector.broadcast %broadcast_in_dim3A_80 : vector<256x1xi32> to vector<256x16xi32>
    %select_n3A_82 = arith.select %eq3A_79, %broadcast_in_dim3A_81, %select_n3A_69 : vector<256x16xi1>, vector<256x16xi32>
    %eq3A_83 = vector.broadcast %broadcast_in_dim3A_76 : vector<256x1xi32> to vector<256x4096xi32>
    %eq3A_84 = arith.cmpi eq, %iota3A, %eq3A_83 : vector<256x4096xi32>
    %jit3A_85 = arith.constant 0xFF800000 : f32
    %broadcast_in_dim3A_86 = vector.broadcast %jit3A_85 : f32 to vector<256x4096xf32>
    %select_n3A_87 = arith.select %eq3A_84, %broadcast_in_dim3A_86, %select_n3A_74 : vector<256x4096xi1>, vector<256x4096xf32>
    %argmax3A_88 = tpu.reduce_index %select_n3A_87 {axis = 1 : i32, kind = #tpu.reduction_kind<arg_max>} : vector<256x4096xf32> -> vector<256xi32>
    %broadcast_in_dim3A_89 = vector.shape_cast %argmax3A_88 : vector<256xi32> to vector<256x1xi32>
    %eq3A_90 = arith.constant 5 : i32
    %eq3A_91 = vector.broadcast %eq3A_90 : i32 to vector<256x16xi32>
    %eq3A_92 = arith.cmpi eq, %iota3A_24, %eq3A_91 : vector<256x16xi32>
    %broadcast_in_dim3A_93 = vector.shape_cast %broadcast_in_dim3A_89 : vector<256x1xi32> to vector<256x1xi32>
    %broadcast_in_dim3A_94 = vector.broadcast %broadcast_in_dim3A_93 : vector<256x1xi32> to vector<256x16xi32>
    %select_n3A_95 = arith.select %eq3A_92, %broadcast_in_dim3A_94, %select_n3A_82 : vector<256x16xi1>, vector<256x16xi32>
    %eq3A_96 = vector.broadcast %broadcast_in_dim3A_89 : vector<256x1xi32> to vector<256x4096xi32>
    %eq3A_97 = arith.cmpi eq, %iota3A, %eq3A_96 : vector<256x4096xi32>
    %jit3A_98 = arith.constant 0xFF800000 : f32
    %broadcast_in_dim3A_99 = vector.broadcast %jit3A_98 : f32 to vector<256x4096xf32>
    %select_n3A_100 = arith.select %eq3A_97, %broadcast_in_dim3A_99, %select_n3A_87 : vector<256x4096xi1>, vector<256x4096xf32>
    %argmax3A_101 = tpu.reduce_index %select_n3A_100 {axis = 1 : i32, kind = #tpu.reduction_kind<arg_max>} : vector<256x4096xf32> -> vector<256xi32>
    %broadcast_in_dim3A_102 = vector.shape_cast %argmax3A_101 : vector<256xi32> to vector<256x1xi32>
    %eq3A_103 = arith.constant 6 : i32
    %eq3A_104 = vector.broadcast %eq3A_103 : i32 to vector<256x16xi32>
    %eq3A_105 = arith.cmpi eq, %iota3A_24, %eq3A_104 : vector<256x16xi32>
    %broadcast_in_dim3A_106 = vector.shape_cast %broadcast_in_dim3A_102 : vector<256x1xi32> to vector<256x1xi32>
    %broadcast_in_dim3A_107 = vector.broadcast %broadcast_in_dim3A_106 : vector<256x1xi32> to vector<256x16xi32>
    %select_n3A_108 = arith.select %eq3A_105, %broadcast_in_dim3A_107, %select_n3A_95 : vector<256x16xi1>, vector<256x16xi32>
    %eq3A_109 = vector.broadcast %broadcast_in_dim3A_102 : vector<256x1xi32> to vector<256x4096xi32>
    %eq3A_110 = arith.cmpi eq, %iota3A, %eq3A_109 : vector<256x4096xi32>
    %jit3A_111 = arith.constant 0xFF800000 : f32
    %broadcast_in_dim3A_112 = vector.broadcast %jit3A_111 : f32 to vector<256x4096xf32>
    %select_n3A_113 = arith.select %eq3A_110, %broadcast_in_dim3A_112, %select_n3A_100 : vector<256x4096xi1>, vector<256x4096xf32>
    %argmax3A_114 = tpu.reduce_index %select_n3A_113 {axis = 1 : i32, kind = #tpu.reduction_kind<arg_max>} : vector<256x4096xf32> -> vector<256xi32>
    %broadcast_in_dim3A_115 = vector.shape_cast %argmax3A_114 : vector<256xi32> to vector<256x1xi32>
    %eq3A_116 = arith.constant 7 : i32
    %eq3A_117 = vector.broadcast %eq3A_116 : i32 to vector<256x16xi32>
    %eq3A_118 = arith.cmpi eq, %iota3A_24, %eq3A_117 : vector<256x16xi32>
    %broadcast_in_dim3A_119 = vector.shape_cast %broadcast_in_dim3A_115 : vector<256x1xi32> to vector<256x1xi32>
    %broadcast_in_dim3A_120 = vector.broadcast %broadcast_in_dim3A_119 : vector<256x1xi32> to vector<256x16xi32>
    %select_n3A_121 = arith.select %eq3A_118, %broadcast_in_dim3A_120, %select_n3A_108 : vector<256x16xi1>, vector<256x16xi32>
    %eq3A_122 = vector.broadcast %broadcast_in_dim3A_115 : vector<256x1xi32> to vector<256x4096xi32>
    %eq3A_123 = arith.cmpi eq, %iota3A, %eq3A_122 : vector<256x4096xi32>
    %jit3A_124 = arith.constant 0xFF800000 : f32
    %broadcast_in_dim3A_125 = vector.broadcast %jit3A_124 : f32 to vector<256x4096xf32>
    %select_n3A_126 = arith.select %eq3A_123, %broadcast_in_dim3A_125, %select_n3A_113 : vector<256x4096xi1>, vector<256x4096xf32>
    %argmax3A_127 = tpu.reduce_index %select_n3A_126 {axis = 1 : i32, kind = #tpu.reduction_kind<arg_max>} : vector<256x4096xf32> -> vector<256xi32>
    %broadcast_in_dim3A_128 = vector.shape_cast %argmax3A_127 : vector<256xi32> to vector<256x1xi32>
    %eq3A_129 = arith.constant 8 : i32
    %eq3A_130 = vector.broadcast %eq3A_129 : i32 to vector<256x16xi32>
    %eq3A_131 = arith.cmpi eq, %iota3A_24, %eq3A_130 : vector<256x16xi32>
    %broadcast_in_dim3A_132 = vector.shape_cast %broadcast_in_dim3A_128 : vector<256x1xi32> to vector<256x1xi32>
    %broadcast_in_dim3A_133 = vector.broadcast %broadcast_in_dim3A_132 : vector<256x1xi32> to vector<256x16xi32>
    %select_n3A_134 = arith.select %eq3A_131, %broadcast_in_dim3A_133, %select_n3A_121 : vector<256x16xi1>, vector<256x16xi32>
    %eq3A_135 = vector.broadcast %broadcast_in_dim3A_128 : vector<256x1xi32> to vector<256x4096xi32>
    %eq3A_136 = arith.cmpi eq, %iota3A, %eq3A_135 : vector<256x4096xi32>
    %jit3A_137 = arith.constant 0xFF800000 : f32
    %broadcast_in_dim3A_138 = vector.broadcast %jit3A_137 : f32 to vector<256x4096xf32>
    %select_n3A_139 = arith.select %eq3A_136, %broadcast_in_dim3A_138, %select_n3A_126 : vector<256x4096xi1>, vector<256x4096xf32>
    %argmax3A_140 = tpu.reduce_index %select_n3A_139 {axis = 1 : i32, kind = #tpu.reduction_kind<arg_max>} : vector<256x4096xf32> -> vector<256xi32>
    %broadcast_in_dim3A_141 = vector.shape_cast %argmax3A_140 : vector<256xi32> to vector<256x1xi32>
    %eq3A_142 = arith.constant 9 : i32
    %eq3A_143 = vector.broadcast %eq3A_142 : i32 to vector<256x16xi32>
    %eq3A_144 = arith.cmpi eq, %iota3A_24, %eq3A_143 : vector<256x16xi32>
    %broadcast_in_dim3A_145 = vector.shape_cast %broadcast_in_dim3A_141 : vector<256x1xi32> to vector<256x1xi32>
    %broadcast_in_dim3A_146 = vector.broadcast %broadcast_in_dim3A_145 : vector<256x1xi32> to vector<256x16xi32>
    %select_n3A_147 = arith.select %eq3A_144, %broadcast_in_dim3A_146, %select_n3A_134 : vector<256x16xi1>, vector<256x16xi32>
    %eq3A_148 = vector.broadcast %broadcast_in_dim3A_141 : vector<256x1xi32> to vector<256x4096xi32>
    %eq3A_149 = arith.cmpi eq, %iota3A, %eq3A_148 : vector<256x4096xi32>
    %jit3A_150 = arith.constant 0xFF800000 : f32
    %broadcast_in_dim3A_151 = vector.broadcast %jit3A_150 : f32 to vector<256x4096xf32>
    %select_n3A_152 = arith.select %eq3A_149, %broadcast_in_dim3A_151, %select_n3A_139 : vector<256x4096xi1>, vector<256x4096xf32>
    %argmax3A_153 = tpu.reduce_index %select_n3A_152 {axis = 1 : i32, kind = #tpu.reduction_kind<arg_max>} : vector<256x4096xf32> -> vector<256xi32>
    %broadcast_in_dim3A_154 = vector.shape_cast %argmax3A_153 : vector<256xi32> to vector<256x1xi32>
    %eq3A_155 = arith.constant 10 : i32
    %eq3A_156 = vector.broadcast %eq3A_155 : i32 to vector<256x16xi32>
    %eq3A_157 = arith.cmpi eq, %iota3A_24, %eq3A_156 : vector<256x16xi32>
    %broadcast_in_dim3A_158 = vector.shape_cast %broadcast_in_dim3A_154 : vector<256x1xi32> to vector<256x1xi32>
    %broadcast_in_dim3A_159 = vector.broadcast %broadcast_in_dim3A_158 : vector<256x1xi32> to vector<256x16xi32>
    %select_n3A_160 = arith.select %eq3A_157, %broadcast_in_dim3A_159, %select_n3A_147 : vector<256x16xi1>, vector<256x16xi32>
    %eq3A_161 = vector.broadcast %broadcast_in_dim3A_154 : vector<256x1xi32> to vector<256x4096xi32>
    %eq3A_162 = arith.cmpi eq, %iota3A, %eq3A_161 : vector<256x4096xi32>
    %jit3A_163 = arith.constant 0xFF800000 : f32
    %broadcast_in_dim3A_164 = vector.broadcast %jit3A_163 : f32 to vector<256x4096xf32>
    %select_n3A_165 = arith.select %eq3A_162, %broadcast_in_dim3A_164, %select_n3A_152 : vector<256x4096xi1>, vector<256x4096xf32>
    %argmax3A_166 = tpu.reduce_index %select_n3A_165 {axis = 1 : i32, kind = #tpu.reduction_kind<arg_max>} : vector<256x4096xf32> -> vector<256xi32>
    %broadcast_in_dim3A_167 = vector.shape_cast %argmax3A_166 : vector<256xi32> to vector<256x1xi32>
    %eq3A_168 = arith.constant 11 : i32
    %eq3A_169 = vector.broadcast %eq3A_168 : i32 to vector<256x16xi32>
    %eq3A_170 = arith.cmpi eq, %iota3A_24, %eq3A_169 : vector<256x16xi32>
    %broadcast_in_dim3A_171 = vector.shape_cast %broadcast_in_dim3A_167 : vector<256x1xi32> to vector<256x1xi32>
    %broadcast_in_dim3A_172 = vector.broadcast %broadcast_in_dim3A_171 : vector<256x1xi32> to vector<256x16xi32>
    %select_n3A_173 = arith.select %eq3A_170, %broadcast_in_dim3A_172, %select_n3A_160 : vector<256x16xi1>, vector<256x16xi32>
    %eq3A_174 = vector.broadcast %broadcast_in_dim3A_167 : vector<256x1xi32> to vector<256x4096xi32>
    %eq3A_175 = arith.cmpi eq, %iota3A, %eq3A_174 : vector<256x4096xi32>
    %jit3A_176 = arith.constant 0xFF800000 : f32
    %broadcast_in_dim3A_177 = vector.broadcast %jit3A_176 : f32 to vector<256x4096xf32>
    %select_n3A_178 = arith.select %eq3A_175, %broadcast_in_dim3A_177, %select_n3A_165 : vector<256x4096xi1>, vector<256x4096xf32>
    %argmax3A_179 = tpu.reduce_index %select_n3A_178 {axis = 1 : i32, kind = #tpu.reduction_kind<arg_max>} : vector<256x4096xf32> -> vector<256xi32>
    %broadcast_in_dim3A_180 = vector.shape_cast %argmax3A_179 : vector<256xi32> to vector<256x1xi32>
    %eq3A_181 = arith.constant 12 : i32
    %eq3A_182 = vector.broadcast %eq3A_181 : i32 to vector<256x16xi32>
    %eq3A_183 = arith.cmpi eq, %iota3A_24, %eq3A_182 : vector<256x16xi32>
    %broadcast_in_dim3A_184 = vector.shape_cast %broadcast_in_dim3A_180 : vector<256x1xi32> to vector<256x1xi32>
    %broadcast_in_dim3A_185 = vector.broadcast %broadcast_in_dim3A_184 : vector<256x1xi32> to vector<256x16xi32>
    %select_n3A_186 = arith.select %eq3A_183, %broadcast_in_dim3A_185, %select_n3A_173 : vector<256x16xi1>, vector<256x16xi32>
    %eq3A_187 = vector.broadcast %broadcast_in_dim3A_180 : vector<256x1xi32> to vector<256x4096xi32>
    %eq3A_188 = arith.cmpi eq, %iota3A, %eq3A_187 : vector<256x4096xi32>
    %jit3A_189 = arith.constant 0xFF800000 : f32
    %broadcast_in_dim3A_190 = vector.broadcast %jit3A_189 : f32 to vector<256x4096xf32>
    %select_n3A_191 = arith.select %eq3A_188, %broadcast_in_dim3A_190, %select_n3A_178 : vector<256x4096xi1>, vector<256x4096xf32>
    %argmax3A_192 = tpu.reduce_index %select_n3A_191 {axis = 1 : i32, kind = #tpu.reduction_kind<arg_max>} : vector<256x4096xf32> -> vector<256xi32>
    %broadcast_in_dim3A_193 = vector.shape_cast %argmax3A_192 : vector<256xi32> to vector<256x1xi32>
    %eq3A_194 = arith.constant 13 : i32
    %eq3A_195 = vector.broadcast %eq3A_194 : i32 to vector<256x16xi32>
    %eq3A_196 = arith.cmpi eq, %iota3A_24, %eq3A_195 : vector<256x16xi32>
    %broadcast_in_dim3A_197 = vector.shape_cast %broadcast_in_dim3A_193 : vector<256x1xi32> to vector<256x1xi32>
    %broadcast_in_dim3A_198 = vector.broadcast %broadcast_in_dim3A_197 : vector<256x1xi32> to vector<256x16xi32>
    %select_n3A_199 = arith.select %eq3A_196, %broadcast_in_dim3A_198, %select_n3A_186 : vector<256x16xi1>, vector<256x16xi32>
    %eq3A_200 = vector.broadcast %broadcast_in_dim3A_193 : vector<256x1xi32> to vector<256x4096xi32>
    %eq3A_201 = arith.cmpi eq, %iota3A, %eq3A_200 : vector<256x4096xi32>
    %jit3A_202 = arith.constant 0xFF800000 : f32
    %broadcast_in_dim3A_203 = vector.broadcast %jit3A_202 : f32 to vector<256x4096xf32>
    %select_n3A_204 = arith.select %eq3A_201, %broadcast_in_dim3A_203, %select_n3A_191 : vector<256x4096xi1>, vector<256x4096xf32>
    %argmax3A_205 = tpu.reduce_index %select_n3A_204 {axis = 1 : i32, kind = #tpu.reduction_kind<arg_max>} : vector<256x4096xf32> -> vector<256xi32>
    %broadcast_in_dim3A_206 = vector.shape_cast %argmax3A_205 : vector<256xi32> to vector<256x1xi32>
    %eq3A_207 = arith.constant 14 : i32
    %eq3A_208 = vector.broadcast %eq3A_207 : i32 to vector<256x16xi32>
    %eq3A_209 = arith.cmpi eq, %iota3A_24, %eq3A_208 : vector<256x16xi32>
    %broadcast_in_dim3A_210 = vector.shape_cast %broadcast_in_dim3A_206 : vector<256x1xi32> to vector<256x1xi32>
    %broadcast_in_dim3A_211 = vector.broadcast %broadcast_in_dim3A_210 : vector<256x1xi32> to vector<256x16xi32>
    %select_n3A_212 = arith.select %eq3A_209, %broadcast_in_dim3A_211, %select_n3A_199 : vector<256x16xi1>, vector<256x16xi32>
    %eq3A_213 = vector.broadcast %broadcast_in_dim3A_206 : vector<256x1xi32> to vector<256x4096xi32>
    %eq3A_214 = arith.cmpi eq, %iota3A, %eq3A_213 : vector<256x4096xi32>
    %jit3A_215 = arith.constant 0xFF800000 : f32
    %broadcast_in_dim3A_216 = vector.broadcast %jit3A_215 : f32 to vector<256x4096xf32>
    %select_n3A_217 = arith.select %eq3A_214, %broadcast_in_dim3A_216, %select_n3A_204 : vector<256x4096xi1>, vector<256x4096xf32>
    %argmax3A_218 = tpu.reduce_index %select_n3A_217 {axis = 1 : i32, kind = #tpu.reduction_kind<arg_max>} : vector<256x4096xf32> -> vector<256xi32>
    %broadcast_in_dim3A_219 = vector.shape_cast %argmax3A_218 : vector<256xi32> to vector<256x1xi32>
    %eq3A_220 = arith.constant 15 : i32
    %eq3A_221 = vector.broadcast %eq3A_220 : i32 to vector<256x16xi32>
    %eq3A_222 = arith.cmpi eq, %iota3A_24, %eq3A_221 : vector<256x16xi32>
    %broadcast_in_dim3A_223 = vector.shape_cast %broadcast_in_dim3A_219 : vector<256x1xi32> to vector<256x1xi32>
    %broadcast_in_dim3A_224 = vector.broadcast %broadcast_in_dim3A_223 : vector<256x1xi32> to vector<256x16xi32>
    %select_n3A_225 = arith.select %eq3A_222, %broadcast_in_dim3A_224, %select_n3A_212 : vector<256x16xi1>, vector<256x16xi32>
    %transpose3A = tpu.transpose %select_n3A_225, [1, 0] : vector<256x16xi32> -> vector<16x256xi32>
    %mul3A_226 = arith.constant 4096 : i32
    %mul3A_227 = arith.muli %add3A_0, %mul3A_226 : i32
    %add3A_228 = vector.broadcast %mul3A_227 : i32 to vector<16x256xi32>
    %add3A_229 = arith.addi %transpose3A, %add3A_228 : vector<16x256xi32>
    %swap3A = arith.constant 0 : index
    %swap3A_230 = arith.constant 0 : index
    %swap3A_231 = arith.constant 0 : index
    %swap3A_232 = vector.load %arg4[%swap3A, %swap3A_230, %swap3A_231] : memref<1x16x256xi32, #tpu.memory_space<vmem>>, vector<1x16x256xi32>
    %swap3A_233 = vector.shape_cast %swap3A_232 : vector<1x16x256xi32> to vector<16x256xi32>
    %swap3A_234 = vector.shape_cast %add3A_229 : vector<16x256xi32> to vector<1x16x256xi32>
    tpu.vector_store %arg4[%swap3A, %swap3A_230, %swap3A_231], %swap3A_234 {strides = array<i32>} : memref<1x16x256xi32, #tpu.memory_space<vmem>>, vector<1x16x256xi32>,
    return
  }
  func.func @transform_0(%arg0: i32, %arg1: i32) -> (i32, i32, i32) {
    %c0_i32 = arith.constant 0 : i32
    %c0_i32_0 = arith.constant 0 : i32
    %c0_i32_1 = arith.constant 0 : i32
    return %arg0, %c0_i32, %c0_i32_0 : i32, i32, i32
  }
  func.func @transform_1(%arg0: i32, %arg1: i32) -> (i32, i32, i32) {
    %c0_i32 = arith.constant 0 : i32
    %c0_i32_0 = arith.constant 0 : i32
    return %arg0, %arg1, %c0_i32 : i32, i32, i32
  }
  func.func @transform_2(%arg0: i32, %arg1: i32) -> (i32, i32, i32) {
    %c0_i32 = arith.constant 0 : i32
    %c0_i32_0 = arith.constant 0 : i32
    return %arg0, %c0_i32, %arg1 : i32, i32, i32
  }
}

module attributes {stable_mosaic.version = 14 : i64} {
  func.func @body(%arg0: i32, %arg1: i32, %arg2: memref<1x64x4096xf32, #tpu.memory_space<vmem>>, %arg3: memref<1x256x64xf32, #tpu.memory_space<vmem>>, %arg4: memref<1x16x256xi32, #tpu.memory_space<vmem>>) attributes {dimension_semantics = [#tpu.dimension_semantics<arbitrary>, #tpu.dimension_semantics<arbitrary>], iteration_bounds = array<i64: 4, 4>, scalar_prefetch = 0 : i64, scratch_operands = 0 : i64, tpu.core_type = #tpu.core_type<tc>, window_params = [{transform_indices = @transform_0, window_bounds = array<i64: 1, 64, 4096>}, {transform_indices = @transform_1, window_bounds = array<i64: 1, 256, 64>}, {transform_indices = @transform_2, window_bounds = array<i64: 1, 16, 256>}]} {
    %add3A = arith.constant 8 : i32
    %add3A_0 = arith.addi %arg0, %add3A : i32
    %get3A = arith.constant 0 : index
    %get3A_1 = arith.constant 0 : index
    %get3A_2 = arith.constant 0 : index
    %get3A_3 = vector.load %arg2[%get3A, %get3A_1, %get3A_2] : memref<1x64x4096xf32, #tpu.memory_space<vmem>>, vector<1x64x4096xf32>
    %get3A_4 = vector.shape_cast %get3A_3 : vector<1x64x4096xf32> to vector<64x4096xf32>
    %get3A_5 = arith.constant 0 : index
    %get3A_6 = arith.constant 0 : index
    %get3A_7 = arith.constant 0 : index
    %get3A_8 = vector.load %arg3[%get3A_5, %get3A_6, %get3A_7] : memref<1x256x64xf32, #tpu.memory_space<vmem>>, vector<1x256x64xf32>
    %get3A_9 = vector.shape_cast %get3A_8 : vector<1x256x64xf32> to vector<256x64xf32>
    %dot_general3A = arith.constant dense<0.000000e+00> : vector<256x4096xf32>
    %dot_general3A_10 = tpu.matmul %get3A_9, %get3A_4, %dot_general3A {dimension_numbers = #tpu.dot_dimension_numbers<[1], [0], [0], [1], [0, 0, 1, 1], [], []>, transpose_lhs_hint = false} : vector<256x64xf32>, vector<64x4096xf32>, vector<256x4096xf32> -> vector<256x4096xf32>
    %mul3A = arith.constant -2.000000e+00 : f32
    %mul3A_11 = vector.broadcast %mul3A : f32 to vector<256x4096xf32>
    %mul3A_12 = arith.mulf %mul3A_11, %dot_general3A_10 : vector<256x4096xf32>
    %mul3A_13 = arith.mulf %get3A_4, %get3A_4 : vector<64x4096xf32>
    %reduce_sum3A = arith.constant dense<0.000000e+00> : vector<4096xf32>
    %reduce_sum3A_14 = vector.multi_reduction <add>, %mul3A_13, %reduce_sum3A [0] : vector<64x4096xf32> to vector<4096xf32>
    %broadcast_in_dim3A = vector.shape_cast %reduce_sum3A_14 : vector<4096xf32> to vector<1x4096xf32>
    %mul3A_15 = arith.mulf %get3A_9, %get3A_9 : vector<256x64xf32>
    %reduce_sum3A_16 = arith.constant dense<0.000000e+00> : vector<256xf32>
    %reduce_sum3A_17 = vector.multi_reduction <add>, %mul3A_15, %reduce_sum3A_16 [1] : vector<256x64xf32> to vector<256xf32>
    %broadcast_in_dim3A_18 = vector.shape_cast %reduce_sum3A_17 : vector<256xf32> to vector<256x1xf32>
    %neg3A = arith.constant 0.000000e+00 : f32
    %neg3A_19 = vector.broadcast %neg3A : f32 to vector<1x4096xf32>
    %neg3A_20 = arith.subf %neg3A_19, %broadcast_in_dim3A : vector<1x4096xf32>
    %sub3A = vector.broadcast %neg3A_20 : vector<1x4096xf32> to vector<256x4096xf32>
    %sub3A_21 = arith.subf %sub3A, %mul3A_12 : vector<256x4096xf32>
    %sub3A_22 = vector.broadcast %broadcast_in_dim3A_18 : vector<256x1xf32> to vector<256x4096xf32>
    %sub3A_23 = arith.subf %sub3A_21, %sub3A_22 : vector<256x4096xf32>
    %iota3A = tpu.iota {dimensions = array<i32: 1>} : vector<256x4096xi32>
    %iota3A_24 = tpu.iota {dimensions = array<i32: 1>} : vector<256x16xi32>
    %broadcast_in_dim3A_25 = arith.constant 0 : i32
    %broadcast_in_dim3A_26 = vector.broadcast %broadcast_in_dim3A_25 : i32 to vector<256x16xi32>
    %argmax3A = tpu.reduce_index %sub3A_23 {axis = 1 : i32, kind = #tpu.reduction_kind<arg_max>} : vector<256x4096xf32> -> vector<256xi32>
    %broadcast_in_dim3A_27 = vector.shape_cast %argmax3A : vector<256xi32> to vector<256x1xi32>
    %eq3A = arith.constant 0 : i32
    %eq3A_28 = vector.broadcast %eq3A : i32 to vector<256x16xi32>
    %eq3A_29 = arith.cmpi eq, %iota3A_24, %eq3A_28 : vector<256x16xi32>
    %broadcast_in_dim3A_30 = vector.shape_cast %broadcast_in_dim3A_27 : vector<256x1xi32> to vector<256x1xi32>
    %broadcast_in_dim3A_31 = vector.broadcast %broadcast_in_dim3A_30 : vector<256x1xi32> to vector<256x16xi32>
    %select_n3A = arith.select %eq3A_29, %broadcast_in_dim3A_31, %broadcast_in_dim3A_26 : vector<256x16xi1>, vector<256x16xi32>
    %eq3A_32 = vector.broadcast %broadcast_in_dim3A_27 : vector<256x1xi32> to vector<256x4096xi32>
    %eq3A_33 = arith.cmpi eq, %iota3A, %eq3A_32 : vector<256x4096xi32>
    %jit3A = arith.constant 0xFF800000 : f32
    %broadcast_in_dim3A_34 = vector.broadcast %jit3A : f32 to vector<256x4096xf32>
    %select_n3A_35 = arith.select %eq3A_33, %broadcast_in_dim3A_34, %sub3A_23 : vector<256x4096xi1>, vector<256x4096xf32>
    %argmax3A_36 = tpu.reduce_index %select_n3A_35 {axis = 1 : i32, kind = #tpu.reduction_kind<arg_max>} : vector<256x4096xf32> -> vector<256xi32>
    %broadcast_in_dim3A_37 = vector.shape_cast %argmax3A_36 : vector<256xi32> to vector<256x1xi32>
    %eq3A_38 = arith.constant 1 : i32
    %eq3A_39 = vector.broadcast %eq3A_38 : i32 to vector<256x16xi32>
    %eq3A_40 = arith.cmpi eq, %iota3A_24, %eq3A_39 : vector<256x16xi32>
    %broadcast_in_dim3A_41 = vector.shape_cast %broadcast_in_dim3A_37 : vector<256x1xi32> to vector<256x1xi32>
    %broadcast_in_dim3A_42 = vector.broadcast %broadcast_in_dim3A_41 : vector<256x1xi32> to vector<256x16xi32>
    %select_n3A_43 = arith.select %eq3A_40, %broadcast_in_dim3A_42, %select_n3A : vector<256x16xi1>, vector<256x16xi32>
    %eq3A_44 = vector.broadcast %broadcast_in_dim3A_37 : vector<256x1xi32> to vector<256x4096xi32>
    %eq3A_45 = arith.cmpi eq, %iota3A, %eq3A_44 : vector<256x4096xi32>
    %jit3A_46 = arith.constant 0xFF800000 : f32
    %broadcast_in_dim3A_47 = vector.broadcast %jit3A_46 : f32 to vector<256x4096xf32>
    %select_n3A_48 = arith.select %eq3A_45, %broadcast_in_dim3A_47, %select_n3A_35 : vector<256x4096xi1>, vector<256x4096xf32>
    %argmax3A_49 = tpu.reduce_index %select_n3A_48 {axis = 1 : i32, kind = #tpu.reduction_kind<arg_max>} : vector<256x4096xf32> -> vector<256xi32>
    %broadcast_in_dim3A_50 = vector.shape_cast %argmax3A_49 : vector<256xi32> to vector<256x1xi32>
    %eq3A_51 = arith.constant 2 : i32
    %eq3A_52 = vector.broadcast %eq3A_51 : i32 to vector<256x16xi32>
    %eq3A_53 = arith.cmpi eq, %iota3A_24, %eq3A_52 : vector<256x16xi32>
    %broadcast_in_dim3A_54 = vector.shape_cast %broadcast_in_dim3A_50 : vector<256x1xi32> to vector<256x1xi32>
    %broadcast_in_dim3A_55 = vector.broadcast %broadcast_in_dim3A_54 : vector<256x1xi32> to vector<256x16xi32>
    %select_n3A_56 = arith.select %eq3A_53, %broadcast_in_dim3A_55, %select_n3A_43 : vector<256x16xi1>, vector<256x16xi32>
    %eq3A_57 = vector.broadcast %broadcast_in_dim3A_50 : vector<256x1xi32> to vector<256x4096xi32>
    %eq3A_58 = arith.cmpi eq, %iota3A, %eq3A_57 : vector<256x4096xi32>
    %jit3A_59 = arith.constant 0xFF800000 : f32
    %broadcast_in_dim3A_60 = vector.broadcast %jit3A_59 : f32 to vector<256x4096xf32>
    %select_n3A_61 = arith.select %eq3A_58, %broadcast_in_dim3A_60, %select_n3A_48 : vector<256x4096xi1>, vector<256x4096xf32>
    %argmax3A_62 = tpu.reduce_index %select_n3A_61 {axis = 1 : i32, kind = #tpu.reduction_kind<arg_max>} : vector<256x4096xf32> -> vector<256xi32>
    %broadcast_in_dim3A_63 = vector.shape_cast %argmax3A_62 : vector<256xi32> to vector<256x1xi32>
    %eq3A_64 = arith.constant 3 : i32
    %eq3A_65 = vector.broadcast %eq3A_64 : i32 to vector<256x16xi32>
    %eq3A_66 = arith.cmpi eq, %iota3A_24, %eq3A_65 : vector<256x16xi32>
    %broadcast_in_dim3A_67 = vector.shape_cast %broadcast_in_dim3A_63 : vector<256x1xi32> to vector<256x1xi32>
    %broadcast_in_dim3A_68 = vector.broadcast %broadcast_in_dim3A_67 : vector<256x1xi32> to vector<256x16xi32>
    %select_n3A_69 = arith.select %eq3A_66, %broadcast_in_dim3A_68, %select_n3A_56 : vector<256x16xi1>, vector<256x16xi32>
    %eq3A_70 = vector.broadcast %broadcast_in_dim3A_63 : vector<256x1xi32> to vector<256x4096xi32>
    %eq3A_71 = arith.cmpi eq, %iota3A, %eq3A_70 : vector<256x4096xi32>
    %jit3A_72 = arith.constant 0xFF800000 : f32
    %broadcast_in_dim3A_73 = vector.broadcast %jit3A_72 : f32 to vector<256x4096xf32>
    %select_n3A_74 = arith.select %eq3A_71, %broadcast_in_dim3A_73, %select_n3A_61 : vector<256x4096xi1>, vector<256x4096xf32>
    %argmax3A_75 = tpu.reduce_index %select_n3A_74 {axis = 1 : i32, kind = #tpu.reduction_kind<arg_max>} : vector<256x4096xf32> -> vector<256xi32>
    %broadcast_in_dim3A_76 = vector.shape_cast %argmax3A_75 : vector<256xi32> to vector<256x1xi32>
    %eq3A_77 = arith.constant 4 : i32
    %eq3A_78 = vector.broadcast %eq3A_77 : i32 to vector<256x16xi32>
    %eq3A_79 = arith.cmpi eq, %iota3A_24, %eq3A_78 : vector<256x16xi32>
    %broadcast_in_dim3A_80 = vector.shape_cast %broadcast_in_dim3A_76 : vector<256x1xi32> to vector<256x1xi32>
    %broadcast_in_dim3A_81 = vector.broadcast %broadcast_in_dim3A_80 : vector<256x1xi32> to vector<256x16xi32>
    %select_n3A_82 = arith.select %eq3A_79, %broadcast_in_dim3A_81, %select_n3A_69 : vector<256x16xi1>, vector<256x16xi32>
    %eq3A_83 = vector.broadcast %broadcast_in_dim3A_76 : vector<256x1xi32> to vector<256x4096xi32>
    %eq3A_84 = arith.cmpi eq, %iota3A, %eq3A_83 : vector<256x4096xi32>
    %jit3A_85 = arith.constant 0xFF800000 : f32
    %broadcast_in_dim3A_86 = vector.broadcast %jit3A_85 : f32 to vector<256x4096xf32>
    %select_n3A_87 = arith.select %eq3A_84, %broadcast_in_dim3A_86, %select_n3A_74 : vector<256x4096xi1>, vector<256x4096xf32>
    %argmax3A_88 = tpu.reduce_index %select_n3A_87 {axis = 1 : i32, kind = #tpu.reduction_kind<arg_max>} : vector<256x4096xf32> -> vector<256xi32>
    %broadcast_in_dim3A_89 = vector.shape_cast %argmax3A_88 : vector<256xi32> to vector<256x1xi32>
    %eq3A_90 = arith.constant 5 : i32
    %eq3A_91 = vector.broadcast %eq3A_90 : i32 to vector<256x16xi32>
    %eq3A_92 = arith.cmpi eq, %iota3A_24, %eq3A_91 : vector<256x16xi32>
    %broadcast_in_dim3A_93 = vector.shape_cast %broadcast_in_dim3A_89 : vector<256x1xi32> to vector<256x1xi32>
    %broadcast_in_dim3A_94 = vector.broadcast %broadcast_in_dim3A_93 : vector<256x1xi32> to vector<256x16xi32>
    %select_n3A_95 = arith.select %eq3A_92, %broadcast_in_dim3A_94, %select_n3A_82 : vector<256x16xi1>, vector<256x16xi32>
    %eq3A_96 = vector.broadcast %broadcast_in_dim3A_89 : vector<256x1xi32> to vector<256x4096xi32>
    %eq3A_97 = arith.cmpi eq, %iota3A, %eq3A_96 : vector<256x4096xi32>
    %jit3A_98 = arith.constant 0xFF800000 : f32
    %broadcast_in_dim3A_99 = vector.broadcast %jit3A_98 : f32 to vector<256x4096xf32>
    %select_n3A_100 = arith.select %eq3A_97, %broadcast_in_dim3A_99, %select_n3A_87 : vector<256x4096xi1>, vector<256x4096xf32>
    %argmax3A_101 = tpu.reduce_index %select_n3A_100 {axis = 1 : i32, kind = #tpu.reduction_kind<arg_max>} : vector<256x4096xf32> -> vector<256xi32>
    %broadcast_in_dim3A_102 = vector.shape_cast %argmax3A_101 : vector<256xi32> to vector<256x1xi32>
    %eq3A_103 = arith.constant 6 : i32
    %eq3A_104 = vector.broadcast %eq3A_103 : i32 to vector<256x16xi32>
    %eq3A_105 = arith.cmpi eq, %iota3A_24, %eq3A_104 : vector<256x16xi32>
    %broadcast_in_dim3A_106 = vector.shape_cast %broadcast_in_dim3A_102 : vector<256x1xi32> to vector<256x1xi32>
    %broadcast_in_dim3A_107 = vector.broadcast %broadcast_in_dim3A_106 : vector<256x1xi32> to vector<256x16xi32>
    %select_n3A_108 = arith.select %eq3A_105, %broadcast_in_dim3A_107, %select_n3A_95 : vector<256x16xi1>, vector<256x16xi32>
    %eq3A_109 = vector.broadcast %broadcast_in_dim3A_102 : vector<256x1xi32> to vector<256x4096xi32>
    %eq3A_110 = arith.cmpi eq, %iota3A, %eq3A_109 : vector<256x4096xi32>
    %jit3A_111 = arith.constant 0xFF800000 : f32
    %broadcast_in_dim3A_112 = vector.broadcast %jit3A_111 : f32 to vector<256x4096xf32>
    %select_n3A_113 = arith.select %eq3A_110, %broadcast_in_dim3A_112, %select_n3A_100 : vector<256x4096xi1>, vector<256x4096xf32>
    %argmax3A_114 = tpu.reduce_index %select_n3A_113 {axis = 1 : i32, kind = #tpu.reduction_kind<arg_max>} : vector<256x4096xf32> -> vector<256xi32>
    %broadcast_in_dim3A_115 = vector.shape_cast %argmax3A_114 : vector<256xi32> to vector<256x1xi32>
    %eq3A_116 = arith.constant 7 : i32
    %eq3A_117 = vector.broadcast %eq3A_116 : i32 to vector<256x16xi32>
    %eq3A_118 = arith.cmpi eq, %iota3A_24, %eq3A_117 : vector<256x16xi32>
    %broadcast_in_dim3A_119 = vector.shape_cast %broadcast_in_dim3A_115 : vector<256x1xi32> to vector<256x1xi32>
    %broadcast_in_dim3A_120 = vector.broadcast %broadcast_in_dim3A_119 : vector<256x1xi32> to vector<256x16xi32>
    %select_n3A_121 = arith.select %eq3A_118, %broadcast_in_dim3A_120, %select_n3A_108 : vector<256x16xi1>, vector<256x16xi32>
    %eq3A_122 = vector.broadcast %broadcast_in_dim3A_115 : vector<256x1xi32> to vector<256x4096xi32>
    %eq3A_123 = arith.cmpi eq, %iota3A, %eq3A_122 : vector<256x4096xi32>
    %jit3A_124 = arith.constant 0xFF800000 : f32
    %broadcast_in_dim3A_125 = vector.broadcast %jit3A_124 : f32 to vector<256x4096xf32>
    %select_n3A_126 = arith.select %eq3A_123, %broadcast_in_dim3A_125, %select_n3A_113 : vector<256x4096xi1>, vector<256x4096xf32>
    %argmax3A_127 = tpu.reduce_index %select_n3A_126 {axis = 1 : i32, kind = #tpu.reduction_kind<arg_max>} : vector<256x4096xf32> -> vector<256xi32>
    %broadcast_in_dim3A_128 = vector.shape_cast %argmax3A_127 : vector<256xi32> to vector<256x1xi32>
    %eq3A_129 = arith.constant 8 : i32
    %eq3A_130 = vector.broadcast %eq3A_129 : i32 to vector<256x16xi32>
    %eq3A_131 = arith.cmpi eq, %iota3A_24, %eq3A_130 : vector<256x16xi32>
    %broadcast_in_dim3A_132 = vector.shape_cast %broadcast_in_dim3A_128 : vector<256x1xi32> to vector<256x1xi32>
    %broadcast_in_dim3A_133 = vector.broadcast %broadcast_in_dim3A_132 : vector<256x1xi32> to vector<256x16xi32>
    %select_n3A_134 = arith.select %eq3A_131, %broadcast_in_dim3A_133, %select_n3A_121 : vector<256x16xi1>, vector<256x16xi32>
    %eq3A_135 = vector.broadcast %broadcast_in_dim3A_128 : vector<256x1xi32> to vector<256x4096xi32>
    %eq3A_136 = arith.cmpi eq, %iota3A, %eq3A_135 : vector<256x4096xi32>
    %jit3A_137 = arith.constant 0xFF800000 : f32
    %broadcast_in_dim3A_138 = vector.broadcast %jit3A_137 : f32 to vector<256x4096xf32>
    %select_n3A_139 = arith.select %eq3A_136, %broadcast_in_dim3A_138, %select_n3A_126 : vector<256x4096xi1>, vector<256x4096xf32>
    %argmax3A_140 = tpu.reduce_index %select_n3A_139 {axis = 1 : i32, kind = #tpu.reduction_kind<arg_max>} : vector<256x4096xf32> -> vector<256xi32>
    %broadcast_in_dim3A_141 = vector.shape_cast %argmax3A_140 : vector<256xi32> to vector<256x1xi32>
    %eq3A_142 = arith.constant 9 : i32
    %eq3A_143 = vector.broadcast %eq3A_142 : i32 to vector<256x16xi32>
    %eq3A_144 = arith.cmpi eq, %iota3A_24, %eq3A_143 : vector<256x16xi32>
    %broadcast_in_dim3A_145 = vector.shape_cast %broadcast_in_dim3A_141 : vector<256x1xi32> to vector<256x1xi32>
    %broadcast_in_dim3A_146 = vector.broadcast %broadcast_in_dim3A_145 : vector<256x1xi32> to vector<256x16xi32>
    %select_n3A_147 = arith.select %eq3A_144, %broadcast_in_dim3A_146, %select_n3A_134 : vector<256x16xi1>, vector<256x16xi32>
    %eq3A_148 = vector.broadcast %broadcast_in_dim3A_141 : vector<256x1xi32> to vector<256x4096xi32>
    %eq3A_149 = arith.cmpi eq, %iota3A, %eq3A_148 : vector<256x4096xi32>
    %jit3A_150 = arith.constant 0xFF800000 : f32
    %broadcast_in_dim3A_151 = vector.broadcast %jit3A_150 : f32 to vector<256x4096xf32>
    %select_n3A_152 = arith.select %eq3A_149, %broadcast_in_dim3A_151, %select_n3A_139 : vector<256x4096xi1>, vector<256x4096xf32>
    %argmax3A_153 = tpu.reduce_index %select_n3A_152 {axis = 1 : i32, kind = #tpu.reduction_kind<arg_max>} : vector<256x4096xf32> -> vector<256xi32>
    %broadcast_in_dim3A_154 = vector.shape_cast %argmax3A_153 : vector<256xi32> to vector<256x1xi32>
    %eq3A_155 = arith.constant 10 : i32
    %eq3A_156 = vector.broadcast %eq3A_155 : i32 to vector<256x16xi32>
    %eq3A_157 = arith.cmpi eq, %iota3A_24, %eq3A_156 : vector<256x16xi32>
    %broadcast_in_dim3A_158 = vector.shape_cast %broadcast_in_dim3A_154 : vector<256x1xi32> to vector<256x1xi32>
    %broadcast_in_dim3A_159 = vector.broadcast %broadcast_in_dim3A_158 : vector<256x1xi32> to vector<256x16xi32>
    %select_n3A_160 = arith.select %eq3A_157, %broadcast_in_dim3A_159, %select_n3A_147 : vector<256x16xi1>, vector<256x16xi32>
    %eq3A_161 = vector.broadcast %broadcast_in_dim3A_154 : vector<256x1xi32> to vector<256x4096xi32>
    %eq3A_162 = arith.cmpi eq, %iota3A, %eq3A_161 : vector<256x4096xi32>
    %jit3A_163 = arith.constant 0xFF800000 : f32
    %broadcast_in_dim3A_164 = vector.broadcast %jit3A_163 : f32 to vector<256x4096xf32>
    %select_n3A_165 = arith.select %eq3A_162, %broadcast_in_dim3A_164, %select_n3A_152 : vector<256x4096xi1>, vector<256x4096xf32>
    %argmax3A_166 = tpu.reduce_index %select_n3A_165 {axis = 1 : i32, kind = #tpu.reduction_kind<arg_max>} : vector<256x4096xf32> -> vector<256xi32>
    %broadcast_in_dim3A_167 = vector.shape_cast %argmax3A_166 : vector<256xi32> to vector<256x1xi32>
    %eq3A_168 = arith.constant 11 : i32
    %eq3A_169 = vector.broadcast %eq3A_168 : i32 to vector<256x16xi32>
    %eq3A_170 = arith.cmpi eq, %iota3A_24, %eq3A_169 : vector<256x16xi32>
    %broadcast_in_dim3A_171 = vector.shape_cast %broadcast_in_dim3A_167 : vector<256x1xi32> to vector<256x1xi32>
    %broadcast_in_dim3A_172 = vector.broadcast %broadcast_in_dim3A_171 : vector<256x1xi32> to vector<256x16xi32>
    %select_n3A_173 = arith.select %eq3A_170, %broadcast_in_dim3A_172, %select_n3A_160 : vector<256x16xi1>, vector<256x16xi32>
    %eq3A_174 = vector.broadcast %broadcast_in_dim3A_167 : vector<256x1xi32> to vector<256x4096xi32>
    %eq3A_175 = arith.cmpi eq, %iota3A, %eq3A_174 : vector<256x4096xi32>
    %jit3A_176 = arith.constant 0xFF800000 : f32
    %broadcast_in_dim3A_177 = vector.broadcast %jit3A_176 : f32 to vector<256x4096xf32>
    %select_n3A_178 = arith.select %eq3A_175, %broadcast_in_dim3A_177, %select_n3A_165 : vector<256x4096xi1>, vector<256x4096xf32>
    %argmax3A_179 = tpu.reduce_index %select_n3A_178 {axis = 1 : i32, kind = #tpu.reduction_kind<arg_max>} : vector<256x4096xf32> -> vector<256xi32>
    %broadcast_in_dim3A_180 = vector.shape_cast %argmax3A_179 : vector<256xi32> to vector<256x1xi32>
    %eq3A_181 = arith.constant 12 : i32
    %eq3A_182 = vector.broadcast %eq3A_181 : i32 to vector<256x16xi32>
    %eq3A_183 = arith.cmpi eq, %iota3A_24, %eq3A_182 : vector<256x16xi32>
    %broadcast_in_dim3A_184 = vector.shape_cast %broadcast_in_dim3A_180 : vector<256x1xi32> to vector<256x1xi32>
    %broadcast_in_dim3A_185 = vector.broadcast %broadcast_in_dim3A_184 : vector<256x1xi32> to vector<256x16xi32>
    %select_n3A_186 = arith.select %eq3A_183, %broadcast_in_dim3A_185, %select_n3A_173 : vector<256x16xi1>, vector<256x16xi32>
    %eq3A_187 = vector.broadcast %broadcast_in_dim3A_180 : vector<256x1xi32> to vector<256x4096xi32>
    %eq3A_188 = arith.cmpi eq, %iota3A, %eq3A_187 : vector<256x4096xi32>
    %jit3A_189 = arith.constant 0xFF800000 : f32
    %broadcast_in_dim3A_190 = vector.broadcast %jit3A_189 : f32 to vector<256x4096xf32>
    %select_n3A_191 = arith.select %eq3A_188, %broadcast_in_dim3A_190, %select_n3A_178 : vector<256x4096xi1>, vector<256x4096xf32>
    %argmax3A_192 = tpu.reduce_index %select_n3A_191 {axis = 1 : i32, kind = #tpu.reduction_kind<arg_max>} : vector<256x4096xf32> -> vector<256xi32>
    %broadcast_in_dim3A_193 = vector.shape_cast %argmax3A_192 : vector<256xi32> to vector<256x1xi32>
    %eq3A_194 = arith.constant 13 : i32
    %eq3A_195 = vector.broadcast %eq3A_194 : i32 to vector<256x16xi32>
    %eq3A_196 = arith.cmpi eq, %iota3A_24, %eq3A_195 : vector<256x16xi32>
    %broadcast_in_dim3A_197 = vector.shape_cast %broadcast_in_dim3A_193 : vector<256x1xi32> to vector<256x1xi32>
    %broadcast_in_dim3A_198 = vector.broadcast %broadcast_in_dim3A_197 : vector<256x1xi32> to vector<256x16xi32>
    %select_n3A_199 = arith.select %eq3A_196, %broadcast_in_dim3A_198, %select_n3A_186 : vector<256x16xi1>, vector<256x16xi32>
    %eq3A_200 = vector.broadcast %broadcast_in_dim3A_193 : vector<256x1xi32> to vector<256x4096xi32>
    %eq3A_201 = arith.cmpi eq, %iota3A, %eq3A_200 : vector<256x4096xi32>
    %jit3A_202 = arith.constant 0xFF800000 : f32
    %broadcast_in_dim3A_203 = vector.broadcast %jit3A_202 : f32 to vector<256x4096xf32>
    %select_n3A_204 = arith.select %eq3A_201, %broadcast_in_dim3A_203, %select_n3A_191 : vector<256x4096xi1>, vector<256x4096xf32>
    %argmax3A_205 = tpu.reduce_index %select_n3A_204 {axis = 1 : i32, kind = #tpu.reduction_kind<arg_max>} : vector<256x4096xf32> -> vector<256xi32>
    %broadcast_in_dim3A_206 = vector.shape_cast %argmax3A_205 : vector<256xi32> to vector<256x1xi32>
    %eq3A_207 = arith.constant 14 : i32
    %eq3A_208 = vector.broadcast %eq3A_207 : i32 to vector<256x16xi32>
    %eq3A_209 = arith.cmpi eq, %iota3A_24, %eq3A_208 : vector<256x16xi32>
    %broadcast_in_dim3A_210 = vector.shape_cast %broadcast_in_dim3A_206 : vector<256x1xi32> to vector<256x1xi32>
    %broadcast_in_dim3A_211 = vector.broadcast %broadcast_in_dim3A_210 : vector<256x1xi32> to vector<256x16xi32>
    %select_n3A_212 = arith.select %eq3A_209, %broadcast_in_dim3A_211, %select_n3A_199 : vector<256x16xi1>, vector<256x16xi32>
    %eq3A_213 = vector.broadcast %broadcast_in_dim3A_206 : vector<256x1xi32> to vector<256x4096xi32>
    %eq3A_214 = arith.cmpi eq, %iota3A, %eq3A_213 : vector<256x4096xi32>
    %jit3A_215 = arith.constant 0xFF800000 : f32
    %broadcast_in_dim3A_216 = vector.broadcast %jit3A_215 : f32 to vector<256x4096xf32>
    %select_n3A_217 = arith.select %eq3A_214, %broadcast_in_dim3A_216, %select_n3A_204 : vector<256x4096xi1>, vector<256x4096xf32>
    %argmax3A_218 = tpu.reduce_index %select_n3A_217 {axis = 1 : i32, kind = #tpu.reduction_kind<arg_max>} : vector<256x4096xf32> -> vector<256xi32>
    %broadcast_in_dim3A_219 = vector.shape_cast %argmax3A_218 : vector<256xi32> to vector<256x1xi32>
    %eq3A_220 = arith.constant 15 : i32
    %eq3A_221 = vector.broadcast %eq3A_220 : i32 to vector<256x16xi32>
    %eq3A_222 = arith.cmpi eq, %iota3A_24, %eq3A_221 : vector<256x16xi32>
    %broadcast_in_dim3A_223 = vector.shape_cast %broadcast_in_dim3A_219 : vector<256x1xi32> to vector<256x1xi32>
    %broadcast_in_dim3A_224 = vector.broadcast %broadcast_in_dim3A_223 : vector<256x1xi32> to vector<256x16xi32>
    %select_n3A_225 = arith.select %eq3A_222, %broadcast_in_dim3A_224, %select_n3A_212 : vector<256x16xi1>, vector<256x16xi32>
    %transpose3A = tpu.transpose %select_n3A_225, [1, 0] : vector<256x16xi32> -> vector<16x256xi32>
    %mul3A_226 = arith.constant 4096 : i32
    %mul3A_227 = arith.muli %add3A_0, %mul3A_226 : i32
    %add3A_228 = vector.broadcast %mul3A_227 : i32 to vector<16x256xi32>
    %add3A_229 = arith.addi %transpose3A, %add3A_228 : vector<16x256xi32>
    %swap3A = arith.constant 0 : index
    %swap3A_230 = arith.constant 0 : index
    %swap3A_231 = arith.constant 0 : index
    %swap3A_232 = vector.load %arg4[%swap3A, %swap3A_230, %swap3A_231] : memref<1x16x256xi32, #tpu.memory_space<vmem>>, vector<1x16x256xi32>
    %swap3A_233 = vector.shape_cast %swap3A_232 : vector<1x16x256xi32> to vector<16x256xi32>
    %swap3A_234 = vector.shape_cast %add3A_229 : vector<16x256xi32> to vector<1x16x256xi32>
    tpu.vector_store %arg4[%swap3A, %swap3A_230, %swap3A_231], %swap3A_234 {strides = array<i32>} : memref<1x16x256xi32, #tpu.memory_space<vmem>>, vector<1x16x256xi32>,
    return
  }
  func.func @transform_0(%arg0: i32, %arg1: i32) -> (i32, i32, i32) {
    %c0_i32 = arith.constant 0 : i32
    %c0_i32_0 = arith.constant 0 : i32
    %c0_i32_1 = arith.constant 0 : i32
    return %arg0, %c0_i32, %c0_i32_0 : i32, i32, i32
  }
  func.func @transform_1(%arg0: i32, %arg1: i32) -> (i32, i32, i32) {
    %c0_i32 = arith.constant 0 : i32
    %c0_i32_0 = arith.constant 0 : i32
    return %arg0, %arg1, %c0_i32 : i32, i32, i32
  }
  func.func @transform_2(%arg0: i32, %arg1: i32) -> (i32, i32, i32) {
    %c0_i32 = arith.constant 0 : i32
    %c0_i32_0 = arith.constant 0 : i32
    return %arg0, %c0_i32, %arg1 : i32, i32, i32
  }
}

module attributes {stable_mosaic.version = 14 : i64} {
  func.func @body(%arg0: i32, %arg1: i32, %arg2: memref<1x64x4096xf32, #tpu.memory_space<vmem>>, %arg3: memref<1x256x64xf32, #tpu.memory_space<vmem>>, %arg4: memref<1x16x256xi32, #tpu.memory_space<vmem>>) attributes {dimension_semantics = [#tpu.dimension_semantics<arbitrary>, #tpu.dimension_semantics<arbitrary>], iteration_bounds = array<i64: 4, 4>, scalar_prefetch = 0 : i64, scratch_operands = 0 : i64, tpu.core_type = #tpu.core_type<tc>, window_params = [{transform_indices = @transform_0, window_bounds = array<i64: 1, 64, 4096>}, {transform_indices = @transform_1, window_bounds = array<i64: 1, 256, 64>}, {transform_indices = @transform_2, window_bounds = array<i64: 1, 16, 256>}]} {
    %add3A = arith.constant 12 : i32
    %add3A_0 = arith.addi %arg0, %add3A : i32
    %get3A = arith.constant 0 : index
    %get3A_1 = arith.constant 0 : index
    %get3A_2 = arith.constant 0 : index
    %get3A_3 = vector.load %arg2[%get3A, %get3A_1, %get3A_2] : memref<1x64x4096xf32, #tpu.memory_space<vmem>>, vector<1x64x4096xf32>
    %get3A_4 = vector.shape_cast %get3A_3 : vector<1x64x4096xf32> to vector<64x4096xf32>
    %get3A_5 = arith.constant 0 : index
    %get3A_6 = arith.constant 0 : index
    %get3A_7 = arith.constant 0 : index
    %get3A_8 = vector.load %arg3[%get3A_5, %get3A_6, %get3A_7] : memref<1x256x64xf32, #tpu.memory_space<vmem>>, vector<1x256x64xf32>
    %get3A_9 = vector.shape_cast %get3A_8 : vector<1x256x64xf32> to vector<256x64xf32>
    %dot_general3A = arith.constant dense<0.000000e+00> : vector<256x4096xf32>
    %dot_general3A_10 = tpu.matmul %get3A_9, %get3A_4, %dot_general3A {dimension_numbers = #tpu.dot_dimension_numbers<[1], [0], [0], [1], [0, 0, 1, 1], [], []>, transpose_lhs_hint = false} : vector<256x64xf32>, vector<64x4096xf32>, vector<256x4096xf32> -> vector<256x4096xf32>
    %mul3A = arith.constant -2.000000e+00 : f32
    %mul3A_11 = vector.broadcast %mul3A : f32 to vector<256x4096xf32>
    %mul3A_12 = arith.mulf %mul3A_11, %dot_general3A_10 : vector<256x4096xf32>
    %mul3A_13 = arith.mulf %get3A_4, %get3A_4 : vector<64x4096xf32>
    %reduce_sum3A = arith.constant dense<0.000000e+00> : vector<4096xf32>
    %reduce_sum3A_14 = vector.multi_reduction <add>, %mul3A_13, %reduce_sum3A [0] : vector<64x4096xf32> to vector<4096xf32>
    %broadcast_in_dim3A = vector.shape_cast %reduce_sum3A_14 : vector<4096xf32> to vector<1x4096xf32>
    %mul3A_15 = arith.mulf %get3A_9, %get3A_9 : vector<256x64xf32>
    %reduce_sum3A_16 = arith.constant dense<0.000000e+00> : vector<256xf32>
    %reduce_sum3A_17 = vector.multi_reduction <add>, %mul3A_15, %reduce_sum3A_16 [1] : vector<256x64xf32> to vector<256xf32>
    %broadcast_in_dim3A_18 = vector.shape_cast %reduce_sum3A_17 : vector<256xf32> to vector<256x1xf32>
    %neg3A = arith.constant 0.000000e+00 : f32
    %neg3A_19 = vector.broadcast %neg3A : f32 to vector<1x4096xf32>
    %neg3A_20 = arith.subf %neg3A_19, %broadcast_in_dim3A : vector<1x4096xf32>
    %sub3A = vector.broadcast %neg3A_20 : vector<1x4096xf32> to vector<256x4096xf32>
    %sub3A_21 = arith.subf %sub3A, %mul3A_12 : vector<256x4096xf32>
    %sub3A_22 = vector.broadcast %broadcast_in_dim3A_18 : vector<256x1xf32> to vector<256x4096xf32>
    %sub3A_23 = arith.subf %sub3A_21, %sub3A_22 : vector<256x4096xf32>
    %iota3A = tpu.iota {dimensions = array<i32: 1>} : vector<256x4096xi32>
    %iota3A_24 = tpu.iota {dimensions = array<i32: 1>} : vector<256x16xi32>
    %broadcast_in_dim3A_25 = arith.constant 0 : i32
    %broadcast_in_dim3A_26 = vector.broadcast %broadcast_in_dim3A_25 : i32 to vector<256x16xi32>
    %argmax3A = tpu.reduce_index %sub3A_23 {axis = 1 : i32, kind = #tpu.reduction_kind<arg_max>} : vector<256x4096xf32> -> vector<256xi32>
    %broadcast_in_dim3A_27 = vector.shape_cast %argmax3A : vector<256xi32> to vector<256x1xi32>
    %eq3A = arith.constant 0 : i32
    %eq3A_28 = vector.broadcast %eq3A : i32 to vector<256x16xi32>
    %eq3A_29 = arith.cmpi eq, %iota3A_24, %eq3A_28 : vector<256x16xi32>
    %broadcast_in_dim3A_30 = vector.shape_cast %broadcast_in_dim3A_27 : vector<256x1xi32> to vector<256x1xi32>
    %broadcast_in_dim3A_31 = vector.broadcast %broadcast_in_dim3A_30 : vector<256x1xi32> to vector<256x16xi32>
    %select_n3A = arith.select %eq3A_29, %broadcast_in_dim3A_31, %broadcast_in_dim3A_26 : vector<256x16xi1>, vector<256x16xi32>
    %eq3A_32 = vector.broadcast %broadcast_in_dim3A_27 : vector<256x1xi32> to vector<256x4096xi32>
    %eq3A_33 = arith.cmpi eq, %iota3A, %eq3A_32 : vector<256x4096xi32>
    %jit3A = arith.constant 0xFF800000 : f32
    %broadcast_in_dim3A_34 = vector.broadcast %jit3A : f32 to vector<256x4096xf32>
    %select_n3A_35 = arith.select %eq3A_33, %broadcast_in_dim3A_34, %sub3A_23 : vector<256x4096xi1>, vector<256x4096xf32>
    %argmax3A_36 = tpu.reduce_index %select_n3A_35 {axis = 1 : i32, kind = #tpu.reduction_kind<arg_max>} : vector<256x4096xf32> -> vector<256xi32>
    %broadcast_in_dim3A_37 = vector.shape_cast %argmax3A_36 : vector<256xi32> to vector<256x1xi32>
    %eq3A_38 = arith.constant 1 : i32
    %eq3A_39 = vector.broadcast %eq3A_38 : i32 to vector<256x16xi32>
    %eq3A_40 = arith.cmpi eq, %iota3A_24, %eq3A_39 : vector<256x16xi32>
    %broadcast_in_dim3A_41 = vector.shape_cast %broadcast_in_dim3A_37 : vector<256x1xi32> to vector<256x1xi32>
    %broadcast_in_dim3A_42 = vector.broadcast %broadcast_in_dim3A_41 : vector<256x1xi32> to vector<256x16xi32>
    %select_n3A_43 = arith.select %eq3A_40, %broadcast_in_dim3A_42, %select_n3A : vector<256x16xi1>, vector<256x16xi32>
    %eq3A_44 = vector.broadcast %broadcast_in_dim3A_37 : vector<256x1xi32> to vector<256x4096xi32>
    %eq3A_45 = arith.cmpi eq, %iota3A, %eq3A_44 : vector<256x4096xi32>
    %jit3A_46 = arith.constant 0xFF800000 : f32
    %broadcast_in_dim3A_47 = vector.broadcast %jit3A_46 : f32 to vector<256x4096xf32>
    %select_n3A_48 = arith.select %eq3A_45, %broadcast_in_dim3A_47, %select_n3A_35 : vector<256x4096xi1>, vector<256x4096xf32>
    %argmax3A_49 = tpu.reduce_index %select_n3A_48 {axis = 1 : i32, kind = #tpu.reduction_kind<arg_max>} : vector<256x4096xf32> -> vector<256xi32>
    %broadcast_in_dim3A_50 = vector.shape_cast %argmax3A_49 : vector<256xi32> to vector<256x1xi32>
    %eq3A_51 = arith.constant 2 : i32
    %eq3A_52 = vector.broadcast %eq3A_51 : i32 to vector<256x16xi32>
    %eq3A_53 = arith.cmpi eq, %iota3A_24, %eq3A_52 : vector<256x16xi32>
    %broadcast_in_dim3A_54 = vector.shape_cast %broadcast_in_dim3A_50 : vector<256x1xi32> to vector<256x1xi32>
    %broadcast_in_dim3A_55 = vector.broadcast %broadcast_in_dim3A_54 : vector<256x1xi32> to vector<256x16xi32>
    %select_n3A_56 = arith.select %eq3A_53, %broadcast_in_dim3A_55, %select_n3A_43 : vector<256x16xi1>, vector<256x16xi32>
    %eq3A_57 = vector.broadcast %broadcast_in_dim3A_50 : vector<256x1xi32> to vector<256x4096xi32>
    %eq3A_58 = arith.cmpi eq, %iota3A, %eq3A_57 : vector<256x4096xi32>
    %jit3A_59 = arith.constant 0xFF800000 : f32
    %broadcast_in_dim3A_60 = vector.broadcast %jit3A_59 : f32 to vector<256x4096xf32>
    %select_n3A_61 = arith.select %eq3A_58, %broadcast_in_dim3A_60, %select_n3A_48 : vector<256x4096xi1>, vector<256x4096xf32>
    %argmax3A_62 = tpu.reduce_index %select_n3A_61 {axis = 1 : i32, kind = #tpu.reduction_kind<arg_max>} : vector<256x4096xf32> -> vector<256xi32>
    %broadcast_in_dim3A_63 = vector.shape_cast %argmax3A_62 : vector<256xi32> to vector<256x1xi32>
    %eq3A_64 = arith.constant 3 : i32
    %eq3A_65 = vector.broadcast %eq3A_64 : i32 to vector<256x16xi32>
    %eq3A_66 = arith.cmpi eq, %iota3A_24, %eq3A_65 : vector<256x16xi32>
    %broadcast_in_dim3A_67 = vector.shape_cast %broadcast_in_dim3A_63 : vector<256x1xi32> to vector<256x1xi32>
    %broadcast_in_dim3A_68 = vector.broadcast %broadcast_in_dim3A_67 : vector<256x1xi32> to vector<256x16xi32>
    %select_n3A_69 = arith.select %eq3A_66, %broadcast_in_dim3A_68, %select_n3A_56 : vector<256x16xi1>, vector<256x16xi32>
    %eq3A_70 = vector.broadcast %broadcast_in_dim3A_63 : vector<256x1xi32> to vector<256x4096xi32>
    %eq3A_71 = arith.cmpi eq, %iota3A, %eq3A_70 : vector<256x4096xi32>
    %jit3A_72 = arith.constant 0xFF800000 : f32
    %broadcast_in_dim3A_73 = vector.broadcast %jit3A_72 : f32 to vector<256x4096xf32>
    %select_n3A_74 = arith.select %eq3A_71, %broadcast_in_dim3A_73, %select_n3A_61 : vector<256x4096xi1>, vector<256x4096xf32>
    %argmax3A_75 = tpu.reduce_index %select_n3A_74 {axis = 1 : i32, kind = #tpu.reduction_kind<arg_max>} : vector<256x4096xf32> -> vector<256xi32>
    %broadcast_in_dim3A_76 = vector.shape_cast %argmax3A_75 : vector<256xi32> to vector<256x1xi32>
    %eq3A_77 = arith.constant 4 : i32
    %eq3A_78 = vector.broadcast %eq3A_77 : i32 to vector<256x16xi32>
    %eq3A_79 = arith.cmpi eq, %iota3A_24, %eq3A_78 : vector<256x16xi32>
    %broadcast_in_dim3A_80 = vector.shape_cast %broadcast_in_dim3A_76 : vector<256x1xi32> to vector<256x1xi32>
    %broadcast_in_dim3A_81 = vector.broadcast %broadcast_in_dim3A_80 : vector<256x1xi32> to vector<256x16xi32>
    %select_n3A_82 = arith.select %eq3A_79, %broadcast_in_dim3A_81, %select_n3A_69 : vector<256x16xi1>, vector<256x16xi32>
    %eq3A_83 = vector.broadcast %broadcast_in_dim3A_76 : vector<256x1xi32> to vector<256x4096xi32>
    %eq3A_84 = arith.cmpi eq, %iota3A, %eq3A_83 : vector<256x4096xi32>
    %jit3A_85 = arith.constant 0xFF800000 : f32
    %broadcast_in_dim3A_86 = vector.broadcast %jit3A_85 : f32 to vector<256x4096xf32>
    %select_n3A_87 = arith.select %eq3A_84, %broadcast_in_dim3A_86, %select_n3A_74 : vector<256x4096xi1>, vector<256x4096xf32>
    %argmax3A_88 = tpu.reduce_index %select_n3A_87 {axis = 1 : i32, kind = #tpu.reduction_kind<arg_max>} : vector<256x4096xf32> -> vector<256xi32>
    %broadcast_in_dim3A_89 = vector.shape_cast %argmax3A_88 : vector<256xi32> to vector<256x1xi32>
    %eq3A_90 = arith.constant 5 : i32
    %eq3A_91 = vector.broadcast %eq3A_90 : i32 to vector<256x16xi32>
    %eq3A_92 = arith.cmpi eq, %iota3A_24, %eq3A_91 : vector<256x16xi32>
    %broadcast_in_dim3A_93 = vector.shape_cast %broadcast_in_dim3A_89 : vector<256x1xi32> to vector<256x1xi32>
    %broadcast_in_dim3A_94 = vector.broadcast %broadcast_in_dim3A_93 : vector<256x1xi32> to vector<256x16xi32>
    %select_n3A_95 = arith.select %eq3A_92, %broadcast_in_dim3A_94, %select_n3A_82 : vector<256x16xi1>, vector<256x16xi32>
    %eq3A_96 = vector.broadcast %broadcast_in_dim3A_89 : vector<256x1xi32> to vector<256x4096xi32>
    %eq3A_97 = arith.cmpi eq, %iota3A, %eq3A_96 : vector<256x4096xi32>
    %jit3A_98 = arith.constant 0xFF800000 : f32
    %broadcast_in_dim3A_99 = vector.broadcast %jit3A_98 : f32 to vector<256x4096xf32>
    %select_n3A_100 = arith.select %eq3A_97, %broadcast_in_dim3A_99, %select_n3A_87 : vector<256x4096xi1>, vector<256x4096xf32>
    %argmax3A_101 = tpu.reduce_index %select_n3A_100 {axis = 1 : i32, kind = #tpu.reduction_kind<arg_max>} : vector<256x4096xf32> -> vector<256xi32>
    %broadcast_in_dim3A_102 = vector.shape_cast %argmax3A_101 : vector<256xi32> to vector<256x1xi32>
    %eq3A_103 = arith.constant 6 : i32
    %eq3A_104 = vector.broadcast %eq3A_103 : i32 to vector<256x16xi32>
    %eq3A_105 = arith.cmpi eq, %iota3A_24, %eq3A_104 : vector<256x16xi32>
    %broadcast_in_dim3A_106 = vector.shape_cast %broadcast_in_dim3A_102 : vector<256x1xi32> to vector<256x1xi32>
    %broadcast_in_dim3A_107 = vector.broadcast %broadcast_in_dim3A_106 : vector<256x1xi32> to vector<256x16xi32>
    %select_n3A_108 = arith.select %eq3A_105, %broadcast_in_dim3A_107, %select_n3A_95 : vector<256x16xi1>, vector<256x16xi32>
    %eq3A_109 = vector.broadcast %broadcast_in_dim3A_102 : vector<256x1xi32> to vector<256x4096xi32>
    %eq3A_110 = arith.cmpi eq, %iota3A, %eq3A_109 : vector<256x4096xi32>
    %jit3A_111 = arith.constant 0xFF800000 : f32
    %broadcast_in_dim3A_112 = vector.broadcast %jit3A_111 : f32 to vector<256x4096xf32>
    %select_n3A_113 = arith.select %eq3A_110, %broadcast_in_dim3A_112, %select_n3A_100 : vector<256x4096xi1>, vector<256x4096xf32>
    %argmax3A_114 = tpu.reduce_index %select_n3A_113 {axis = 1 : i32, kind = #tpu.reduction_kind<arg_max>} : vector<256x4096xf32> -> vector<256xi32>
    %broadcast_in_dim3A_115 = vector.shape_cast %argmax3A_114 : vector<256xi32> to vector<256x1xi32>
    %eq3A_116 = arith.constant 7 : i32
    %eq3A_117 = vector.broadcast %eq3A_116 : i32 to vector<256x16xi32>
    %eq3A_118 = arith.cmpi eq, %iota3A_24, %eq3A_117 : vector<256x16xi32>
    %broadcast_in_dim3A_119 = vector.shape_cast %broadcast_in_dim3A_115 : vector<256x1xi32> to vector<256x1xi32>
    %broadcast_in_dim3A_120 = vector.broadcast %broadcast_in_dim3A_119 : vector<256x1xi32> to vector<256x16xi32>
    %select_n3A_121 = arith.select %eq3A_118, %broadcast_in_dim3A_120, %select_n3A_108 : vector<256x16xi1>, vector<256x16xi32>
    %eq3A_122 = vector.broadcast %broadcast_in_dim3A_115 : vector<256x1xi32> to vector<256x4096xi32>
    %eq3A_123 = arith.cmpi eq, %iota3A, %eq3A_122 : vector<256x4096xi32>
    %jit3A_124 = arith.constant 0xFF800000 : f32
    %broadcast_in_dim3A_125 = vector.broadcast %jit3A_124 : f32 to vector<256x4096xf32>
    %select_n3A_126 = arith.select %eq3A_123, %broadcast_in_dim3A_125, %select_n3A_113 : vector<256x4096xi1>, vector<256x4096xf32>
    %argmax3A_127 = tpu.reduce_index %select_n3A_126 {axis = 1 : i32, kind = #tpu.reduction_kind<arg_max>} : vector<256x4096xf32> -> vector<256xi32>
    %broadcast_in_dim3A_128 = vector.shape_cast %argmax3A_127 : vector<256xi32> to vector<256x1xi32>
    %eq3A_129 = arith.constant 8 : i32
    %eq3A_130 = vector.broadcast %eq3A_129 : i32 to vector<256x16xi32>
    %eq3A_131 = arith.cmpi eq, %iota3A_24, %eq3A_130 : vector<256x16xi32>
    %broadcast_in_dim3A_132 = vector.shape_cast %broadcast_in_dim3A_128 : vector<256x1xi32> to vector<256x1xi32>
    %broadcast_in_dim3A_133 = vector.broadcast %broadcast_in_dim3A_132 : vector<256x1xi32> to vector<256x16xi32>
    %select_n3A_134 = arith.select %eq3A_131, %broadcast_in_dim3A_133, %select_n3A_121 : vector<256x16xi1>, vector<256x16xi32>
    %eq3A_135 = vector.broadcast %broadcast_in_dim3A_128 : vector<256x1xi32> to vector<256x4096xi32>
    %eq3A_136 = arith.cmpi eq, %iota3A, %eq3A_135 : vector<256x4096xi32>
    %jit3A_137 = arith.constant 0xFF800000 : f32
    %broadcast_in_dim3A_138 = vector.broadcast %jit3A_137 : f32 to vector<256x4096xf32>
    %select_n3A_139 = arith.select %eq3A_136, %broadcast_in_dim3A_138, %select_n3A_126 : vector<256x4096xi1>, vector<256x4096xf32>
    %argmax3A_140 = tpu.reduce_index %select_n3A_139 {axis = 1 : i32, kind = #tpu.reduction_kind<arg_max>} : vector<256x4096xf32> -> vector<256xi32>
    %broadcast_in_dim3A_141 = vector.shape_cast %argmax3A_140 : vector<256xi32> to vector<256x1xi32>
    %eq3A_142 = arith.constant 9 : i32
    %eq3A_143 = vector.broadcast %eq3A_142 : i32 to vector<256x16xi32>
    %eq3A_144 = arith.cmpi eq, %iota3A_24, %eq3A_143 : vector<256x16xi32>
    %broadcast_in_dim3A_145 = vector.shape_cast %broadcast_in_dim3A_141 : vector<256x1xi32> to vector<256x1xi32>
    %broadcast_in_dim3A_146 = vector.broadcast %broadcast_in_dim3A_145 : vector<256x1xi32> to vector<256x16xi32>
    %select_n3A_147 = arith.select %eq3A_144, %broadcast_in_dim3A_146, %select_n3A_134 : vector<256x16xi1>, vector<256x16xi32>
    %eq3A_148 = vector.broadcast %broadcast_in_dim3A_141 : vector<256x1xi32> to vector<256x4096xi32>
    %eq3A_149 = arith.cmpi eq, %iota3A, %eq3A_148 : vector<256x4096xi32>
    %jit3A_150 = arith.constant 0xFF800000 : f32
    %broadcast_in_dim3A_151 = vector.broadcast %jit3A_150 : f32 to vector<256x4096xf32>
    %select_n3A_152 = arith.select %eq3A_149, %broadcast_in_dim3A_151, %select_n3A_139 : vector<256x4096xi1>, vector<256x4096xf32>
    %argmax3A_153 = tpu.reduce_index %select_n3A_152 {axis = 1 : i32, kind = #tpu.reduction_kind<arg_max>} : vector<256x4096xf32> -> vector<256xi32>
    %broadcast_in_dim3A_154 = vector.shape_cast %argmax3A_153 : vector<256xi32> to vector<256x1xi32>
    %eq3A_155 = arith.constant 10 : i32
    %eq3A_156 = vector.broadcast %eq3A_155 : i32 to vector<256x16xi32>
    %eq3A_157 = arith.cmpi eq, %iota3A_24, %eq3A_156 : vector<256x16xi32>
    %broadcast_in_dim3A_158 = vector.shape_cast %broadcast_in_dim3A_154 : vector<256x1xi32> to vector<256x1xi32>
    %broadcast_in_dim3A_159 = vector.broadcast %broadcast_in_dim3A_158 : vector<256x1xi32> to vector<256x16xi32>
    %select_n3A_160 = arith.select %eq3A_157, %broadcast_in_dim3A_159, %select_n3A_147 : vector<256x16xi1>, vector<256x16xi32>
    %eq3A_161 = vector.broadcast %broadcast_in_dim3A_154 : vector<256x1xi32> to vector<256x4096xi32>
    %eq3A_162 = arith.cmpi eq, %iota3A, %eq3A_161 : vector<256x4096xi32>
    %jit3A_163 = arith.constant 0xFF800000 : f32
    %broadcast_in_dim3A_164 = vector.broadcast %jit3A_163 : f32 to vector<256x4096xf32>
    %select_n3A_165 = arith.select %eq3A_162, %broadcast_in_dim3A_164, %select_n3A_152 : vector<256x4096xi1>, vector<256x4096xf32>
    %argmax3A_166 = tpu.reduce_index %select_n3A_165 {axis = 1 : i32, kind = #tpu.reduction_kind<arg_max>} : vector<256x4096xf32> -> vector<256xi32>
    %broadcast_in_dim3A_167 = vector.shape_cast %argmax3A_166 : vector<256xi32> to vector<256x1xi32>
    %eq3A_168 = arith.constant 11 : i32
    %eq3A_169 = vector.broadcast %eq3A_168 : i32 to vector<256x16xi32>
    %eq3A_170 = arith.cmpi eq, %iota3A_24, %eq3A_169 : vector<256x16xi32>
    %broadcast_in_dim3A_171 = vector.shape_cast %broadcast_in_dim3A_167 : vector<256x1xi32> to vector<256x1xi32>
    %broadcast_in_dim3A_172 = vector.broadcast %broadcast_in_dim3A_171 : vector<256x1xi32> to vector<256x16xi32>
    %select_n3A_173 = arith.select %eq3A_170, %broadcast_in_dim3A_172, %select_n3A_160 : vector<256x16xi1>, vector<256x16xi32>
    %eq3A_174 = vector.broadcast %broadcast_in_dim3A_167 : vector<256x1xi32> to vector<256x4096xi32>
    %eq3A_175 = arith.cmpi eq, %iota3A, %eq3A_174 : vector<256x4096xi32>
    %jit3A_176 = arith.constant 0xFF800000 : f32
    %broadcast_in_dim3A_177 = vector.broadcast %jit3A_176 : f32 to vector<256x4096xf32>
    %select_n3A_178 = arith.select %eq3A_175, %broadcast_in_dim3A_177, %select_n3A_165 : vector<256x4096xi1>, vector<256x4096xf32>
    %argmax3A_179 = tpu.reduce_index %select_n3A_178 {axis = 1 : i32, kind = #tpu.reduction_kind<arg_max>} : vector<256x4096xf32> -> vector<256xi32>
    %broadcast_in_dim3A_180 = vector.shape_cast %argmax3A_179 : vector<256xi32> to vector<256x1xi32>
    %eq3A_181 = arith.constant 12 : i32
    %eq3A_182 = vector.broadcast %eq3A_181 : i32 to vector<256x16xi32>
    %eq3A_183 = arith.cmpi eq, %iota3A_24, %eq3A_182 : vector<256x16xi32>
    %broadcast_in_dim3A_184 = vector.shape_cast %broadcast_in_dim3A_180 : vector<256x1xi32> to vector<256x1xi32>
    %broadcast_in_dim3A_185 = vector.broadcast %broadcast_in_dim3A_184 : vector<256x1xi32> to vector<256x16xi32>
    %select_n3A_186 = arith.select %eq3A_183, %broadcast_in_dim3A_185, %select_n3A_173 : vector<256x16xi1>, vector<256x16xi32>
    %eq3A_187 = vector.broadcast %broadcast_in_dim3A_180 : vector<256x1xi32> to vector<256x4096xi32>
    %eq3A_188 = arith.cmpi eq, %iota3A, %eq3A_187 : vector<256x4096xi32>
    %jit3A_189 = arith.constant 0xFF800000 : f32
    %broadcast_in_dim3A_190 = vector.broadcast %jit3A_189 : f32 to vector<256x4096xf32>
    %select_n3A_191 = arith.select %eq3A_188, %broadcast_in_dim3A_190, %select_n3A_178 : vector<256x4096xi1>, vector<256x4096xf32>
    %argmax3A_192 = tpu.reduce_index %select_n3A_191 {axis = 1 : i32, kind = #tpu.reduction_kind<arg_max>} : vector<256x4096xf32> -> vector<256xi32>
    %broadcast_in_dim3A_193 = vector.shape_cast %argmax3A_192 : vector<256xi32> to vector<256x1xi32>
    %eq3A_194 = arith.constant 13 : i32
    %eq3A_195 = vector.broadcast %eq3A_194 : i32 to vector<256x16xi32>
    %eq3A_196 = arith.cmpi eq, %iota3A_24, %eq3A_195 : vector<256x16xi32>
    %broadcast_in_dim3A_197 = vector.shape_cast %broadcast_in_dim3A_193 : vector<256x1xi32> to vector<256x1xi32>
    %broadcast_in_dim3A_198 = vector.broadcast %broadcast_in_dim3A_197 : vector<256x1xi32> to vector<256x16xi32>
    %select_n3A_199 = arith.select %eq3A_196, %broadcast_in_dim3A_198, %select_n3A_186 : vector<256x16xi1>, vector<256x16xi32>
    %eq3A_200 = vector.broadcast %broadcast_in_dim3A_193 : vector<256x1xi32> to vector<256x4096xi32>
    %eq3A_201 = arith.cmpi eq, %iota3A, %eq3A_200 : vector<256x4096xi32>
    %jit3A_202 = arith.constant 0xFF800000 : f32
    %broadcast_in_dim3A_203 = vector.broadcast %jit3A_202 : f32 to vector<256x4096xf32>
    %select_n3A_204 = arith.select %eq3A_201, %broadcast_in_dim3A_203, %select_n3A_191 : vector<256x4096xi1>, vector<256x4096xf32>
    %argmax3A_205 = tpu.reduce_index %select_n3A_204 {axis = 1 : i32, kind = #tpu.reduction_kind<arg_max>} : vector<256x4096xf32> -> vector<256xi32>
    %broadcast_in_dim3A_206 = vector.shape_cast %argmax3A_205 : vector<256xi32> to vector<256x1xi32>
    %eq3A_207 = arith.constant 14 : i32
    %eq3A_208 = vector.broadcast %eq3A_207 : i32 to vector<256x16xi32>
    %eq3A_209 = arith.cmpi eq, %iota3A_24, %eq3A_208 : vector<256x16xi32>
    %broadcast_in_dim3A_210 = vector.shape_cast %broadcast_in_dim3A_206 : vector<256x1xi32> to vector<256x1xi32>
    %broadcast_in_dim3A_211 = vector.broadcast %broadcast_in_dim3A_210 : vector<256x1xi32> to vector<256x16xi32>
    %select_n3A_212 = arith.select %eq3A_209, %broadcast_in_dim3A_211, %select_n3A_199 : vector<256x16xi1>, vector<256x16xi32>
    %eq3A_213 = vector.broadcast %broadcast_in_dim3A_206 : vector<256x1xi32> to vector<256x4096xi32>
    %eq3A_214 = arith.cmpi eq, %iota3A, %eq3A_213 : vector<256x4096xi32>
    %jit3A_215 = arith.constant 0xFF800000 : f32
    %broadcast_in_dim3A_216 = vector.broadcast %jit3A_215 : f32 to vector<256x4096xf32>
    %select_n3A_217 = arith.select %eq3A_214, %broadcast_in_dim3A_216, %select_n3A_204 : vector<256x4096xi1>, vector<256x4096xf32>
    %argmax3A_218 = tpu.reduce_index %select_n3A_217 {axis = 1 : i32, kind = #tpu.reduction_kind<arg_max>} : vector<256x4096xf32> -> vector<256xi32>
    %broadcast_in_dim3A_219 = vector.shape_cast %argmax3A_218 : vector<256xi32> to vector<256x1xi32>
    %eq3A_220 = arith.constant 15 : i32
    %eq3A_221 = vector.broadcast %eq3A_220 : i32 to vector<256x16xi32>
    %eq3A_222 = arith.cmpi eq, %iota3A_24, %eq3A_221 : vector<256x16xi32>
    %broadcast_in_dim3A_223 = vector.shape_cast %broadcast_in_dim3A_219 : vector<256x1xi32> to vector<256x1xi32>
    %broadcast_in_dim3A_224 = vector.broadcast %broadcast_in_dim3A_223 : vector<256x1xi32> to vector<256x16xi32>
    %select_n3A_225 = arith.select %eq3A_222, %broadcast_in_dim3A_224, %select_n3A_212 : vector<256x16xi1>, vector<256x16xi32>
    %transpose3A = tpu.transpose %select_n3A_225, [1, 0] : vector<256x16xi32> -> vector<16x256xi32>
    %mul3A_226 = arith.constant 4096 : i32
    %mul3A_227 = arith.muli %add3A_0, %mul3A_226 : i32
    %add3A_228 = vector.broadcast %mul3A_227 : i32 to vector<16x256xi32>
    %add3A_229 = arith.addi %transpose3A, %add3A_228 : vector<16x256xi32>
    %swap3A = arith.constant 0 : index
    %swap3A_230 = arith.constant 0 : index
    %swap3A_231 = arith.constant 0 : index
    %swap3A_232 = vector.load %arg4[%swap3A, %swap3A_230, %swap3A_231] : memref<1x16x256xi32, #tpu.memory_space<vmem>>, vector<1x16x256xi32>
    %swap3A_233 = vector.shape_cast %swap3A_232 : vector<1x16x256xi32> to vector<16x256xi32>
    %swap3A_234 = vector.shape_cast %add3A_229 : vector<16x256xi32> to vector<1x16x256xi32>
    tpu.vector_store %arg4[%swap3A, %swap3A_230, %swap3A_231], %swap3A_234 {strides = array<i32>} : memref<1x16x256xi32, #tpu.memory_space<vmem>>, vector<1x16x256xi32>,
    return
  }
  func.func @transform_0(%arg0: i32, %arg1: i32) -> (i32, i32, i32) {
    %c0_i32 = arith.constant 0 : i32
    %c0_i32_0 = arith.constant 0 : i32
    %c0_i32_1 = arith.constant 0 : i32
    return %arg0, %c0_i32, %c0_i32_0 : i32, i32, i32
  }
  func.func @transform_1(%arg0: i32, %arg1: i32) -> (i32, i32, i32) {
    %c0_i32 = arith.constant 0 : i32
    %c0_i32_0 = arith.constant 0 : i32
    return %arg0, %arg1, %c0_i32 : i32, i32, i32
  }
  func.func @transform_2(%arg0: i32, %arg1: i32) -> (i32, i32, i32) {
    %c0_i32 = arith.constant 0 : i32
    %c0_i32_0 = arith.constant 0 : i32
    return %arg0, %c0_i32, %arg1 : i32, i32, i32
  }
}

</mosaic_0001>

<sc_bundles>
// kernel: kernel.14.cloned.1.call-start
scs
__scs_entry_jumppad:
0x0: {  	(pc) =	sbr.rel $0x88, $3  }
0x1: {  	(tag) =	ssettag $0x0;
	lr =	simm.s32 $0x1  }
0x2: {  	[smem:$0x3FA0] =	sst lr;
	_ =	strace $0xD0000000  }
0x3: {  	_ = 	snop  }
0x4: {  	_ = 	snop  }
0x5: {  	_ = 	snop  }
0x6: {  	_ = 	snop  }
0x7: {  	_ = 	snop  }
__scs_overlays_trampoline_lowered:
0x8: {  	[smem:$0x3FAF] =	sst s0  }
0x9: {  	[smem:$0x3FB0] =	sst s1  }
0xa: {  	[smem:$0x3FB1] =	sst s2  }
0xb: {  	[smem:$0x3FB2] =	sst s3  }
0xc: {  	[smem:$0x3FB3] =	sst s4  }
0xd: {  	[smem:$0x3FB4] =	sst s5  }
0xe: {  	[smem:$0x3FB5] =	sst s6  }
0xf: {  	[smem:$0x3FB6] =	sst s7  }
0x10: {  	[smem:$0x3FB7] =	sst s8  }
0x11: {  	[smem:$0x3FB8] =	sst s9;
	s0 =	simm.s32 @!p0 $0x0  }
0x12: {  	s1 =	sld [smem:$0x3F9E];
	s0 =	simm.s32 @p0 $0x1  }
0x13: {  	[smem:$0x3FB9] =	sst s0;
	s0 =	simm.s32 @!p1 $0x0  }
0x14: {  	s2 =	sld [smem:$0x3F9D];
	s0 =	simm.s32 @p1 $0x1  }
0x15: {  	[smem:$0x3FBA] =	sst s0;
	s0 =	simm.s32 @!p2 $0x0  }
0x16: {  	s3 =	sld [smem:$0x3FDB];
	s0 =	simm.s32 @p2 $0x1  }
0x17: {  	s4 =	simm.s32 $0x1BF5;
	[smem:$0x3FBC] =	sst s0  }
0x18: {  	s0 =	sld [smem:$0x3F9F];
	_ =	swait.ge [sflag:s4], $0x0  }
0x19: {  	s7 =	sld [smem:$0x3FA0]  }
0x1a: {  	s8 =	sadd.s32 $0xFFFFE003, lr  }
0x1b: {  	s9 =	sadd.s32 $0xFFFFFEF7, lr;
	s5 =	simm.s32 $0xFFFFFFFF;
	p2 =	slt.u32 s8, $0xFFFFF086  }
0x1c: {  	p1 =	slt.u32 s9, $0xF7A;
	s5 =	simm.s32 @!p2 $0x0  }
0x1d: {  	s5 =	simm.s32 @p1 $0x1;
	p0 =	seq.s32 s7, s2  }
0x1e: {  	s7 =	smul.u32 @!p0 $0xF7A, s2;
	p2 =	seq.s32 @!p0 s5, $0x0  }
0x1f: {  	s9 =	smul.u32 $0xF7A, s1;
	s8 =	simm.s32 @!p0 $0x1BF5;
	p2 =	por !p2, p0  }
0x20: {  	[sflag:s8] =	ssyncset.s32 @!p0 $0xFFFFF086;
	s6 =	sadd.s32 @!p0 s3, s7;
	s7 =	simm.s32 @!p0 $0x108  }
0x21: {  	s3 =	sadd.s32 s3, s9;
	s6 =	sadd.s32 @!p0 $0x88, s6;
	s7 =	simm.s32 @p2 $0x1082  }
0x22: {  	[simem:s7], [sflag:s8] =	dma.local @!p0 [hbm:s6], $0xF7A  }
0x23: {  	s9 =	sor.u32 $0xD0000000, s2;
	s6 =	simm.s32 $0x108;
	_ =	swait.ge @!p0 [sflag:s8], $0x0  }
0x24: {  	s3 =	sadd.s32 $0x88, s3;
	s6 =	simm.s32 @!p1 $0x1082;
	[sflag:s4] =	ssyncset.s32 $0xFFFFF086  }
0x25: {  	[simem:s6], [sflag:s4] =	dma.local [hbm:s3], $0xF7A  }
0x26: {  	[smem:$0x3FA0] =	sst s1;
	(tag) =	ssettag s2;
	_ =	strace s9  }
0x27: {  	s1 =	sld [smem:$0x3FB0]  }
0x28: {  	s2 =	sld [smem:$0x3FB1]  }
0x29: {  	s4 =	sld [smem:$0x3FB3]  }
0x2a: {  	p0 =	seq.s32 s5, $0x0;
	s5 =	sld [smem:$0x3FB4]  }
0x2b: {  	s6 =	sld [smem:$0x3FB5]  }
0x2c: {  	s7 =	sld [smem:$0x3FB6]  }
0x2d: {  	s3 =	simm.s32 $0x108;
	s8 =	sld [smem:$0x3FB7]  }
0x2e: {  	s3 =	simm.s32 @!p0 $0x1082;
	s9 =	sld [smem:$0x3FB8]  }
0x2f: {  	lr =	sadd.s32 s0, s3;
	s0 =	sld [smem:$0x3FAF]  }
0x30: {  	s3 =	sld [smem:$0x3FB2]  }
0x31: {  	[smem:$0x3FBB] =	sst s10  }
0x32: {  	s10 =	sld [smem:$0x3FB9];
	_ =	sdelay $0x3  }
0x33: {  	p0 =	seq.s32 s10, $0x1;
	s10 =	sld [smem:$0x3FBB];
	_ =	sdelay $0x3  }
0x34: {  	[smem:$0x3FBB] =	sst s10  }
0x35: {  	s10 =	sld [smem:$0x3FBA];
	_ =	sdelay $0x3  }
0x36: {  	p1 =	seq.s32 s10, $0x1;
	s10 =	sld [smem:$0x3FBB];
	_ =	sdelay $0x3  }
0x37: {  	[smem:$0x3FBB] =	sst s10  }
0x38: {  	s10 =	sld [smem:$0x3FBC]  }
0x39: {  	_ = 	snop;
	(pc) =	sbr.ind lr, $3  }
0x3a: {  	_ = 	snop  }
0x3b: {  	_ = 	snop  }
0x3c: {  	p2 =	seq.s32 s10, $0x1;
	s10 =	sld [smem:$0x3FBB]  }
0x3d: {  	_ =	shalt  }
0x3e: {  	_ =	shalt  }
0x3f: {  	_ =	shalt  }
0x40: {  	_ =	shalt  }
0x41: {  	_ =	shalt  }
0x42: {  	_ =	shalt  }
0x43: {  	_ =	shalt  }
0x44: {  	_ =	shalt  }
0x45: {  	_ =	shalt  }
0x46: {  	_ =	shalt  }
0x47: {  	_ =	shalt  }
0x48: {  	_ =	shalt  }
0x49: {  	_ =	shalt  }
0x4a: {  	_ =	shalt  }
0x4b: {  	_ =	shalt  }
0x4c: {  	_ =	shalt  }
0x4d: {  	_ =	shalt  }
0x4e: {  	_ =	shalt  }
0x4f: {  	_ =	shalt  }
0x50: {  	_ =	shalt  }
0x51: {  	_ =	shalt  }
0x52: {  	_ =	shalt  }
0x53: {  	_ =	shalt  }
0x54: {  	_ =	shalt  }
0x55: {  	_ =	shalt  }
0x56: {  	_ =	shalt  }
0x57: {  	_ =	shalt  }
0x58: {  	_ =	shalt  }
0x59: {  	_ =	shalt  }
0x5a: {  	_ =	shalt  }
0x5b: {  	_ =	shalt  }
0x5c: {  	_ =	shalt  }
0x5d: {  	_ =	shalt  }
0x5e: {  	_ =	shalt  }
0x5f: {  	_ =	shalt  }
0x60: {  	_ =	shalt  }
0x61: {  	_ =	shalt  }
0x62: {  	_ =	shalt  }
0x63: {  	_ =	shalt  }
0x64: {  	_ =	shalt  }
0x65: {  	_ =	shalt  }
0x66: {  	_ =	shalt  }
0x67: {  	_ =	shalt  }
0x68: {  	_ =	shalt  }
0x69: {  	_ =	shalt  }
0x6a: {  	_ =	shalt  }
0x6b: {  	_ =	shalt  }
0x6c: {  	_ =	shalt  }
0x6d: {  	_ =	shalt  }
0x6e: {  	_ =	shalt  }
0x6f: {  	_ =	shalt  }
0x70: {  	_ =	shalt  }
0x71: {  	_ =	shalt  }
0x72: {  	_ =	shalt  }
0x73: {  	_ =	shalt  }
0x74: {  	_ =	shalt  }
0x75: {  	_ =	shalt  }
0x76: {  	_ =	shalt  }
0x77: {  	_ =	shalt  }
0x78: {  	_ =	shalt  }
0x79: {  	_ =	shalt  }
0x7a: {  	_ =	shalt  }
0x7b: {  	_ =	shalt  }
0x7c: {  	_ =	shalt  }
0x7d: {  	_ =	shalt  }
0x7e: {  	_ =	shalt  }
0x7f: {  	_ =	shalt  }
0x80: {  	_ =	shalt  }
0x81: {  	_ =	shalt  }
0x82: {  	_ =	shalt  }
0x83: {  	_ =	shalt  }
0x84: {  	_ =	shalt  }
0x85: {  	_ =	shalt  }
0x86: {  	_ =	shalt  }
0x87: {  	_ =	shalt  }
.Lfunc_end0:
.L_simem_size_0:
called_computation_lowered:
.L_overlay_start_0:
0x88: {  	s2 =	sld [smem:$0x3FD9]  }
0x89: {  	s3 =	sld [smem:$0x3FFE];
	_ =	sdelay $0x1  }
0x8a: {  	s1 =	srdreg.scid  }
0x8b: {  	s0 =	sand.u32 $0x1, s1  }
0x8c: {  	s16 =	sshll.u32 s0, $0xA;
	s2 =	sadd.s32 s3, s2  }
0x8d: {  	s2 =	sadd.s32 s2, s16  }
0x8e: {  	[smem:$0x3FC7] =	sst s2  }
0x8f: {  	_ = 	snop  }
0x90: {  	(tm) =	ssettm $0x1  }
0x91: {  	s17 =	sld [smem:$0x3FFB];
	_ =	sdelay $0x3  }
0x92: {  	_ =	strace s17  }
0x93: {  	s2 =	sld [smem:$0x3FFC];
	_ =	sdelay $0x3  }
0x94: {  	_ =	strace s2  }
0x95: {  	s2 =	sld [smem:$0x3FFD];
	_ =	sdelay $0x3  }
0x96: {  	_ =	strace s2  }
0x97: {  	_ =	strace $0x8FFFFFFF  }
0x98: {  	s18 =	sld [smem:$0x3FDB];
	_ =	sdelay $0x1  }
0x99: {  	s19 =	simm.s32 $_scs_section_size  }
0x9a: {  	s4 =	simm.s32 $_size__tile_overlayer_lowered;
	s5 =	simm.s32 $_tile_overlayer_lowered  }
0x9b: {  	s22 =	simm.s32 $0x1BFF;
	s21 =	sshll.u32 s5, $0x1;
	s2 =	sadd.s32 s19, s18  }
0x9c: {  	s6 =	simm.s32 $0x0;
	s20 =	sshll.u32 s4, $0x1;
	s4 =	sadd.s32 s21, s2  }
0x9d: {  	[timem:s6], [sflag:s22] =	dma.local [hbm:s4], s20  }
0x9e: {  	_ =	swait.ge [sflag:s22], s20  }
0x9f: {  	s3 =	ssub.s32 $0x0, s20;
	[sflag:s22] =	ssyncset.done $0x0  }
0xa0: {  	[sflag:s22] =	ssyncadd.s32 s3;
	_ =	sdelay $0x1  }
0xa1: {  	s23 =	simm.s32 $0x1B8B  }
0xa2: {  	_ =	swait.ge [sflag:s23], $0x1  }
0xa3: {  	[sflag:s23] =	ssyncset.done $0x0  }
0xa4: {  	s25 =	simm.s32 $0x1B8E;
	s24 =	sld [smem:$0x3FFE];
	[sflag:s23] =	ssyncadd.s32 $0xFFFFFFFF  }
0xa5: {  	s26 =	simm.s32 $execute0_lowered;
	[smem:$0x3FD2] =	sst s25  }
0xa6: {  	s4 =	sshll.u32 s26, $0x1;
	_ =	strace $0x80000046;
	[dreg:$0x1] =	wrdreg $0xFFFFFFFF  }
0xa7: {  	s28 =	simm.s32 $_size_execute0_lowered;
	s2 =	sadd.s32 s2, s4;
	[dreg:$0x0] =	wrdreg $0x0  }
0xa8: {  	s4 =	sshll.u32 s28, $0x1;
	[dreg:$0x2] =	wrdreg s2  }
0xa9: {  	[dreg:$0x3] =	wrdreg s4  }
0xaa: {  	[dreg:$0x4] =	wrdreg $0xC0  }
0xab: {  	_ =	task [dreg:s6], $0x5FFFF  }
0xac: {  	[dreg:$0x1] =	wrdreg $0xFFFFFFFF  }
0xad: {  	[dreg:$0x0] =	wrdreg $0x60  }
0xae: {  	[dreg:$0x2] =	wrdreg s24  }
0xaf: {  	[dreg:$0x3] =	wrdreg $0x9  }
0xb0: {  	_ =	task.clear_ibuf [dreg:s6], $0x4FFFF;
	_ =	strace $0x90000046  }
0xb1: {  	s29 =	simm.s32 $0x9;
	_ =	strace $0x80000048  }
0xb2: {  	_ =	swait.ge [sflag:s29], $0x1  }
0xb3: {  	[sflag:s29] =	ssyncadd.s32 $0xFFFFFFFF  }
0xb4: {  	_ =	strace $0x90000048  }
0xb5: {  	_ =	sfence  }
0xb6: {  	s30 =	sld [smem:$0x0];
	_ =	sdelay $0x2  }
0xb7: {  	s31 =	sshll.u32 s1, $0xD;
	s1 =	sshrl.u32 s1, $0x2  }
0xb8: {  	s3 =	sand.u32 $0x4000, s31;
	s1 =	sadd.s32 s1, s30  }
0xb9: {  	s0 =	sor.u32 s3, s0;
	s1 =	sshll.u32 s1, $0x11  }
0xba: {  	s0 =	sor.u32 s1, s0  }
0xbb: {  	s0 =	sadd.s32 $0x8F2B, s0  }
0xbc: {  	[sflag:s0] =	ssyncadd.remote.s32 $0x1  }
0xbd: {  	_ =	sfence.sel $0xFFFF  }
0xbe: {  	[dreg:$0x0] =	wrdreg $0xFFFFFFFF;
	(pc) =	sbr.abs _section_cstart, $3  }
0xbf: {  	[dreg:$0x1] =	wrdreg $0xFFFFFFFF  }
0xc0: {  	_ =	task.clear_ibuf [dreg:s6], $0x2FFFF;
	_ =	strace $0x9FFFFFFF  }
0xc1: {  	(tm) =	ssettm $0x7FFFFFFF  }
tec
execute0_lowered:
.L_overlay_start_1:
0x0: {  	(tag) =	ssettag $0x1  }
0x1: {  	s1 =	srdreg.scid  }
0x2: {  	s0 =	stileid.u32;
	s6 =	sand.u32 $0x1, s1  }
0x3: {  	s8 =	rddreg [dreg:$0x0];
	s30 =	sshll.u32 s0, $0x8;
	s2 =	sshll.u32 s6, $0x7  }
0x4: {  	s7 =	simm.s32 $0x1;
	s1 =	rddreg [dreg:$0x1];
	s9 =	sor.u32 s2, s30  }
0x5: {  	s5 =	sadd.s32 $0x2A00, s8;
	s2 =	simm.s32 $0x0;
	s3 =	sshrl.u32 s9, $0x3  }
0x6: {  	s10 =	ssub.s32 $0x2, s6;
	[smem:$0x7FF] =	sst s2;
	s3 =	sadd.s32 s3, s8  }
0x7: {  	_ =	strace $0x80000047;
	s4 =	sadd.s32 $0x82A00, s3;
	s3 =	simm.s32 $0x2  }
0x8: {  	[tilespmem:s2], [sflag:$0x2] =	stream.linear.gather [hbm4b:s4+s2], $0x80, $0x38;
	[tilespmem:$0x2080] =	vst v63  }
0x9: {  	s6 =	simm.s32 $0x80;
	s11 =	sshrl.u32 s10, $0x1;
	_ =	swait.ge [sflag:s3], $0x80  }
0xa: {  	s9 =	sshll.u32 s9, $0x3;
	s31 =	ssub.s32 s10, s11;
	[sflag:s3] =	ssyncset.done $0x0  }
0xb: {  	s8 =	sadd.s32 s9, s8;
	s9 =	smax.u32 s31, $0x1;
	[sflag:s3] =	ssyncadd.s32 $0xFFFFFF80  }
0xc: {  	[tilespmem:s6], [sflag:$0x1] =	stream.indirect.gather [hbm4b:s5+s6], $0x40, s2, s6, $0xb8;
	[tilespmem:$0x2080] =	vst v63  }
0xd: {  	p0 =	sne.s32 s9, $0x1;
	_ =	swait.ge [sflag:s7], $0x2000  }
.Ltmp0:
0xe: {  	[sflag:s7] =	ssyncset.done $0x0;
	(pc) =	sbr.rel @!p0 .LBB2_2-.Ltmp0, $4  }
0xf: {  	s8 =	sadd.s32 $0x82C00, s8;
	[sflag:s7] =	ssyncadd.s32 $0xFFFFE000  }
0x10: {  	[hbm4b:s8+s2] =	stream.linear.scatter [tilespmem:s6], [sflag:$0x2], $0x2000, $0x38;
	[tilespmem:$0x2080] =	vst v63  }
0x11: {  	_ =	swait.ge [sflag:s3], $0x2000  }
0x12: {  	s9 =	sadd.s32 $0xFFFFFFFF, s9;
	[sflag:s3] =	ssyncset.done $0x0  }
.LBB2_1:
0x13: {  	p0 =	sne.s32 s9, $0x1;
	s9 =	sadd.s32 $0xFFFFFFFF, s9;
	[sflag:s3] =	ssyncadd.s32 $0xFFFFE000  }
0x14: {  	[tilespmem:s2], [sflag:$0x2] =	stream.linear.gather [hbm4b:s4+s2], $0x80, $0x38;
	[tilespmem:$0x2080] =	vst v63  }
0x15: {  	_ =	swait.ge [sflag:s3], $0x80  }
0x16: {  	[sflag:s3] =	ssyncset.done $0x0  }
0x17: {  	[sflag:s3] =	ssyncadd.s32 $0xFFFFFF80  }
0x18: {  	[tilespmem:s6], [sflag:$0x1] =	stream.indirect.gather [hbm4b:s5+s6], $0x40, s2, s6, $0xb8;
	[tilespmem:$0x2080] =	vst v63  }
0x19: {  	_ =	swait.ge [sflag:s7], $0x2000  }
.Ltmp1:
0x1a: {  	[sflag:s7] =	ssyncset.done $0x0;
	(pc) =	sbr.rel @p0 .LBB2_1-.Ltmp1, $4  }
0x1b: {  	[sflag:s7] =	ssyncadd.s32 $0xFFFFE000  }
0x1c: {  	[hbm4b:s8+s2] =	stream.linear.scatter [tilespmem:s6], [sflag:$0x2], $0x2000, $0x38;
	[tilespmem:$0x2080] =	vst v63  }
0x1d: {  	_ =	swait.ge [sflag:s3], $0x2000  }
0x1e: {  	[sflag:s3] =	ssyncset.done $0x0  }
.LBB2_2:
0x1f: {  	[sflag:s3] =	ssyncadd.s32 $0xFFFFE000  }
0x20: {  	_ =	sfence.sel $0x180000  }
0x21: {  	[bflag:$0x0] =	sbarrier.arrive $0xFFFF  }
0x22: {  	p0 =	sne.s32 s0, $0x0;
	_ =	strace $0x90000047  }
0x23: {  	s0 =	sadd.s32 @!p0 $0x100000, s1;
	[bflag:$0x2] =	sbarrier.arrive $0xFFFF  }
0x24: {  	[sflag:s0] =	ssyncadd.tile.s32 @!p0 $0x1;
	_ =	shalt  }
.Lfunc_end2:
_tile_overlayer_lowered:
.L_overlay_start_2:
0x25: {  	(tag) =	ssettag $0x2  }
0x26: {  	s0 =	rddreg [dreg:$0x0];
	s2 =	stileid.u32  }
0x27: {  	s1 =	rddreg [dreg:$0x1];
	p0 =	sne.s32 s2, $0x0  }
0x28: {  	s3 =	rddreg [dreg:$0x2];
	[bflag:$0x3] =	sbarrier.arrive $0xFFFF;
	s2 =	simm.s32 @!p0 $0x1C02  }
0x29: {  	[timem:s3], [sflag:s2] =	dma.local @!p0 [hbm:s0], s1  }
0x2a: {  	s0 =	simm.s32 @!p0 $0x2  }
0x2b: {  	_ =	swait.ge @!p0 [sflag:s0], s1  }
0x2c: {  	s1 =	ssub.s32 @!p0 $0x0, s1;
	[sflag:s0] =	ssyncset.done @!p0 $0x0  }
0x2d: {  	[sflag:s0] =	ssyncadd.s32 @!p0 s1  }
0x2e: {  	[bflag:$0x3] =	sbarrier.arrive $0xFFFF  }
0x2f: {  	_ =	shalt  }

// kernel: kernel.17.cloned.1.call-start
scs
__scs_entry_jumppad:
0x0: {  	(pc) =	sbr.rel $0x88, $3  }
0x1: {  	(tag) =	ssettag $0x0;
	lr =	simm.s32 $0x1  }
0x2: {  	[smem:$0x3FA0] =	sst lr;
	_ =	strace $0xD0000000  }
0x3: {  	_ = 	snop  }
0x4: {  	_ = 	snop  }
0x5: {  	_ = 	snop  }
0x6: {  	_ = 	snop  }
0x7: {  	_ = 	snop  }
__scs_overlays_trampoline_lowered:
0x8: {  	[smem:$0x3FAF] =	sst s0  }
0x9: {  	[smem:$0x3FB0] =	sst s1  }
0xa: {  	[smem:$0x3FB1] =	sst s2  }
0xb: {  	[smem:$0x3FB2] =	sst s3  }
0xc: {  	[smem:$0x3FB3] =	sst s4  }
0xd: {  	[smem:$0x3FB4] =	sst s5  }
0xe: {  	[smem:$0x3FB5] =	sst s6  }
0xf: {  	[smem:$0x3FB6] =	sst s7  }
0x10: {  	[smem:$0x3FB7] =	sst s8  }
0x11: {  	[smem:$0x3FB8] =	sst s9;
	s0 =	simm.s32 @!p0 $0x0  }
0x12: {  	s1 =	sld [smem:$0x3F9E];
	s0 =	simm.s32 @p0 $0x1  }
0x13: {  	[smem:$0x3FB9] =	sst s0;
	s0 =	simm.s32 @!p1 $0x0  }
0x14: {  	s2 =	sld [smem:$0x3F9D];
	s0 =	simm.s32 @p1 $0x1  }
0x15: {  	[smem:$0x3FBA] =	sst s0;
	s0 =	simm.s32 @!p2 $0x0  }
0x16: {  	s3 =	sld [smem:$0x3FDB];
	s0 =	simm.s32 @p2 $0x1  }
0x17: {  	s4 =	simm.s32 $0x1BF5;
	[smem:$0x3FBC] =	sst s0  }
0x18: {  	s0 =	sld [smem:$0x3F9F];
	_ =	swait.ge [sflag:s4], $0x0  }
0x19: {  	s7 =	sld [smem:$0x3FA0]  }
0x1a: {  	s8 =	sadd.s32 $0xFFFFE003, lr  }
0x1b: {  	s9 =	sadd.s32 $0xFFFFFEF7, lr;
	s5 =	simm.s32 $0xFFFFFFFF;
	p2 =	slt.u32 s8, $0xFFFFF086  }
0x1c: {  	p1 =	slt.u32 s9, $0xF7A;
	s5 =	simm.s32 @!p2 $0x0  }
0x1d: {  	s5 =	simm.s32 @p1 $0x1;
	p0 =	seq.s32 s7, s2  }
0x1e: {  	s7 =	smul.u32 @!p0 $0xF7A, s2;
	p2 =	seq.s32 @!p0 s5, $0x0  }
0x1f: {  	s9 =	smul.u32 $0xF7A, s1;
	s8 =	simm.s32 @!p0 $0x1BF5;
	p2 =	por !p2, p0  }
0x20: {  	[sflag:s8] =	ssyncset.s32 @!p0 $0xFFFFF086;
	s6 =	sadd.s32 @!p0 s3, s7;
	s7 =	simm.s32 @!p0 $0x108  }
0x21: {  	s3 =	sadd.s32 s3, s9;
	s6 =	sadd.s32 @!p0 $0x88, s6;
	s7 =	simm.s32 @p2 $0x1082  }
0x22: {  	[simem:s7], [sflag:s8] =	dma.local @!p0 [hbm:s6], $0xF7A  }
0x23: {  	s9 =	sor.u32 $0xD0000000, s2;
	s6 =	simm.s32 $0x108;
	_ =	swait.ge @!p0 [sflag:s8], $0x0  }
0x24: {  	s3 =	sadd.s32 $0x88, s3;
	s6 =	simm.s32 @!p1 $0x1082;
	[sflag:s4] =	ssyncset.s32 $0xFFFFF086  }
0x25: {  	[simem:s6], [sflag:s4] =	dma.local [hbm:s3], $0xF7A  }
0x26: {  	[smem:$0x3FA0] =	sst s1;
	(tag) =	ssettag s2;
	_ =	strace s9  }
0x27: {  	s1 =	sld [smem:$0x3FB0]  }
0x28: {  	s2 =	sld [smem:$0x3FB1]  }
0x29: {  	s4 =	sld [smem:$0x3FB3]  }
0x2a: {  	p0 =	seq.s32 s5, $0x0;
	s5 =	sld [smem:$0x3FB4]  }
0x2b: {  	s6 =	sld [smem:$0x3FB5]  }
0x2c: {  	s7 =	sld [smem:$0x3FB6]  }
0x2d: {  	s3 =	simm.s32 $0x108;
	s8 =	sld [smem:$0x3FB7]  }
0x2e: {  	s3 =	simm.s32 @!p0 $0x1082;
	s9 =	sld [smem:$0x3FB8]  }
0x2f: {  	lr =	sadd.s32 s0, s3;
	s0 =	sld [smem:$0x3FAF]  }
0x30: {  	s3 =	sld [smem:$0x3FB2]  }
0x31: {  	[smem:$0x3FBB] =	sst s10  }
0x32: {  	s10 =	sld [smem:$0x3FB9];
	_ =	sdelay $0x3  }
0x33: {  	p0 =	seq.s32 s10, $0x1;
	s10 =	sld [smem:$0x3FBB];
	_ =	sdelay $0x3  }
0x34: {  	[smem:$0x3FBB] =	sst s10  }
0x35: {  	s10 =	sld [smem:$0x3FBA];
	_ =	sdelay $0x3  }
0x36: {  	p1 =	seq.s32 s10, $0x1;
	s10 =	sld [smem:$0x3FBB];
	_ =	sdelay $0x3  }
0x37: {  	[smem:$0x3FBB] =	sst s10  }
0x38: {  	s10 =	sld [smem:$0x3FBC]  }
0x39: {  	_ = 	snop;
	(pc) =	sbr.ind lr, $3  }
0x3a: {  	_ = 	snop  }
0x3b: {  	_ = 	snop  }
0x3c: {  	p2 =	seq.s32 s10, $0x1;
	s10 =	sld [smem:$0x3FBB]  }
0x3d: {  	_ =	shalt  }
0x3e: {  	_ =	shalt  }
0x3f: {  	_ =	shalt  }
0x40: {  	_ =	shalt  }
0x41: {  	_ =	shalt  }
0x42: {  	_ =	shalt  }
0x43: {  	_ =	shalt  }
0x44: {  	_ =	shalt  }
0x45: {  	_ =	shalt  }
0x46: {  	_ =	shalt  }
0x47: {  	_ =	shalt  }
0x48: {  	_ =	shalt  }
0x49: {  	_ =	shalt  }
0x4a: {  	_ =	shalt  }
0x4b: {  	_ =	shalt  }
0x4c: {  	_ =	shalt  }
0x4d: {  	_ =	shalt  }
0x4e: {  	_ =	shalt  }
0x4f: {  	_ =	shalt  }
0x50: {  	_ =	shalt  }
0x51: {  	_ =	shalt  }
0x52: {  	_ =	shalt  }
0x53: {  	_ =	shalt  }
0x54: {  	_ =	shalt  }
0x55: {  	_ =	shalt  }
0x56: {  	_ =	shalt  }
0x57: {  	_ =	shalt  }
0x58: {  	_ =	shalt  }
0x59: {  	_ =	shalt  }
0x5a: {  	_ =	shalt  }
0x5b: {  	_ =	shalt  }
0x5c: {  	_ =	shalt  }
0x5d: {  	_ =	shalt  }
0x5e: {  	_ =	shalt  }
0x5f: {  	_ =	shalt  }
0x60: {  	_ =	shalt  }
0x61: {  	_ =	shalt  }
0x62: {  	_ =	shalt  }
0x63: {  	_ =	shalt  }
0x64: {  	_ =	shalt  }
0x65: {  	_ =	shalt  }
0x66: {  	_ =	shalt  }
0x67: {  	_ =	shalt  }
0x68: {  	_ =	shalt  }
0x69: {  	_ =	shalt  }
0x6a: {  	_ =	shalt  }
0x6b: {  	_ =	shalt  }
0x6c: {  	_ =	shalt  }
0x6d: {  	_ =	shalt  }
0x6e: {  	_ =	shalt  }
0x6f: {  	_ =	shalt  }
0x70: {  	_ =	shalt  }
0x71: {  	_ =	shalt  }
0x72: {  	_ =	shalt  }
0x73: {  	_ =	shalt  }
0x74: {  	_ =	shalt  }
0x75: {  	_ =	shalt  }
0x76: {  	_ =	shalt  }
0x77: {  	_ =	shalt  }
0x78: {  	_ =	shalt  }
0x79: {  	_ =	shalt  }
0x7a: {  	_ =	shalt  }
0x7b: {  	_ =	shalt  }
0x7c: {  	_ =	shalt  }
0x7d: {  	_ =	shalt  }
0x7e: {  	_ =	shalt  }
0x7f: {  	_ =	shalt  }
0x80: {  	_ =	shalt  }
0x81: {  	_ =	shalt  }
0x82: {  	_ =	shalt  }
0x83: {  	_ =	shalt  }
0x84: {  	_ =	shalt  }
0x85: {  	_ =	shalt  }
0x86: {  	_ =	shalt  }
0x87: {  	_ =	shalt  }
.Lfunc_end0:
.L_simem_size_0:
called_computation.1_lowered:
.L_overlay_start_0:
0x88: {  	s2 =	sld [smem:$0x3FD9]  }
0x89: {  	s3 =	sld [smem:$0x3FFE];
	_ =	sdelay $0x1  }
0x8a: {  	s1 =	srdreg.scid  }
0x8b: {  	s0 =	sand.u32 $0x1, s1  }
0x8c: {  	s17 =	sshll.u32 s0, $0xA;
	s2 =	sadd.s32 s3, s2  }
0x8d: {  	s2 =	sadd.s32 s2, s17  }
0x8e: {  	[smem:$0x3FC7] =	sst s2  }
0x8f: {  	_ = 	snop  }
0x90: {  	(tm) =	ssettm $0x1  }
0x91: {  	s18 =	sld [smem:$0x3FFB];
	_ =	sdelay $0x3  }
0x92: {  	_ =	strace s18  }
0x93: {  	s2 =	sld [smem:$0x3FFC];
	_ =	sdelay $0x3  }
0x94: {  	_ =	strace s2  }
0x95: {  	s2 =	sld [smem:$0x3FFD];
	_ =	sdelay $0x3  }
0x96: {  	_ =	strace s2  }
0x97: {  	_ =	strace $0x8FFFFFFF  }
0x98: {  	s19 =	sld [smem:$0x3FDB];
	_ =	sdelay $0x1  }
0x99: {  	s20 =	simm.s32 $_scs_section_size  }
0x9a: {  	s4 =	simm.s32 $_size__tile_overlayer_lowered;
	s5 =	simm.s32 $_tile_overlayer_lowered  }
0x9b: {  	s6 =	simm.s32 $0x1BFF;
	s21 =	sshll.u32 s5, $0x1;
	s3 =	sadd.s32 s20, s19  }
0x9c: {  	s22 =	simm.s32 $0x0;
	s4 =	sshll.u32 s4, $0x1;
	s5 =	sadd.s32 s21, s3  }
0x9d: {  	[timem:s22], [sflag:s6] =	dma.local [hbm:s5], s4  }
0x9e: {  	_ =	swait.ge [sflag:s6], s4  }
0x9f: {  	s4 =	ssub.s32 $0x0, s4;
	[sflag:s6] =	ssyncset.done $0x0  }
0xa0: {  	[sflag:s6] =	ssyncadd.s32 s4;
	_ =	sdelay $0x1  }
0xa1: {  	s23 =	simm.s32 $0x1B8B  }
0xa2: {  	_ =	swait.ge [sflag:s23], $0x1  }
0xa3: {  	[sflag:s23] =	ssyncset.done $0x0  }
0xa4: {  	[sflag:s23] =	ssyncadd.s32 $0xFFFFFFFF  }
0xa5: {  	s4 =	sld [smem:$0x0]  }
0xa6: {  	s5 =	sand.u32 $0xFFFFFFFE, s1  }
0xa7: {  	p0 =	sne.s32 s1, s5  }
0xa8: {  	s5 =	sshll.u32 @p0 s5, $0xE  }
0xa9: {  	s5 =	sadd.s32 @p0 $0x11B8D, s5;
	s6 =	sshll.u32 @p0 s4, $0x11  }
0xaa: {  	s5 =	sor.u32 @p0 s6, s5  }
0xab: {  	[sflag:s5] =	ssyncadd.remote.s32 @p0 $0x1;
	_ =	sdelay $0x1  }
0xac: {  	s5 =	simm.s32 @p0 $0x1B8D  }
0xad: {  	_ =	swait.eq @p0 [sflag:s5], $0x1  }
0xae: {  	[sflag:s5] =	ssyncadd.s32 @p0 $0xFFFFFFFF  }
0xaf: {  	s6 =	sshll.u32 @!p0 s1, $0xE  }
0xb0: {  	s6 =	sor.u32 @!p0 $0x4000, s6;
	s5 =	simm.s32 @!p0 $0x1B8D  }
0xb1: {  	s4 =	sshll.u32 @!p0 s4, $0x11;
	s6 =	sadd.s32 @!p0 $0x11B8D, s6;
	_ =	swait.eq @!p0 [sflag:s5], $0x1  }
0xb2: {  	s4 =	sor.u32 @!p0 s4, s6;
	[sflag:s5] =	ssyncadd.s32 @!p0 $0xFFFFFFFF  }
0xb3: {  	s25 =	simm.s32 $0x1B8E;
	s24 =	sld [smem:$0x3FFE];
	[sflag:s4] =	ssyncadd.remote.s32 @!p0 $0x1  }
0xb4: {  	s26 =	simm.s32 $execute0_lowered;
	[smem:$0x3FD2] =	sst s25  }
0xb5: {  	s5 =	sshll.u32 s26, $0x1;
	_ =	strace $0x80000052;
	[dreg:$0x1] =	wrdreg $0xFFFFFFFF  }
0xb6: {  	s28 =	simm.s32 $_size_execute0_lowered;
	s3 =	sadd.s32 s3, s5;
	[dreg:$0x0] =	wrdreg $0x0  }
0xb7: {  	s5 =	sshll.u32 s28, $0x1;
	[dreg:$0x2] =	wrdreg s3  }
0xb8: {  	[dreg:$0x3] =	wrdreg s5  }
0xb9: {  	[dreg:$0x4] =	wrdreg $0xC0  }
0xba: {  	_ =	task [dreg:s22], $0x5FFFF  }
0xbb: {  	[dreg:$0x1] =	wrdreg $0xFFFFFFFF  }
0xbc: {  	[dreg:$0x0] =	wrdreg $0x60  }
0xbd: {  	[dreg:$0x2] =	wrdreg s24  }
0xbe: {  	[dreg:$0x3] =	wrdreg $0x9  }
0xbf: {  	_ =	task.clear_ibuf [dreg:s22], $0x4FFFF;
	_ =	strace $0x90000052  }
0xc0: {  	s29 =	simm.s32 $0x9;
	_ =	strace $0x80000054  }
0xc1: {  	_ =	swait.ge [sflag:s29], $0x1  }
0xc2: {  	[sflag:s29] =	ssyncadd.s32 $0xFFFFFFFF  }
0xc3: {  	_ =	strace $0x90000054  }
0xc4: {  	_ =	sfence  }
0xc5: {  	s30 =	sld [smem:$0x0];
	_ =	sdelay $0x2  }
0xc6: {  	s31 =	sshll.u32 s1, $0xD;
	s1 =	sshrl.u32 s1, $0x2  }
0xc7: {  	s4 =	sand.u32 $0x4000, s31;
	s1 =	sadd.s32 s1, s30  }
0xc8: {  	s0 =	sor.u32 s4, s0;
	s1 =	sshll.u32 s1, $0x11  }
0xc9: {  	s0 =	sor.u32 s1, s0  }
0xca: {  	s0 =	sadd.s32 $0x8F2B, s0  }
0xcb: {  	[sflag:s0] =	ssyncadd.remote.s32 $0x1  }
0xcc: {  	_ =	sfence.sel $0xFFFF  }
0xcd: {  	[dreg:$0x0] =	wrdreg $0xFFFFFFFF;
	(pc) =	sbr.abs _section_cstart, $3  }
0xce: {  	[dreg:$0x1] =	wrdreg $0xFFFFFFFF  }
0xcf: {  	_ =	task.clear_ibuf [dreg:s22], $0x2FFFF;
	_ =	strace $0x9FFFFFFF  }
0xd0: {  	(tm) =	ssettm $0x7FFFFFFF  }
0xd1: {  	_ =	shalt  }
tec
execute0_lowered:
.L_overlay_start_1:
0x0: {  	(tag) =	ssettag $0x1  }
0x1: {  	s4 =	rddreg [dreg:$0x0]  }
0x2: {  	s0 =	rddreg [dreg:$0x1];
	s2 =	simm.s32 $0x0;
	s3 =	srdreg.scid  }
0x3: {  	s1 =	stileid.u32;
	s10 =	simm.s32 $0x0;
	[smem:$0x7FF] =	sst s2  }
0x4: {  	s5 =	sand.u32 $0x1, s3;
	s6 =	sshll.u32 s1, $0xC;
	s3 =	sadd.s32 $0x2A00, s4  }
0x5: {  	s8 =	sshll.u32 s1, $0xF;
	_ =	strace $0x80000053;
	s7 =	sshll.u32 s5, $0xB  }
0x6: {  	s31 =	ssub.s32 $0x2, s5;
	s8 =	sadd.s32 s8, s4;
	s5 =	sshll.u32 s5, $0xE  }
0x7: {  	s6 =	sor.u32 s7, s6;
	s9 =	sshrl.u32 s31, $0x1;
	s5 =	sadd.s32 s5, s8  }
0x8: {  	s8 =	simm.s32 $0x80;
	s6 =	sshrl.u32 s6, $0x3;
	s7 =	ssub.s32 s31, s9  }
0x9: {  	s5 =	sadd.s32 $0x9B200, s5;
	s9 =	simm.s32 $0x1;
	s6 =	sadd.s32 s6, s4  }
0xa: {  	s4 =	smax.u32 s7, $0x1;
	s7 =	simm.s32 $0x2;
	s6 =	sadd.s32 $0x82A00, s6  }
.LBB2_1:
0xb: {  	s11 =	sadd.s32 $0x0, s6  }
0xc: {  	[tilespmem:s2], [sflag:$0x2] =	stream.linear.gather [hbm4b:s11+s2], $0x80, $0x38;
	[tilespmem:$0x2080] =	vst v63  }
0xd: {  	_ =	swait.ge [sflag:s7], $0x80  }
0xe: {  	[sflag:s7] =	ssyncset.done $0x0  }
0xf: {  	[sflag:s7] =	ssyncadd.s32 $0xFFFFFF80  }
0x10: {  	[tilespmem:s8], [sflag:$0x1] =	stream.indirect.gather [hbm4b:s3+s8], $0x40, s2, s8, $0xb8;
	[tilespmem:$0x2080] =	vst v63  }
0x11: {  	_ =	swait.ge [sflag:s9], $0x2000  }
0x12: {  	[sflag:s9] =	ssyncset.done $0x0  }
0x13: {  	[sflag:s9] =	ssyncadd.s32 $0xFFFFE000  }
0x14: {  	[hbm4b:s5+s2] =	stream.linear.scatter [tilespmem:s8], [sflag:$0x2], $0x2000, $0x38;
	[tilespmem:$0x2080] =	vst v63  }
0x15: {  	s12 =	simm.s32 $0x10;
	_ =	swait.ge [sflag:s7], $0x2000  }
0x16: {  	s13 =	simm.s32 $0x20;
	s11 =	sadd.s32 $0x400, s5;
	[sflag:s7] =	ssyncset.done $0x0  }
.LBB2_2:
0x17: {  	s14 =	sadd.s32 s12, s6  }
0x18: {  	[sflag:s7] =	ssyncadd.s32 $0xFFFFE000;
	s12 =	smov.u32 s13;
	s15 =	sadd.s32 $0x10, s13  }
0x19: {  	[tilespmem:s2], [sflag:$0x2] =	stream.linear.gather [hbm4b:s14+s2], $0x80, $0x38;
	[tilespmem:$0x2080] =	vst v63  }
0x1a: {  	p0 =	sne.s32 s13, $0xF0;
	_ =	swait.ge [sflag:s7], $0x80  }
0x1b: {  	[sflag:s7] =	ssyncset.done $0x0  }
0x1c: {  	[sflag:s7] =	ssyncadd.s32 $0xFFFFFF80  }
0x1d: {  	[tilespmem:s8], [sflag:$0x1] =	stream.indirect.gather [hbm4b:s3+s8], $0x40, s2, s8, $0xb8;
	[tilespmem:$0x2080] =	vst v63  }
0x1e: {  	_ =	swait.ge [sflag:s9], $0x2000  }
.Ltmp0:
0x1f: {  	[sflag:s9] =	ssyncset.done $0x0;
	(pc) =	sbr.rel @p0 .LBB2_2-.Ltmp0, $4  }
0x20: {  	[sflag:s9] =	ssyncadd.s32 $0xFFFFE000  }
0x21: {  	[hbm4b:s11+s2] =	stream.linear.scatter [tilespmem:s8], [sflag:$0x2], $0x2000, $0x38;
	[tilespmem:$0x2080] =	vst v63  }
0x22: {  	_ =	swait.ge [sflag:s7], $0x2000  }
0x23: {  	s13 =	smov.u32 s15;
	s11 =	sadd.s32 $0x400, s11;
	[sflag:s7] =	ssyncset.done $0x0  }
0x24: {  	s12 =	sadd.s32 s12, s6;
	[sflag:s7] =	ssyncadd.s32 $0xFFFFE000  }
0x25: {  	[tilespmem:s2], [sflag:$0x2] =	stream.linear.gather [hbm4b:s12+s2], $0x80, $0x38;
	[tilespmem:$0x2080] =	vst v63  }
0x26: {  	_ =	swait.ge [sflag:s7], $0x80  }
0x27: {  	[sflag:s7] =	ssyncset.done $0x0  }
0x28: {  	[sflag:s7] =	ssyncadd.s32 $0xFFFFFF80  }
0x29: {  	[tilespmem:s8], [sflag:$0x1] =	stream.indirect.gather [hbm4b:s3+s8], $0x40, s2, s8, $0xb8;
	[tilespmem:$0x2080] =	vst v63  }
0x2a: {  	s10 =	sadd.s32 $0x1, s10;
	_ =	swait.ge [sflag:s9], $0x2000  }
0x2b: {  	p0 =	sne.s32 s10, s4;
	[sflag:s9] =	ssyncset.done $0x0  }
.Ltmp1:
0x2c: {  	[sflag:s9] =	ssyncadd.s32 $0xFFFFE000;
	(pc) =	sbr.rel @p0 .LBB2_1-.Ltmp1, $4  }
0x2d: {  	[hbm4b:s11+s2] =	stream.linear.scatter [tilespmem:s8], [sflag:$0x2], $0x2000, $0x38;
	[tilespmem:$0x2080] =	vst v63  }
0x2e: {  	_ =	swait.ge [sflag:s7], $0x2000  }
0x2f: {  	[sflag:s7] =	ssyncset.done $0x0  }
0x30: {  	[sflag:s7] =	ssyncadd.s32 $0xFFFFE000  }
0x31: {  	_ =	sfence.sel $0x180000  }
0x32: {  	[bflag:$0x0] =	sbarrier.arrive $0xFFFF  }
0x33: {  	p0 =	sne.s32 s1, $0x0;
	_ =	strace $0x90000053  }
0x34: {  	s0 =	sadd.s32 @!p0 $0x100000, s0;
	[bflag:$0x2] =	sbarrier.arrive $0xFFFF  }
0x35: {  	[sflag:s0] =	ssyncadd.tile.s32 @!p0 $0x1;
	_ =	shalt  }
.Lfunc_end2:
_tile_overlayer_lowered:
.L_overlay_start_2:
0x36: {  	(tag) =	ssettag $0x2  }
0x37: {  	s0 =	rddreg [dreg:$0x0];
	s2 =	stileid.u32  }
0x38: {  	s1 =	rddreg [dreg:$0x1];
	p0 =	sne.s32 s2, $0x0  }
0x39: {  	s3 =	rddreg [dreg:$0x2];
	[bflag:$0x3] =	sbarrier.arrive $0xFFFF;
	s2 =	simm.s32 @!p0 $0x1C02  }
0x3a: {  	[timem:s3], [sflag:s2] =	dma.local @!p0 [hbm:s0], s1  }
0x3b: {  	s0 =	simm.s32 @!p0 $0x2  }
0x3c: {  	_ =	swait.ge @!p0 [sflag:s0], s1  }
0x3d: {  	s1 =	ssub.s32 @!p0 $0x0, s1;
	[sflag:s0] =	ssyncset.done @!p0 $0x0  }
0x3e: {  	[sflag:s0] =	ssyncadd.s32 @!p0 s1  }
0x3f: {  	[bflag:$0x3] =	sbarrier.arrive $0xFFFF  }
0x40: {  	_ =	shalt  }

// kernel: kernel.20.cloned.1.call-start
scs
__scs_entry_jumppad:
0x0: {  	(pc) =	sbr.rel $0x88, $3  }
0x1: {  	(tag) =	ssettag $0x0;
	lr =	simm.s32 $0x1  }
0x2: {  	[smem:$0x3FA0] =	sst lr;
	_ =	strace $0xD0000000  }
0x3: {  	_ = 	snop  }
0x4: {  	_ = 	snop  }
0x5: {  	_ = 	snop  }
0x6: {  	_ = 	snop  }
0x7: {  	_ = 	snop  }
__scs_overlays_trampoline_lowered:
0x8: {  	[smem:$0x3FAF] =	sst s0  }
0x9: {  	[smem:$0x3FB0] =	sst s1  }
0xa: {  	[smem:$0x3FB1] =	sst s2  }
0xb: {  	[smem:$0x3FB2] =	sst s3  }
0xc: {  	[smem:$0x3FB3] =	sst s4  }
0xd: {  	[smem:$0x3FB4] =	sst s5  }
0xe: {  	[smem:$0x3FB5] =	sst s6  }
0xf: {  	[smem:$0x3FB6] =	sst s7  }
0x10: {  	[smem:$0x3FB7] =	sst s8  }
0x11: {  	[smem:$0x3FB8] =	sst s9;
	s0 =	simm.s32 @!p0 $0x0  }
0x12: {  	s1 =	sld [smem:$0x3F9E];
	s0 =	simm.s32 @p0 $0x1  }
0x13: {  	[smem:$0x3FB9] =	sst s0;
	s0 =	simm.s32 @!p1 $0x0  }
0x14: {  	s2 =	sld [smem:$0x3F9D];
	s0 =	simm.s32 @p1 $0x1  }
0x15: {  	[smem:$0x3FBA] =	sst s0;
	s0 =	simm.s32 @!p2 $0x0  }
0x16: {  	s3 =	sld [smem:$0x3FDB];
	s0 =	simm.s32 @p2 $0x1  }
0x17: {  	s4 =	simm.s32 $0x1BF5;
	[smem:$0x3FBC] =	sst s0  }
0x18: {  	s0 =	sld [smem:$0x3F9F];
	_ =	swait.ge [sflag:s4], $0x0  }
0x19: {  	s7 =	sld [smem:$0x3FA0]  }
0x1a: {  	s8 =	sadd.s32 $0xFFFFE003, lr  }
0x1b: {  	s9 =	sadd.s32 $0xFFFFFEF7, lr;
	s5 =	simm.s32 $0xFFFFFFFF;
	p2 =	slt.u32 s8, $0xFFFFF086  }
0x1c: {  	p1 =	slt.u32 s9, $0xF7A;
	s5 =	simm.s32 @!p2 $0x0  }
0x1d: {  	s5 =	simm.s32 @p1 $0x1;
	p0 =	seq.s32 s7, s2  }
0x1e: {  	s7 =	smul.u32 @!p0 $0xF7A, s2;
	p2 =	seq.s32 @!p0 s5, $0x0  }
0x1f: {  	s9 =	smul.u32 $0xF7A, s1;
	s8 =	simm.s32 @!p0 $0x1BF5;
	p2 =	por !p2, p0  }
0x20: {  	[sflag:s8] =	ssyncset.s32 @!p0 $0xFFFFF086;
	s6 =	sadd.s32 @!p0 s3, s7;
	s7 =	simm.s32 @!p0 $0x108  }
0x21: {  	s3 =	sadd.s32 s3, s9;
	s6 =	sadd.s32 @!p0 $0x88, s6;
	s7 =	simm.s32 @p2 $0x1082  }
0x22: {  	[simem:s7], [sflag:s8] =	dma.local @!p0 [hbm:s6], $0xF7A  }
0x23: {  	s9 =	sor.u32 $0xD0000000, s2;
	s6 =	simm.s32 $0x108;
	_ =	swait.ge @!p0 [sflag:s8], $0x0  }
0x24: {  	s3 =	sadd.s32 $0x88, s3;
	s6 =	simm.s32 @!p1 $0x1082;
	[sflag:s4] =	ssyncset.s32 $0xFFFFF086  }
0x25: {  	[simem:s6], [sflag:s4] =	dma.local [hbm:s3], $0xF7A  }
0x26: {  	[smem:$0x3FA0] =	sst s1;
	(tag) =	ssettag s2;
	_ =	strace s9  }
0x27: {  	s1 =	sld [smem:$0x3FB0]  }
0x28: {  	s2 =	sld [smem:$0x3FB1]  }
0x29: {  	s4 =	sld [smem:$0x3FB3]  }
0x2a: {  	p0 =	seq.s32 s5, $0x0;
	s5 =	sld [smem:$0x3FB4]  }
0x2b: {  	s6 =	sld [smem:$0x3FB5]  }
0x2c: {  	s7 =	sld [smem:$0x3FB6]  }
0x2d: {  	s3 =	simm.s32 $0x108;
	s8 =	sld [smem:$0x3FB7]  }
0x2e: {  	s3 =	simm.s32 @!p0 $0x1082;
	s9 =	sld [smem:$0x3FB8]  }
0x2f: {  	lr =	sadd.s32 s0, s3;
	s0 =	sld [smem:$0x3FAF]  }
0x30: {  	s3 =	sld [smem:$0x3FB2]  }
0x31: {  	[smem:$0x3FBB] =	sst s10  }
0x32: {  	s10 =	sld [smem:$0x3FB9];
	_ =	sdelay $0x3  }
0x33: {  	p0 =	seq.s32 s10, $0x1;
	s10 =	sld [smem:$0x3FBB];
	_ =	sdelay $0x3  }
0x34: {  	[smem:$0x3FBB] =	sst s10  }
0x35: {  	s10 =	sld [smem:$0x3FBA];
	_ =	sdelay $0x3  }
0x36: {  	p1 =	seq.s32 s10, $0x1;
	s10 =	sld [smem:$0x3FBB];
	_ =	sdelay $0x3  }
0x37: {  	[smem:$0x3FBB] =	sst s10  }
0x38: {  	s10 =	sld [smem:$0x3FBC]  }
0x39: {  	_ = 	snop;
	(pc) =	sbr.ind lr, $3  }
0x3a: {  	_ = 	snop  }
0x3b: {  	_ = 	snop  }
0x3c: {  	p2 =	seq.s32 s10, $0x1;
	s10 =	sld [smem:$0x3FBB]  }
0x3d: {  	_ =	shalt  }
0x3e: {  	_ =	shalt  }
0x3f: {  	_ =	shalt  }
0x40: {  	_ =	shalt  }
0x41: {  	_ =	shalt  }
0x42: {  	_ =	shalt  }
0x43: {  	_ =	shalt  }
0x44: {  	_ =	shalt  }
0x45: {  	_ =	shalt  }
0x46: {  	_ =	shalt  }
0x47: {  	_ =	shalt  }
0x48: {  	_ =	shalt  }
0x49: {  	_ =	shalt  }
0x4a: {  	_ =	shalt  }
0x4b: {  	_ =	shalt  }
0x4c: {  	_ =	shalt  }
0x4d: {  	_ =	shalt  }
0x4e: {  	_ =	shalt  }
0x4f: {  	_ =	shalt  }
0x50: {  	_ =	shalt  }
0x51: {  	_ =	shalt  }
0x52: {  	_ =	shalt  }
0x53: {  	_ =	shalt  }
0x54: {  	_ =	shalt  }
0x55: {  	_ =	shalt  }
0x56: {  	_ =	shalt  }
0x57: {  	_ =	shalt  }
0x58: {  	_ =	shalt  }
0x59: {  	_ =	shalt  }
0x5a: {  	_ =	shalt  }
0x5b: {  	_ =	shalt  }
0x5c: {  	_ =	shalt  }
0x5d: {  	_ =	shalt  }
0x5e: {  	_ =	shalt  }
0x5f: {  	_ =	shalt  }
0x60: {  	_ =	shalt  }
0x61: {  	_ =	shalt  }
0x62: {  	_ =	shalt  }
0x63: {  	_ =	shalt  }
0x64: {  	_ =	shalt  }
0x65: {  	_ =	shalt  }
0x66: {  	_ =	shalt  }
0x67: {  	_ =	shalt  }
0x68: {  	_ =	shalt  }
0x69: {  	_ =	shalt  }
0x6a: {  	_ =	shalt  }
0x6b: {  	_ =	shalt  }
0x6c: {  	_ =	shalt  }
0x6d: {  	_ =	shalt  }
0x6e: {  	_ =	shalt  }
0x6f: {  	_ =	shalt  }
0x70: {  	_ =	shalt  }
0x71: {  	_ =	shalt  }
0x72: {  	_ =	shalt  }
0x73: {  	_ =	shalt  }
0x74: {  	_ =	shalt  }
0x75: {  	_ =	shalt  }
0x76: {  	_ =	shalt  }
0x77: {  	_ =	shalt  }
0x78: {  	_ =	shalt  }
0x79: {  	_ =	shalt  }
0x7a: {  	_ =	shalt  }
0x7b: {  	_ =	shalt  }
0x7c: {  	_ =	shalt  }
0x7d: {  	_ =	shalt  }
0x7e: {  	_ =	shalt  }
0x7f: {  	_ =	shalt  }
0x80: {  	_ =	shalt  }
0x81: {  	_ =	shalt  }
0x82: {  	_ =	shalt  }
0x83: {  	_ =	shalt  }
0x84: {  	_ =	shalt  }
0x85: {  	_ =	shalt  }
0x86: {  	_ =	shalt  }
0x87: {  	_ =	shalt  }
.Lfunc_end0:
.L_simem_size_0:
called_computation.2_lowered:
.L_overlay_start_0:
0x88: {  	s2 =	sld [smem:$0x3FD9]  }
0x89: {  	s3 =	sld [smem:$0x3FFE];
	_ =	sdelay $0x1  }
0x8a: {  	s1 =	srdreg.scid  }
0x8b: {  	s0 =	sand.u32 $0x1, s1  }
0x8c: {  	s17 =	sshll.u32 s0, $0xA;
	s2 =	sadd.s32 s3, s2  }
0x8d: {  	s2 =	sadd.s32 s2, s17  }
0x8e: {  	[smem:$0x3FC7] =	sst s2  }
0x8f: {  	_ = 	snop  }
0x90: {  	(tm) =	ssettm $0x1  }
0x91: {  	s18 =	sld [smem:$0x3FFB];
	_ =	sdelay $0x3  }
0x92: {  	_ =	strace s18  }
0x93: {  	s2 =	sld [smem:$0x3FFC];
	_ =	sdelay $0x3  }
0x94: {  	_ =	strace s2  }
0x95: {  	s2 =	sld [smem:$0x3FFD];
	_ =	sdelay $0x3  }
0x96: {  	_ =	strace s2  }
0x97: {  	_ =	strace $0x8FFFFFFF  }
0x98: {  	s19 =	sld [smem:$0x3FDB];
	_ =	sdelay $0x1  }
0x99: {  	s20 =	simm.s32 $_scs_section_size  }
0x9a: {  	s4 =	simm.s32 $_size__tile_overlayer_lowered;
	s5 =	simm.s32 $_tile_overlayer_lowered  }
0x9b: {  	s6 =	simm.s32 $0x1BFF;
	s21 =	sshll.u32 s5, $0x1;
	s3 =	sadd.s32 s20, s19  }
0x9c: {  	s22 =	simm.s32 $0x0;
	s4 =	sshll.u32 s4, $0x1;
	s5 =	sadd.s32 s21, s3  }
0x9d: {  	[timem:s22], [sflag:s6] =	dma.local [hbm:s5], s4  }
0x9e: {  	_ =	swait.ge [sflag:s6], s4  }
0x9f: {  	s4 =	ssub.s32 $0x0, s4;
	[sflag:s6] =	ssyncset.done $0x0  }
0xa0: {  	[sflag:s6] =	ssyncadd.s32 s4;
	_ =	sdelay $0x1  }
0xa1: {  	s23 =	simm.s32 $0x1B8B  }
0xa2: {  	_ =	swait.ge [sflag:s23], $0x1  }
0xa3: {  	[sflag:s23] =	ssyncset.done $0x0  }
0xa4: {  	[sflag:s23] =	ssyncadd.s32 $0xFFFFFFFF  }
0xa5: {  	s4 =	sld [smem:$0x0]  }
0xa6: {  	s5 =	sand.u32 $0xFFFFFFFE, s1  }
0xa7: {  	p0 =	sne.s32 s1, s5  }
0xa8: {  	s5 =	sshll.u32 @p0 s5, $0xE  }
0xa9: {  	s5 =	sadd.s32 @p0 $0x11B8D, s5;
	s6 =	sshll.u32 @p0 s4, $0x11  }
0xaa: {  	s5 =	sor.u32 @p0 s6, s5  }
0xab: {  	[sflag:s5] =	ssyncadd.remote.s32 @p0 $0x1;
	_ =	sdelay $0x1  }
0xac: {  	s5 =	simm.s32 @p0 $0x1B8D  }
0xad: {  	_ =	swait.eq @p0 [sflag:s5], $0x1  }
0xae: {  	[sflag:s5] =	ssyncadd.s32 @p0 $0xFFFFFFFF  }
0xaf: {  	s6 =	sshll.u32 @!p0 s1, $0xE  }
0xb0: {  	s6 =	sor.u32 @!p0 $0x4000, s6;
	s5 =	simm.s32 @!p0 $0x1B8D  }
0xb1: {  	s4 =	sshll.u32 @!p0 s4, $0x11;
	s6 =	sadd.s32 @!p0 $0x11B8D, s6;
	_ =	swait.eq @!p0 [sflag:s5], $0x1  }
0xb2: {  	s4 =	sor.u32 @!p0 s4, s6;
	[sflag:s5] =	ssyncadd.s32 @!p0 $0xFFFFFFFF  }
0xb3: {  	s25 =	simm.s32 $0x1B8E;
	s24 =	sld [smem:$0x3FFE];
	[sflag:s4] =	ssyncadd.remote.s32 @!p0 $0x1  }
0xb4: {  	s26 =	simm.s32 $execute0_lowered;
	[smem:$0x3FD2] =	sst s25  }
0xb5: {  	s5 =	sshll.u32 s26, $0x1;
	_ =	strace $0x80000049;
	[dreg:$0x1] =	wrdreg $0xFFFFFFFF  }
0xb6: {  	s28 =	simm.s32 $_size_execute0_lowered;
	s3 =	sadd.s32 s3, s5;
	[dreg:$0x0] =	wrdreg $0x0  }
0xb7: {  	s5 =	sshll.u32 s28, $0x1;
	[dreg:$0x2] =	wrdreg s3  }
0xb8: {  	[dreg:$0x3] =	wrdreg s5  }
0xb9: {  	[dreg:$0x4] =	wrdreg $0xC0  }
0xba: {  	_ =	task [dreg:s22], $0x5FFFF  }
0xbb: {  	[dreg:$0x1] =	wrdreg $0xFFFFFFFF  }
0xbc: {  	[dreg:$0x0] =	wrdreg $0x60  }
0xbd: {  	[dreg:$0x2] =	wrdreg s24  }
0xbe: {  	[dreg:$0x3] =	wrdreg $0xB  }
0xbf: {  	_ =	task.clear_ibuf [dreg:s22], $0x4FFFF;
	_ =	strace $0x90000049  }
0xc0: {  	s29 =	simm.s32 $0xB;
	_ =	strace $0x8000004B  }
0xc1: {  	_ =	swait.ge [sflag:s29], $0x1  }
0xc2: {  	[sflag:s29] =	ssyncadd.s32 $0xFFFFFFFF  }
0xc3: {  	_ =	strace $0x9000004B  }
0xc4: {  	_ =	sfence  }
0xc5: {  	s30 =	sld [smem:$0x0];
	_ =	sdelay $0x2  }
0xc6: {  	s31 =	sshll.u32 s1, $0xD;
	s1 =	sshrl.u32 s1, $0x2  }
0xc7: {  	s4 =	sand.u32 $0x4000, s31;
	s1 =	sadd.s32 s1, s30  }
0xc8: {  	s0 =	sor.u32 s4, s0;
	s1 =	sshll.u32 s1, $0x11  }
0xc9: {  	s0 =	sor.u32 s1, s0  }
0xca: {  	s0 =	sadd.s32 $0x8F2B, s0  }
0xcb: {  	[sflag:s0] =	ssyncadd.remote.s32 $0x1  }
0xcc: {  	_ =	sfence.sel $0xFFFF  }
0xcd: {  	[dreg:$0x0] =	wrdreg $0xFFFFFFFF;
	(pc) =	sbr.abs _section_cstart, $3  }
0xce: {  	[dreg:$0x1] =	wrdreg $0xFFFFFFFF  }
0xcf: {  	_ =	task.clear_ibuf [dreg:s22], $0x2FFFF;
	_ =	strace $0x9FFFFFFF  }
0xd0: {  	(tm) =	ssettm $0x7FFFFFFF  }
0xd1: {  	_ =	shalt  }
tec
execute0_lowered:
.L_overlay_start_1:
0x0: {  	(tag) =	ssettag $0x1  }
0x1: {  	s1 =	srdreg.scid  }
0x2: {  	s0 =	stileid.u32;
	s6 =	sand.u32 $0x1, s1  }
0x3: {  	s8 =	rddreg [dreg:$0x0];
	s30 =	sshll.u32 s0, $0x8;
	s2 =	sshll.u32 s6, $0x7  }
0x4: {  	s7 =	simm.s32 $0x1;
	s1 =	rddreg [dreg:$0x1];
	s9 =	sor.u32 s2, s30  }
0x5: {  	s5 =	sadd.s32 $0x2A00, s8;
	s2 =	simm.s32 $0x0;
	s3 =	sshrl.u32 s9, $0x3  }
0x6: {  	s10 =	ssub.s32 $0x2, s6;
	[smem:$0x7FF] =	sst s2;
	s3 =	sadd.s32 s3, s8  }
0x7: {  	_ =	strace $0x8000004A;
	s4 =	sadd.s32 $0x8AC00, s3;
	s3 =	simm.s32 $0x2  }
0x8: {  	[tilespmem:s2], [sflag:$0x2] =	stream.linear.gather [hbm4b:s4+s2], $0x80, $0x38;
	[tilespmem:$0x2080] =	vst v63  }
0x9: {  	s6 =	simm.s32 $0x80;
	s11 =	sshrl.u32 s10, $0x1;
	_ =	swait.ge [sflag:s3], $0x80  }
0xa: {  	s9 =	sshll.u32 s9, $0x3;
	s31 =	ssub.s32 s10, s11;
	[sflag:s3] =	ssyncset.done $0x0  }
0xb: {  	s8 =	sadd.s32 s9, s8;
	s9 =	smax.u32 s31, $0x1;
	[sflag:s3] =	ssyncadd.s32 $0xFFFFFF80  }
0xc: {  	[tilespmem:s6], [sflag:$0x1] =	stream.indirect.gather [hbm4b:s5+s6], $0x40, s2, s6, $0xb8;
	[tilespmem:$0x2080] =	vst v63  }
0xd: {  	p0 =	sne.s32 s9, $0x1;
	_ =	swait.ge [sflag:s7], $0x2000  }
.Ltmp0:
0xe: {  	[sflag:s7] =	ssyncset.done $0x0;
	(pc) =	sbr.rel @!p0 .LBB2_2-.Ltmp0, $4  }
0xf: {  	s8 =	sadd.s32 $0x8AE00, s8;
	[sflag:s7] =	ssyncadd.s32 $0xFFFFE000  }
0x10: {  	[hbm4b:s8+s2] =	stream.linear.scatter [tilespmem:s6], [sflag:$0x2], $0x2000, $0x38;
	[tilespmem:$0x2080] =	vst v63  }
0x11: {  	_ =	swait.ge [sflag:s3], $0x2000  }
0x12: {  	s9 =	sadd.s32 $0xFFFFFFFF, s9;
	[sflag:s3] =	ssyncset.done $0x0  }
.LBB2_1:
0x13: {  	p0 =	sne.s32 s9, $0x1;
	s9 =	sadd.s32 $0xFFFFFFFF, s9;
	[sflag:s3] =	ssyncadd.s32 $0xFFFFE000  }
0x14: {  	[tilespmem:s2], [sflag:$0x2] =	stream.linear.gather [hbm4b:s4+s2], $0x80, $0x38;
	[tilespmem:$0x2080] =	vst v63  }
0x15: {  	_ =	swait.ge [sflag:s3], $0x80  }
0x16: {  	[sflag:s3] =	ssyncset.done $0x0  }
0x17: {  	[sflag:s3] =	ssyncadd.s32 $0xFFFFFF80  }
0x18: {  	[tilespmem:s6], [sflag:$0x1] =	stream.indirect.gather [hbm4b:s5+s6], $0x40, s2, s6, $0xb8;
	[tilespmem:$0x2080] =	vst v63  }
0x19: {  	_ =	swait.ge [sflag:s7], $0x2000  }
.Ltmp1:
0x1a: {  	[sflag:s7] =	ssyncset.done $0x0;
	(pc) =	sbr.rel @p0 .LBB2_1-.Ltmp1, $4  }
0x1b: {  	[sflag:s7] =	ssyncadd.s32 $0xFFFFE000  }
0x1c: {  	[hbm4b:s8+s2] =	stream.linear.scatter [tilespmem:s6], [sflag:$0x2], $0x2000, $0x38;
	[tilespmem:$0x2080] =	vst v63  }
0x1d: {  	_ =	swait.ge [sflag:s3], $0x2000  }
0x1e: {  	[sflag:s3] =	ssyncset.done $0x0  }
.LBB2_2:
0x1f: {  	[sflag:s3] =	ssyncadd.s32 $0xFFFFE000  }
0x20: {  	_ =	sfence.sel $0x180000  }
0x21: {  	[bflag:$0x0] =	sbarrier.arrive $0xFFFF  }
0x22: {  	p0 =	sne.s32 s0, $0x0;
	_ =	strace $0x9000004A  }
0x23: {  	s0 =	sadd.s32 @!p0 $0x100000, s1;
	[bflag:$0x2] =	sbarrier.arrive $0xFFFF  }
0x24: {  	[sflag:s0] =	ssyncadd.tile.s32 @!p0 $0x1;
	_ =	shalt  }
.Lfunc_end2:
_tile_overlayer_lowered:
.L_overlay_start_2:
0x25: {  	(tag) =	ssettag $0x2  }
0x26: {  	s0 =	rddreg [dreg:$0x0];
	s2 =	stileid.u32  }
0x27: {  	s1 =	rddreg [dreg:$0x1];
	p0 =	sne.s32 s2, $0x0  }
0x28: {  	s3 =	rddreg [dreg:$0x2];
	[bflag:$0x3] =	sbarrier.arrive $0xFFFF;
	s2 =	simm.s32 @!p0 $0x1C02  }
0x29: {  	[timem:s3], [sflag:s2] =	dma.local @!p0 [hbm:s0], s1  }
0x2a: {  	s0 =	simm.s32 @!p0 $0x2  }
0x2b: {  	_ =	swait.ge @!p0 [sflag:s0], s1  }
0x2c: {  	s1 =	ssub.s32 @!p0 $0x0, s1;
	[sflag:s0] =	ssyncset.done @!p0 $0x0  }
0x2d: {  	[sflag:s0] =	ssyncadd.s32 @!p0 s1  }
0x2e: {  	[bflag:$0x3] =	sbarrier.arrive $0xFFFF  }
0x2f: {  	_ =	shalt  }

// kernel: kernel.23.cloned.1.call-start
scs
__scs_entry_jumppad:
0x0: {  	(pc) =	sbr.rel $0x88, $3  }
0x1: {  	(tag) =	ssettag $0x0;
	lr =	simm.s32 $0x1  }
0x2: {  	[smem:$0x3FA0] =	sst lr;
	_ =	strace $0xD0000000  }
0x3: {  	_ = 	snop  }
0x4: {  	_ = 	snop  }
0x5: {  	_ = 	snop  }
0x6: {  	_ = 	snop  }
0x7: {  	_ = 	snop  }
__scs_overlays_trampoline_lowered:
0x8: {  	[smem:$0x3FAF] =	sst s0  }
0x9: {  	[smem:$0x3FB0] =	sst s1  }
0xa: {  	[smem:$0x3FB1] =	sst s2  }
0xb: {  	[smem:$0x3FB2] =	sst s3  }
0xc: {  	[smem:$0x3FB3] =	sst s4  }
0xd: {  	[smem:$0x3FB4] =	sst s5  }
0xe: {  	[smem:$0x3FB5] =	sst s6  }
0xf: {  	[smem:$0x3FB6] =	sst s7  }
0x10: {  	[smem:$0x3FB7] =	sst s8  }
0x11: {  	[smem:$0x3FB8] =	sst s9;
	s0 =	simm.s32 @!p0 $0x0  }
0x12: {  	s1 =	sld [smem:$0x3F9E];
	s0 =	simm.s32 @p0 $0x1  }
0x13: {  	[smem:$0x3FB9] =	sst s0;
	s0 =	simm.s32 @!p1 $0x0  }
0x14: {  	s2 =	sld [smem:$0x3F9D];
	s0 =	simm.s32 @p1 $0x1  }
0x15: {  	[smem:$0x3FBA] =	sst s0;
	s0 =	simm.s32 @!p2 $0x0  }
0x16: {  	s3 =	sld [smem:$0x3FDB];
	s0 =	simm.s32 @p2 $0x1  }
0x17: {  	s4 =	simm.s32 $0x1BF5;
	[smem:$0x3FBC] =	sst s0  }
0x18: {  	s0 =	sld [smem:$0x3F9F];
	_ =	swait.ge [sflag:s4], $0x0  }
0x19: {  	s7 =	sld [smem:$0x3FA0]  }
0x1a: {  	s8 =	sadd.s32 $0xFFFFE003, lr  }
0x1b: {  	s9 =	sadd.s32 $0xFFFFFEF7, lr;
	s5 =	simm.s32 $0xFFFFFFFF;
	p2 =	slt.u32 s8, $0xFFFFF086  }
0x1c: {  	p1 =	slt.u32 s9, $0xF7A;
	s5 =	simm.s32 @!p2 $0x0  }
0x1d: {  	s5 =	simm.s32 @p1 $0x1;
	p0 =	seq.s32 s7, s2  }
0x1e: {  	s7 =	smul.u32 @!p0 $0xF7A, s2;
	p2 =	seq.s32 @!p0 s5, $0x0  }
0x1f: {  	s9 =	smul.u32 $0xF7A, s1;
	s8 =	simm.s32 @!p0 $0x1BF5;
	p2 =	por !p2, p0  }
0x20: {  	[sflag:s8] =	ssyncset.s32 @!p0 $0xFFFFF086;
	s6 =	sadd.s32 @!p0 s3, s7;
	s7 =	simm.s32 @!p0 $0x108  }
0x21: {  	s3 =	sadd.s32 s3, s9;
	s6 =	sadd.s32 @!p0 $0x88, s6;
	s7 =	simm.s32 @p2 $0x1082  }
0x22: {  	[simem:s7], [sflag:s8] =	dma.local @!p0 [hbm:s6], $0xF7A  }
0x23: {  	s9 =	sor.u32 $0xD0000000, s2;
	s6 =	simm.s32 $0x108;
	_ =	swait.ge @!p0 [sflag:s8], $0x0  }
0x24: {  	s3 =	sadd.s32 $0x88, s3;
	s6 =	simm.s32 @!p1 $0x1082;
	[sflag:s4] =	ssyncset.s32 $0xFFFFF086  }
0x25: {  	[simem:s6], [sflag:s4] =	dma.local [hbm:s3], $0xF7A  }
0x26: {  	[smem:$0x3FA0] =	sst s1;
	(tag) =	ssettag s2;
	_ =	strace s9  }
0x27: {  	s1 =	sld [smem:$0x3FB0]  }
0x28: {  	s2 =	sld [smem:$0x3FB1]  }
0x29: {  	s4 =	sld [smem:$0x3FB3]  }
0x2a: {  	p0 =	seq.s32 s5, $0x0;
	s5 =	sld [smem:$0x3FB4]  }
0x2b: {  	s6 =	sld [smem:$0x3FB5]  }
0x2c: {  	s7 =	sld [smem:$0x3FB6]  }
0x2d: {  	s3 =	simm.s32 $0x108;
	s8 =	sld [smem:$0x3FB7]  }
0x2e: {  	s3 =	simm.s32 @!p0 $0x1082;
	s9 =	sld [smem:$0x3FB8]  }
0x2f: {  	lr =	sadd.s32 s0, s3;
	s0 =	sld [smem:$0x3FAF]  }
0x30: {  	s3 =	sld [smem:$0x3FB2]  }
0x31: {  	[smem:$0x3FBB] =	sst s10  }
0x32: {  	s10 =	sld [smem:$0x3FB9];
	_ =	sdelay $0x3  }
0x33: {  	p0 =	seq.s32 s10, $0x1;
	s10 =	sld [smem:$0x3FBB];
	_ =	sdelay $0x3  }
0x34: {  	[smem:$0x3FBB] =	sst s10  }
0x35: {  	s10 =	sld [smem:$0x3FBA];
	_ =	sdelay $0x3  }
0x36: {  	p1 =	seq.s32 s10, $0x1;
	s10 =	sld [smem:$0x3FBB];
	_ =	sdelay $0x3  }
0x37: {  	[smem:$0x3FBB] =	sst s10  }
0x38: {  	s10 =	sld [smem:$0x3FBC]  }
0x39: {  	_ = 	snop;
	(pc) =	sbr.ind lr, $3  }
0x3a: {  	_ = 	snop  }
0x3b: {  	_ = 	snop  }
0x3c: {  	p2 =	seq.s32 s10, $0x1;
	s10 =	sld [smem:$0x3FBB]  }
0x3d: {  	_ =	shalt  }
0x3e: {  	_ =	shalt  }
0x3f: {  	_ =	shalt  }
0x40: {  	_ =	shalt  }
0x41: {  	_ =	shalt  }
0x42: {  	_ =	shalt  }
0x43: {  	_ =	shalt  }
0x44: {  	_ =	shalt  }
0x45: {  	_ =	shalt  }
0x46: {  	_ =	shalt  }
0x47: {  	_ =	shalt  }
0x48: {  	_ =	shalt  }
0x49: {  	_ =	shalt  }
0x4a: {  	_ =	shalt  }
0x4b: {  	_ =	shalt  }
0x4c: {  	_ =	shalt  }
0x4d: {  	_ =	shalt  }
0x4e: {  	_ =	shalt  }
0x4f: {  	_ =	shalt  }
0x50: {  	_ =	shalt  }
0x51: {  	_ =	shalt  }
0x52: {  	_ =	shalt  }
0x53: {  	_ =	shalt  }
0x54: {  	_ =	shalt  }
0x55: {  	_ =	shalt  }
0x56: {  	_ =	shalt  }
0x57: {  	_ =	shalt  }
0x58: {  	_ =	shalt  }
0x59: {  	_ =	shalt  }
0x5a: {  	_ =	shalt  }
0x5b: {  	_ =	shalt  }
0x5c: {  	_ =	shalt  }
0x5d: {  	_ =	shalt  }
0x5e: {  	_ =	shalt  }
0x5f: {  	_ =	shalt  }
0x60: {  	_ =	shalt  }
0x61: {  	_ =	shalt  }
0x62: {  	_ =	shalt  }
0x63: {  	_ =	shalt  }
0x64: {  	_ =	shalt  }
0x65: {  	_ =	shalt  }
0x66: {  	_ =	shalt  }
0x67: {  	_ =	shalt  }
0x68: {  	_ =	shalt  }
0x69: {  	_ =	shalt  }
0x6a: {  	_ =	shalt  }
0x6b: {  	_ =	shalt  }
0x6c: {  	_ =	shalt  }
0x6d: {  	_ =	shalt  }
0x6e: {  	_ =	shalt  }
0x6f: {  	_ =	shalt  }
0x70: {  	_ =	shalt  }
0x71: {  	_ =	shalt  }
0x72: {  	_ =	shalt  }
0x73: {  	_ =	shalt  }
0x74: {  	_ =	shalt  }
0x75: {  	_ =	shalt  }
0x76: {  	_ =	shalt  }
0x77: {  	_ =	shalt  }
0x78: {  	_ =	shalt  }
0x79: {  	_ =	shalt  }
0x7a: {  	_ =	shalt  }
0x7b: {  	_ =	shalt  }
0x7c: {  	_ =	shalt  }
0x7d: {  	_ =	shalt  }
0x7e: {  	_ =	shalt  }
0x7f: {  	_ =	shalt  }
0x80: {  	_ =	shalt  }
0x81: {  	_ =	shalt  }
0x82: {  	_ =	shalt  }
0x83: {  	_ =	shalt  }
0x84: {  	_ =	shalt  }
0x85: {  	_ =	shalt  }
0x86: {  	_ =	shalt  }
0x87: {  	_ =	shalt  }
.Lfunc_end0:
.L_simem_size_0:
called_computation.3_lowered:
.L_overlay_start_0:
0x88: {  	s2 =	sld [smem:$0x3FD9]  }
0x89: {  	s3 =	sld [smem:$0x3FFE];
	_ =	sdelay $0x1  }
0x8a: {  	s1 =	srdreg.scid  }
0x8b: {  	s0 =	sand.u32 $0x1, s1  }
0x8c: {  	s17 =	sshll.u32 s0, $0xA;
	s2 =	sadd.s32 s3, s2  }
0x8d: {  	s2 =	sadd.s32 s2, s17  }
0x8e: {  	[smem:$0x3FC7] =	sst s2  }
0x8f: {  	_ = 	snop  }
0x90: {  	(tm) =	ssettm $0x1  }
0x91: {  	s18 =	sld [smem:$0x3FFB];
	_ =	sdelay $0x3  }
0x92: {  	_ =	strace s18  }
0x93: {  	s2 =	sld [smem:$0x3FFC];
	_ =	sdelay $0x3  }
0x94: {  	_ =	strace s2  }
0x95: {  	s2 =	sld [smem:$0x3FFD];
	_ =	sdelay $0x3  }
0x96: {  	_ =	strace s2  }
0x97: {  	_ =	strace $0x8FFFFFFF  }
0x98: {  	s19 =	sld [smem:$0x3FDB];
	_ =	sdelay $0x1  }
0x99: {  	s20 =	simm.s32 $_scs_section_size  }
0x9a: {  	s4 =	simm.s32 $_size__tile_overlayer_lowered;
	s5 =	simm.s32 $_tile_overlayer_lowered  }
0x9b: {  	s6 =	simm.s32 $0x1BFF;
	s21 =	sshll.u32 s5, $0x1;
	s3 =	sadd.s32 s20, s19  }
0x9c: {  	s22 =	simm.s32 $0x0;
	s4 =	sshll.u32 s4, $0x1;
	s5 =	sadd.s32 s21, s3  }
0x9d: {  	[timem:s22], [sflag:s6] =	dma.local [hbm:s5], s4  }
0x9e: {  	_ =	swait.ge [sflag:s6], s4  }
0x9f: {  	s4 =	ssub.s32 $0x0, s4;
	[sflag:s6] =	ssyncset.done $0x0  }
0xa0: {  	[sflag:s6] =	ssyncadd.s32 s4;
	_ =	sdelay $0x1  }
0xa1: {  	s23 =	simm.s32 $0x1B8B  }
0xa2: {  	_ =	swait.ge [sflag:s23], $0x1  }
0xa3: {  	[sflag:s23] =	ssyncset.done $0x0  }
0xa4: {  	[sflag:s23] =	ssyncadd.s32 $0xFFFFFFFF  }
0xa5: {  	s4 =	sld [smem:$0x0]  }
0xa6: {  	s5 =	sand.u32 $0xFFFFFFFE, s1  }
0xa7: {  	p0 =	sne.s32 s1, s5  }
0xa8: {  	s5 =	sshll.u32 @p0 s5, $0xE  }
0xa9: {  	s5 =	sadd.s32 @p0 $0x11B8D, s5;
	s6 =	sshll.u32 @p0 s4, $0x11  }
0xaa: {  	s5 =	sor.u32 @p0 s6, s5  }
0xab: {  	[sflag:s5] =	ssyncadd.remote.s32 @p0 $0x1;
	_ =	sdelay $0x1  }
0xac: {  	s5 =	simm.s32 @p0 $0x1B8D  }
0xad: {  	_ =	swait.eq @p0 [sflag:s5], $0x1  }
0xae: {  	[sflag:s5] =	ssyncadd.s32 @p0 $0xFFFFFFFF  }
0xaf: {  	s6 =	sshll.u32 @!p0 s1, $0xE  }
0xb0: {  	s6 =	sor.u32 @!p0 $0x4000, s6;
	s5 =	simm.s32 @!p0 $0x1B8D  }
0xb1: {  	s4 =	sshll.u32 @!p0 s4, $0x11;
	s6 =	sadd.s32 @!p0 $0x11B8D, s6;
	_ =	swait.eq @!p0 [sflag:s5], $0x1  }
0xb2: {  	s4 =	sor.u32 @!p0 s4, s6;
	[sflag:s5] =	ssyncadd.s32 @!p0 $0xFFFFFFFF  }
0xb3: {  	s25 =	simm.s32 $0x1B8E;
	s24 =	sld [smem:$0x3FFE];
	[sflag:s4] =	ssyncadd.remote.s32 @!p0 $0x1  }
0xb4: {  	s26 =	simm.s32 $execute0_lowered;
	[smem:$0x3FD2] =	sst s25  }
0xb5: {  	s5 =	sshll.u32 s26, $0x1;
	_ =	strace $0x80000055;
	[dreg:$0x1] =	wrdreg $0xFFFFFFFF  }
0xb6: {  	s28 =	simm.s32 $_size_execute0_lowered;
	s3 =	sadd.s32 s3, s5;
	[dreg:$0x0] =	wrdreg $0x0  }
0xb7: {  	s5 =	sshll.u32 s28, $0x1;
	[dreg:$0x2] =	wrdreg s3  }
0xb8: {  	[dreg:$0x3] =	wrdreg s5  }
0xb9: {  	[dreg:$0x4] =	wrdreg $0xC0  }
0xba: {  	_ =	task [dreg:s22], $0x5FFFF  }
0xbb: {  	[dreg:$0x1] =	wrdreg $0xFFFFFFFF  }
0xbc: {  	[dreg:$0x0] =	wrdreg $0x60  }
0xbd: {  	[dreg:$0x2] =	wrdreg s24  }
0xbe: {  	[dreg:$0x3] =	wrdreg $0xB  }
0xbf: {  	_ =	task.clear_ibuf [dreg:s22], $0x4FFFF;
	_ =	strace $0x90000055  }
0xc0: {  	s29 =	simm.s32 $0xB;
	_ =	strace $0x80000057  }
0xc1: {  	_ =	swait.ge [sflag:s29], $0x1  }
0xc2: {  	[sflag:s29] =	ssyncadd.s32 $0xFFFFFFFF  }
0xc3: {  	_ =	strace $0x90000057  }
0xc4: {  	_ =	sfence  }
0xc5: {  	s30 =	sld [smem:$0x0];
	_ =	sdelay $0x2  }
0xc6: {  	s31 =	sshll.u32 s1, $0xD;
	s1 =	sshrl.u32 s1, $0x2  }
0xc7: {  	s4 =	sand.u32 $0x4000, s31;
	s1 =	sadd.s32 s1, s30  }
0xc8: {  	s0 =	sor.u32 s4, s0;
	s1 =	sshll.u32 s1, $0x11  }
0xc9: {  	s0 =	sor.u32 s1, s0  }
0xca: {  	s0 =	sadd.s32 $0x8F2B, s0  }
0xcb: {  	[sflag:s0] =	ssyncadd.remote.s32 $0x1  }
0xcc: {  	_ =	sfence.sel $0xFFFF  }
0xcd: {  	[dreg:$0x0] =	wrdreg $0xFFFFFFFF;
	(pc) =	sbr.abs _section_cstart, $3  }
0xce: {  	[dreg:$0x1] =	wrdreg $0xFFFFFFFF  }
0xcf: {  	_ =	task.clear_ibuf [dreg:s22], $0x2FFFF;
	_ =	strace $0x9FFFFFFF  }
0xd0: {  	(tm) =	ssettm $0x7FFFFFFF  }
0xd1: {  	_ =	shalt  }
tec
execute0_lowered:
.L_overlay_start_1:
0x0: {  	(tag) =	ssettag $0x1  }
0x1: {  	s4 =	rddreg [dreg:$0x0]  }
0x2: {  	s0 =	rddreg [dreg:$0x1];
	s2 =	simm.s32 $0x0;
	s3 =	srdreg.scid  }
0x3: {  	s1 =	stileid.u32;
	s10 =	simm.s32 $0x0;
	[smem:$0x7FF] =	sst s2  }
0x4: {  	s5 =	sand.u32 $0x1, s3;
	s6 =	sshll.u32 s1, $0xC;
	s3 =	sadd.s32 $0x2A00, s4  }
0x5: {  	s8 =	sshll.u32 s1, $0xF;
	_ =	strace $0x80000056;
	s7 =	sshll.u32 s5, $0xB  }
0x6: {  	s31 =	ssub.s32 $0x2, s5;
	s8 =	sadd.s32 s8, s4;
	s5 =	sshll.u32 s5, $0xE  }
0x7: {  	s6 =	sor.u32 s7, s6;
	s9 =	sshrl.u32 s31, $0x1;
	s5 =	sadd.s32 s5, s8  }
0x8: {  	s8 =	simm.s32 $0x80;
	s6 =	sshrl.u32 s6, $0x3;
	s7 =	ssub.s32 s31, s9  }
0x9: {  	s5 =	sadd.s32 $0x11B200, s5;
	s9 =	simm.s32 $0x1;
	s6 =	sadd.s32 s6, s4  }
0xa: {  	s4 =	smax.u32 s7, $0x1;
	s7 =	simm.s32 $0x2;
	s6 =	sadd.s32 $0x84A00, s6  }
.LBB2_1:
0xb: {  	s11 =	sadd.s32 $0x0, s6  }
0xc: {  	[tilespmem:s2], [sflag:$0x2] =	stream.linear.gather [hbm4b:s11+s2], $0x80, $0x38;
	[tilespmem:$0x2080] =	vst v63  }
0xd: {  	_ =	swait.ge [sflag:s7], $0x80  }
0xe: {  	[sflag:s7] =	ssyncset.done $0x0  }
0xf: {  	[sflag:s7] =	ssyncadd.s32 $0xFFFFFF80  }
0x10: {  	[tilespmem:s8], [sflag:$0x1] =	stream.indirect.gather [hbm4b:s3+s8], $0x40, s2, s8, $0xb8;
	[tilespmem:$0x2080] =	vst v63  }
0x11: {  	_ =	swait.ge [sflag:s9], $0x2000  }
0x12: {  	[sflag:s9] =	ssyncset.done $0x0  }
0x13: {  	[sflag:s9] =	ssyncadd.s32 $0xFFFFE000  }
0x14: {  	[hbm4b:s5+s2] =	stream.linear.scatter [tilespmem:s8], [sflag:$0x2], $0x2000, $0x38;
	[tilespmem:$0x2080] =	vst v63  }
0x15: {  	s12 =	simm.s32 $0x10;
	_ =	swait.ge [sflag:s7], $0x2000  }
0x16: {  	s13 =	simm.s32 $0x20;
	s11 =	sadd.s32 $0x400, s5;
	[sflag:s7] =	ssyncset.done $0x0  }
.LBB2_2:
0x17: {  	s14 =	sadd.s32 s12, s6  }
0x18: {  	[sflag:s7] =	ssyncadd.s32 $0xFFFFE000;
	s12 =	smov.u32 s13;
	s15 =	sadd.s32 $0x10, s13  }
0x19: {  	[tilespmem:s2], [sflag:$0x2] =	stream.linear.gather [hbm4b:s14+s2], $0x80, $0x38;
	[tilespmem:$0x2080] =	vst v63  }
0x1a: {  	p0 =	sne.s32 s13, $0xF0;
	_ =	swait.ge [sflag:s7], $0x80  }
0x1b: {  	[sflag:s7] =	ssyncset.done $0x0  }
0x1c: {  	[sflag:s7] =	ssyncadd.s32 $0xFFFFFF80  }
0x1d: {  	[tilespmem:s8], [sflag:$0x1] =	stream.indirect.gather [hbm4b:s3+s8], $0x40, s2, s8, $0xb8;
	[tilespmem:$0x2080] =	vst v63  }
0x1e: {  	_ =	swait.ge [sflag:s9], $0x2000  }
.Ltmp0:
0x1f: {  	[sflag:s9] =	ssyncset.done $0x0;
	(pc) =	sbr.rel @p0 .LBB2_2-.Ltmp0, $4  }
0x20: {  	[sflag:s9] =	ssyncadd.s32 $0xFFFFE000  }
0x21: {  	[hbm4b:s11+s2] =	stream.linear.scatter [tilespmem:s8], [sflag:$0x2], $0x2000, $0x38;
	[tilespmem:$0x2080] =	vst v63  }
0x22: {  	_ =	swait.ge [sflag:s7], $0x2000  }
0x23: {  	s13 =	smov.u32 s15;
	s11 =	sadd.s32 $0x400, s11;
	[sflag:s7] =	ssyncset.done $0x0  }
0x24: {  	s12 =	sadd.s32 s12, s6;
	[sflag:s7] =	ssyncadd.s32 $0xFFFFE000  }
0x25: {  	[tilespmem:s2], [sflag:$0x2] =	stream.linear.gather [hbm4b:s12+s2], $0x80, $0x38;
	[tilespmem:$0x2080] =	vst v63  }
0x26: {  	_ =	swait.ge [sflag:s7], $0x80  }
0x27: {  	[sflag:s7] =	ssyncset.done $0x0  }
0x28: {  	[sflag:s7] =	ssyncadd.s32 $0xFFFFFF80  }
0x29: {  	[tilespmem:s8], [sflag:$0x1] =	stream.indirect.gather [hbm4b:s3+s8], $0x40, s2, s8, $0xb8;
	[tilespmem:$0x2080] =	vst v63  }
0x2a: {  	s10 =	sadd.s32 $0x1, s10;
	_ =	swait.ge [sflag:s9], $0x2000  }
0x2b: {  	p0 =	sne.s32 s10, s4;
	[sflag:s9] =	ssyncset.done $0x0  }
.Ltmp1:
0x2c: {  	[sflag:s9] =	ssyncadd.s32 $0xFFFFE000;
	(pc) =	sbr.rel @p0 .LBB2_1-.Ltmp1, $4  }
0x2d: {  	[hbm4b:s11+s2] =	stream.linear.scatter [tilespmem:s8], [sflag:$0x2], $0x2000, $0x38;
	[tilespmem:$0x2080] =	vst v63  }
0x2e: {  	_ =	swait.ge [sflag:s7], $0x2000  }
0x2f: {  	[sflag:s7] =	ssyncset.done $0x0  }
0x30: {  	[sflag:s7] =	ssyncadd.s32 $0xFFFFE000  }
0x31: {  	_ =	sfence.sel $0x180000  }
0x32: {  	[bflag:$0x0] =	sbarrier.arrive $0xFFFF  }
0x33: {  	p0 =	sne.s32 s1, $0x0;
	_ =	strace $0x90000056  }
0x34: {  	s0 =	sadd.s32 @!p0 $0x100000, s0;
	[bflag:$0x2] =	sbarrier.arrive $0xFFFF  }
0x35: {  	[sflag:s0] =	ssyncadd.tile.s32 @!p0 $0x1;
	_ =	shalt  }
.Lfunc_end2:
_tile_overlayer_lowered:
.L_overlay_start_2:
0x36: {  	(tag) =	ssettag $0x2  }
0x37: {  	s0 =	rddreg [dreg:$0x0];
	s2 =	stileid.u32  }
0x38: {  	s1 =	rddreg [dreg:$0x1];
	p0 =	sne.s32 s2, $0x0  }
0x39: {  	s3 =	rddreg [dreg:$0x2];
	[bflag:$0x3] =	sbarrier.arrive $0xFFFF;
	s2 =	simm.s32 @!p0 $0x1C02  }
0x3a: {  	[timem:s3], [sflag:s2] =	dma.local @!p0 [hbm:s0], s1  }
0x3b: {  	s0 =	simm.s32 @!p0 $0x2  }
0x3c: {  	_ =	swait.ge @!p0 [sflag:s0], s1  }
0x3d: {  	s1 =	ssub.s32 @!p0 $0x0, s1;
	[sflag:s0] =	ssyncset.done @!p0 $0x0  }
0x3e: {  	[sflag:s0] =	ssyncadd.s32 @!p0 s1  }
0x3f: {  	[bflag:$0x3] =	sbarrier.arrive $0xFFFF  }
0x40: {  	_ =	shalt  }

// kernel: kernel.26.cloned.1.call-start
scs
__scs_entry_jumppad:
0x0: {  	(pc) =	sbr.rel $0x88, $3  }
0x1: {  	(tag) =	ssettag $0x0;
	lr =	simm.s32 $0x1  }
0x2: {  	[smem:$0x3FA0] =	sst lr;
	_ =	strace $0xD0000000  }
0x3: {  	_ = 	snop  }
0x4: {  	_ = 	snop  }
0x5: {  	_ = 	snop  }
0x6: {  	_ = 	snop  }
0x7: {  	_ = 	snop  }
__scs_overlays_trampoline_lowered:
0x8: {  	[smem:$0x3FAF] =	sst s0  }
0x9: {  	[smem:$0x3FB0] =	sst s1  }
0xa: {  	[smem:$0x3FB1] =	sst s2  }
0xb: {  	[smem:$0x3FB2] =	sst s3  }
0xc: {  	[smem:$0x3FB3] =	sst s4  }
0xd: {  	[smem:$0x3FB4] =	sst s5  }
0xe: {  	[smem:$0x3FB5] =	sst s6  }
0xf: {  	[smem:$0x3FB6] =	sst s7  }
0x10: {  	[smem:$0x3FB7] =	sst s8  }
0x11: {  	[smem:$0x3FB8] =	sst s9;
	s0 =	simm.s32 @!p0 $0x0  }
0x12: {  	s1 =	sld [smem:$0x3F9E];
	s0 =	simm.s32 @p0 $0x1  }
0x13: {  	[smem:$0x3FB9] =	sst s0;
	s0 =	simm.s32 @!p1 $0x0  }
0x14: {  	s2 =	sld [smem:$0x3F9D];
	s0 =	simm.s32 @p1 $0x1  }
0x15: {  	[smem:$0x3FBA] =	sst s0;
	s0 =	simm.s32 @!p2 $0x0  }
0x16: {  	s3 =	sld [smem:$0x3FDB];
	s0 =	simm.s32 @p2 $0x1  }
0x17: {  	s4 =	simm.s32 $0x1BF5;
	[smem:$0x3FBC] =	sst s0  }
0x18: {  	s0 =	sld [smem:$0x3F9F];
	_ =	swait.ge [sflag:s4], $0x0  }
0x19: {  	s7 =	sld [smem:$0x3FA0]  }
0x1a: {  	s8 =	sadd.s32 $0xFFFFE003, lr  }
0x1b: {  	s9 =	sadd.s32 $0xFFFFFEF7, lr;
	s5 =	simm.s32 $0xFFFFFFFF;
	p2 =	slt.u32 s8, $0xFFFFF086  }
0x1c: {  	p1 =	slt.u32 s9, $0xF7A;
	s5 =	simm.s32 @!p2 $0x0  }
0x1d: {  	s5 =	simm.s32 @p1 $0x1;
	p0 =	seq.s32 s7, s2  }
0x1e: {  	s7 =	smul.u32 @!p0 $0xF7A, s2;
	p2 =	seq.s32 @!p0 s5, $0x0  }
0x1f: {  	s9 =	smul.u32 $0xF7A, s1;
	s8 =	simm.s32 @!p0 $0x1BF5;
	p2 =	por !p2, p0  }
0x20: {  	[sflag:s8] =	ssyncset.s32 @!p0 $0xFFFFF086;
	s6 =	sadd.s32 @!p0 s3, s7;
	s7 =	simm.s32 @!p0 $0x108  }
0x21: {  	s3 =	sadd.s32 s3, s9;
	s6 =	sadd.s32 @!p0 $0x88, s6;
	s7 =	simm.s32 @p2 $0x1082  }
0x22: {  	[simem:s7], [sflag:s8] =	dma.local @!p0 [hbm:s6], $0xF7A  }
0x23: {  	s9 =	sor.u32 $0xD0000000, s2;
	s6 =	simm.s32 $0x108;
	_ =	swait.ge @!p0 [sflag:s8], $0x0  }
0x24: {  	s3 =	sadd.s32 $0x88, s3;
	s6 =	simm.s32 @!p1 $0x1082;
	[sflag:s4] =	ssyncset.s32 $0xFFFFF086  }
0x25: {  	[simem:s6], [sflag:s4] =	dma.local [hbm:s3], $0xF7A  }
0x26: {  	[smem:$0x3FA0] =	sst s1;
	(tag) =	ssettag s2;
	_ =	strace s9  }
0x27: {  	s1 =	sld [smem:$0x3FB0]  }
0x28: {  	s2 =	sld [smem:$0x3FB1]  }
0x29: {  	s4 =	sld [smem:$0x3FB3]  }
0x2a: {  	p0 =	seq.s32 s5, $0x0;
	s5 =	sld [smem:$0x3FB4]  }
0x2b: {  	s6 =	sld [smem:$0x3FB5]  }
0x2c: {  	s7 =	sld [smem:$0x3FB6]  }
0x2d: {  	s3 =	simm.s32 $0x108;
	s8 =	sld [smem:$0x3FB7]  }
0x2e: {  	s3 =	simm.s32 @!p0 $0x1082;
	s9 =	sld [smem:$0x3FB8]  }
0x2f: {  	lr =	sadd.s32 s0, s3;
	s0 =	sld [smem:$0x3FAF]  }
0x30: {  	s3 =	sld [smem:$0x3FB2]  }
0x31: {  	[smem:$0x3FBB] =	sst s10  }
0x32: {  	s10 =	sld [smem:$0x3FB9];
	_ =	sdelay $0x3  }
0x33: {  	p0 =	seq.s32 s10, $0x1;
	s10 =	sld [smem:$0x3FBB];
	_ =	sdelay $0x3  }
0x34: {  	[smem:$0x3FBB] =	sst s10  }
0x35: {  	s10 =	sld [smem:$0x3FBA];
	_ =	sdelay $0x3  }
0x36: {  	p1 =	seq.s32 s10, $0x1;
	s10 =	sld [smem:$0x3FBB];
	_ =	sdelay $0x3  }
0x37: {  	[smem:$0x3FBB] =	sst s10  }
0x38: {  	s10 =	sld [smem:$0x3FBC]  }
0x39: {  	_ = 	snop;
	(pc) =	sbr.ind lr, $3  }
0x3a: {  	_ = 	snop  }
0x3b: {  	_ = 	snop  }
0x3c: {  	p2 =	seq.s32 s10, $0x1;
	s10 =	sld [smem:$0x3FBB]  }
0x3d: {  	_ =	shalt  }
0x3e: {  	_ =	shalt  }
0x3f: {  	_ =	shalt  }
0x40: {  	_ =	shalt  }
0x41: {  	_ =	shalt  }
0x42: {  	_ =	shalt  }
0x43: {  	_ =	shalt  }
0x44: {  	_ =	shalt  }
0x45: {  	_ =	shalt  }
0x46: {  	_ =	shalt  }
0x47: {  	_ =	shalt  }
0x48: {  	_ =	shalt  }
0x49: {  	_ =	shalt  }
0x4a: {  	_ =	shalt  }
0x4b: {  	_ =	shalt  }
0x4c: {  	_ =	shalt  }
0x4d: {  	_ =	shalt  }
0x4e: {  	_ =	shalt  }
0x4f: {  	_ =	shalt  }
0x50: {  	_ =	shalt  }
0x51: {  	_ =	shalt  }
0x52: {  	_ =	shalt  }
0x53: {  	_ =	shalt  }
0x54: {  	_ =	shalt  }
0x55: {  	_ =	shalt  }
0x56: {  	_ =	shalt  }
0x57: {  	_ =	shalt  }
0x58: {  	_ =	shalt  }
0x59: {  	_ =	shalt  }
0x5a: {  	_ =	shalt  }
0x5b: {  	_ =	shalt  }
0x5c: {  	_ =	shalt  }
0x5d: {  	_ =	shalt  }
0x5e: {  	_ =	shalt  }
0x5f: {  	_ =	shalt  }
0x60: {  	_ =	shalt  }
0x61: {  	_ =	shalt  }
0x62: {  	_ =	shalt  }
0x63: {  	_ =	shalt  }
0x64: {  	_ =	shalt  }
0x65: {  	_ =	shalt  }
0x66: {  	_ =	shalt  }
0x67: {  	_ =	shalt  }
0x68: {  	_ =	shalt  }
0x69: {  	_ =	shalt  }
0x6a: {  	_ =	shalt  }
0x6b: {  	_ =	shalt  }
0x6c: {  	_ =	shalt  }
0x6d: {  	_ =	shalt  }
0x6e: {  	_ =	shalt  }
0x6f: {  	_ =	shalt  }
0x70: {  	_ =	shalt  }
0x71: {  	_ =	shalt  }
0x72: {  	_ =	shalt  }
0x73: {  	_ =	shalt  }
0x74: {  	_ =	shalt  }
0x75: {  	_ =	shalt  }
0x76: {  	_ =	shalt  }
0x77: {  	_ =	shalt  }
0x78: {  	_ =	shalt  }
0x79: {  	_ =	shalt  }
0x7a: {  	_ =	shalt  }
0x7b: {  	_ =	shalt  }
0x7c: {  	_ =	shalt  }
0x7d: {  	_ =	shalt  }
0x7e: {  	_ =	shalt  }
0x7f: {  	_ =	shalt  }
0x80: {  	_ =	shalt  }
0x81: {  	_ =	shalt  }
0x82: {  	_ =	shalt  }
0x83: {  	_ =	shalt  }
0x84: {  	_ =	shalt  }
0x85: {  	_ =	shalt  }
0x86: {  	_ =	shalt  }
0x87: {  	_ =	shalt  }
.Lfunc_end0:
.L_simem_size_0:
called_computation.4_lowered:
.L_overlay_start_0:
0x88: {  	s2 =	sld [smem:$0x3FD9]  }
0x89: {  	s3 =	sld [smem:$0x3FFE];
	_ =	sdelay $0x1  }
0x8a: {  	s1 =	srdreg.scid  }
0x8b: {  	s0 =	sand.u32 $0x1, s1  }
0x8c: {  	s17 =	sshll.u32 s0, $0xA;
	s2 =	sadd.s32 s3, s2  }
0x8d: {  	s2 =	sadd.s32 s2, s17  }
0x8e: {  	[smem:$0x3FC7] =	sst s2  }
0x8f: {  	_ = 	snop  }
0x90: {  	(tm) =	ssettm $0x1  }
0x91: {  	s18 =	sld [smem:$0x3FFB];
	_ =	sdelay $0x3  }
0x92: {  	_ =	strace s18  }
0x93: {  	s2 =	sld [smem:$0x3FFC];
	_ =	sdelay $0x3  }
0x94: {  	_ =	strace s2  }
0x95: {  	s2 =	sld [smem:$0x3FFD];
	_ =	sdelay $0x3  }
0x96: {  	_ =	strace s2  }
0x97: {  	_ =	strace $0x8FFFFFFF  }
0x98: {  	s19 =	sld [smem:$0x3FDB];
	_ =	sdelay $0x1  }
0x99: {  	s20 =	simm.s32 $_scs_section_size  }
0x9a: {  	s4 =	simm.s32 $_size__tile_overlayer_lowered;
	s5 =	simm.s32 $_tile_overlayer_lowered  }
0x9b: {  	s6 =	simm.s32 $0x1BFF;
	s21 =	sshll.u32 s5, $0x1;
	s3 =	sadd.s32 s20, s19  }
0x9c: {  	s22 =	simm.s32 $0x0;
	s4 =	sshll.u32 s4, $0x1;
	s5 =	sadd.s32 s21, s3  }
0x9d: {  	[timem:s22], [sflag:s6] =	dma.local [hbm:s5], s4  }
0x9e: {  	_ =	swait.ge [sflag:s6], s4  }
0x9f: {  	s4 =	ssub.s32 $0x0, s4;
	[sflag:s6] =	ssyncset.done $0x0  }
0xa0: {  	[sflag:s6] =	ssyncadd.s32 s4;
	_ =	sdelay $0x1  }
0xa1: {  	s23 =	simm.s32 $0x1B8B  }
0xa2: {  	_ =	swait.ge [sflag:s23], $0x1  }
0xa3: {  	[sflag:s23] =	ssyncset.done $0x0  }
0xa4: {  	[sflag:s23] =	ssyncadd.s32 $0xFFFFFFFF  }
0xa5: {  	s4 =	sld [smem:$0x0]  }
0xa6: {  	s5 =	sand.u32 $0xFFFFFFFE, s1  }
0xa7: {  	p0 =	sne.s32 s1, s5  }
0xa8: {  	s5 =	sshll.u32 @p0 s5, $0xE  }
0xa9: {  	s5 =	sadd.s32 @p0 $0x11B8D, s5;
	s6 =	sshll.u32 @p0 s4, $0x11  }
0xaa: {  	s5 =	sor.u32 @p0 s6, s5  }
0xab: {  	[sflag:s5] =	ssyncadd.remote.s32 @p0 $0x1;
	_ =	sdelay $0x1  }
0xac: {  	s5 =	simm.s32 @p0 $0x1B8D  }
0xad: {  	_ =	swait.eq @p0 [sflag:s5], $0x1  }
0xae: {  	[sflag:s5] =	ssyncadd.s32 @p0 $0xFFFFFFFF  }
0xaf: {  	s6 =	sshll.u32 @!p0 s1, $0xE  }
0xb0: {  	s6 =	sor.u32 @!p0 $0x4000, s6;
	s5 =	simm.s32 @!p0 $0x1B8D  }
0xb1: {  	s4 =	sshll.u32 @!p0 s4, $0x11;
	s6 =	sadd.s32 @!p0 $0x11B8D, s6;
	_ =	swait.eq @!p0 [sflag:s5], $0x1  }
0xb2: {  	s4 =	sor.u32 @!p0 s4, s6;
	[sflag:s5] =	ssyncadd.s32 @!p0 $0xFFFFFFFF  }
0xb3: {  	s25 =	simm.s32 $0x1B8E;
	s24 =	sld [smem:$0x3FFE];
	[sflag:s4] =	ssyncadd.remote.s32 @!p0 $0x1  }
0xb4: {  	s26 =	simm.s32 $execute0_lowered;
	[smem:$0x3FD2] =	sst s25  }
0xb5: {  	s5 =	sshll.u32 s26, $0x1;
	_ =	strace $0x8000004C;
	[dreg:$0x1] =	wrdreg $0xFFFFFFFF  }
0xb6: {  	s28 =	simm.s32 $_size_execute0_lowered;
	s3 =	sadd.s32 s3, s5;
	[dreg:$0x0] =	wrdreg $0x0  }
0xb7: {  	s5 =	sshll.u32 s28, $0x1;
	[dreg:$0x2] =	wrdreg s3  }
0xb8: {  	[dreg:$0x3] =	wrdreg s5  }
0xb9: {  	[dreg:$0x4] =	wrdreg $0xC0  }
0xba: {  	_ =	task [dreg:s22], $0x5FFFF  }
0xbb: {  	[dreg:$0x1] =	wrdreg $0xFFFFFFFF  }
0xbc: {  	[dreg:$0x0] =	wrdreg $0x60  }
0xbd: {  	[dreg:$0x2] =	wrdreg s24  }
0xbe: {  	[dreg:$0x3] =	wrdreg $0xC  }
0xbf: {  	_ =	task.clear_ibuf [dreg:s22], $0x4FFFF;
	_ =	strace $0x9000004C  }
0xc0: {  	s29 =	simm.s32 $0xC;
	_ =	strace $0x8000004E  }
0xc1: {  	_ =	swait.ge [sflag:s29], $0x1  }
0xc2: {  	[sflag:s29] =	ssyncadd.s32 $0xFFFFFFFF  }
0xc3: {  	_ =	strace $0x9000004E  }
0xc4: {  	_ =	sfence  }
0xc5: {  	s30 =	sld [smem:$0x0];
	_ =	sdelay $0x2  }
0xc6: {  	s31 =	sshll.u32 s1, $0xD;
	s1 =	sshrl.u32 s1, $0x2  }
0xc7: {  	s4 =	sand.u32 $0x4000, s31;
	s1 =	sadd.s32 s1, s30  }
0xc8: {  	s0 =	sor.u32 s4, s0;
	s1 =	sshll.u32 s1, $0x11  }
0xc9: {  	s0 =	sor.u32 s1, s0  }
0xca: {  	s0 =	sadd.s32 $0x8F2B, s0  }
0xcb: {  	[sflag:s0] =	ssyncadd.remote.s32 $0x1  }
0xcc: {  	_ =	sfence.sel $0xFFFF  }
0xcd: {  	[dreg:$0x0] =	wrdreg $0xFFFFFFFF;
	(pc) =	sbr.abs _section_cstart, $3  }
0xce: {  	[dreg:$0x1] =	wrdreg $0xFFFFFFFF  }
0xcf: {  	_ =	task.clear_ibuf [dreg:s22], $0x2FFFF;
	_ =	strace $0x9FFFFFFF  }
0xd0: {  	(tm) =	ssettm $0x7FFFFFFF  }
0xd1: {  	_ =	shalt  }
tec
execute0_lowered:
.L_overlay_start_1:
0x0: {  	(tag) =	ssettag $0x1  }
0x1: {  	s1 =	srdreg.scid  }
0x2: {  	s0 =	stileid.u32;
	s6 =	sand.u32 $0x1, s1  }
0x3: {  	s8 =	rddreg [dreg:$0x0];
	s30 =	sshll.u32 s0, $0x8;
	s2 =	sshll.u32 s6, $0x7  }
0x4: {  	s7 =	simm.s32 $0x1;
	s1 =	rddreg [dreg:$0x1];
	s9 =	sor.u32 s2, s30  }
0x5: {  	s5 =	sadd.s32 $0x2A00, s8;
	s2 =	simm.s32 $0x0;
	s3 =	sshrl.u32 s9, $0x3  }
0x6: {  	s10 =	ssub.s32 $0x2, s6;
	[smem:$0x7FF] =	sst s2;
	s3 =	sadd.s32 s3, s8  }
0x7: {  	_ =	strace $0x8000004D;
	s4 =	sadd.s32 $0x92E00, s3;
	s3 =	simm.s32 $0x2  }
0x8: {  	[tilespmem:s2], [sflag:$0x2] =	stream.linear.gather [hbm4b:s4+s2], $0x80, $0x38;
	[tilespmem:$0x2080] =	vst v63  }
0x9: {  	s6 =	simm.s32 $0x80;
	s11 =	sshrl.u32 s10, $0x1;
	_ =	swait.ge [sflag:s3], $0x80  }
0xa: {  	s9 =	sshll.u32 s9, $0x3;
	s31 =	ssub.s32 s10, s11;
	[sflag:s3] =	ssyncset.done $0x0  }
0xb: {  	s8 =	sadd.s32 s9, s8;
	s9 =	smax.u32 s31, $0x1;
	[sflag:s3] =	ssyncadd.s32 $0xFFFFFF80  }
0xc: {  	[tilespmem:s6], [sflag:$0x1] =	stream.indirect.gather [hbm4b:s5+s6], $0x40, s2, s6, $0xb8;
	[tilespmem:$0x2080] =	vst v63  }
0xd: {  	p0 =	sne.s32 s9, $0x1;
	_ =	swait.ge [sflag:s7], $0x2000  }
.Ltmp0:
0xe: {  	[sflag:s7] =	ssyncset.done $0x0;
	(pc) =	sbr.rel @!p0 .LBB2_2-.Ltmp0, $4  }
0xf: {  	s8 =	sadd.s32 $0x93000, s8;
	[sflag:s7] =	ssyncadd.s32 $0xFFFFE000  }
0x10: {  	[hbm4b:s8+s2] =	stream.linear.scatter [tilespmem:s6], [sflag:$0x2], $0x2000, $0x38;
	[tilespmem:$0x2080] =	vst v63  }
0x11: {  	_ =	swait.ge [sflag:s3], $0x2000  }
0x12: {  	s9 =	sadd.s32 $0xFFFFFFFF, s9;
	[sflag:s3] =	ssyncset.done $0x0  }
.LBB2_1:
0x13: {  	p0 =	sne.s32 s9, $0x1;
	s9 =	sadd.s32 $0xFFFFFFFF, s9;
	[sflag:s3] =	ssyncadd.s32 $0xFFFFE000  }
0x14: {  	[tilespmem:s2], [sflag:$0x2] =	stream.linear.gather [hbm4b:s4+s2], $0x80, $0x38;
	[tilespmem:$0x2080] =	vst v63  }
0x15: {  	_ =	swait.ge [sflag:s3], $0x80  }
0x16: {  	[sflag:s3] =	ssyncset.done $0x0  }
0x17: {  	[sflag:s3] =	ssyncadd.s32 $0xFFFFFF80  }
0x18: {  	[tilespmem:s6], [sflag:$0x1] =	stream.indirect.gather [hbm4b:s5+s6], $0x40, s2, s6, $0xb8;
	[tilespmem:$0x2080] =	vst v63  }
0x19: {  	_ =	swait.ge [sflag:s7], $0x2000  }
.Ltmp1:
0x1a: {  	[sflag:s7] =	ssyncset.done $0x0;
	(pc) =	sbr.rel @p0 .LBB2_1-.Ltmp1, $4  }
0x1b: {  	[sflag:s7] =	ssyncadd.s32 $0xFFFFE000  }
0x1c: {  	[hbm4b:s8+s2] =	stream.linear.scatter [tilespmem:s6], [sflag:$0x2], $0x2000, $0x38;
	[tilespmem:$0x2080] =	vst v63  }
0x1d: {  	_ =	swait.ge [sflag:s3], $0x2000  }
0x1e: {  	[sflag:s3] =	ssyncset.done $0x0  }
.LBB2_2:
0x1f: {  	[sflag:s3] =	ssyncadd.s32 $0xFFFFE000  }
0x20: {  	_ =	sfence.sel $0x180000  }
0x21: {  	[bflag:$0x0] =	sbarrier.arrive $0xFFFF  }
0x22: {  	p0 =	sne.s32 s0, $0x0;
	_ =	strace $0x9000004D  }
0x23: {  	s0 =	sadd.s32 @!p0 $0x100000, s1;
	[bflag:$0x2] =	sbarrier.arrive $0xFFFF  }
0x24: {  	[sflag:s0] =	ssyncadd.tile.s32 @!p0 $0x1;
	_ =	shalt  }
.Lfunc_end2:
_tile_overlayer_lowered:
.L_overlay_start_2:
0x25: {  	(tag) =	ssettag $0x2  }
0x26: {  	s0 =	rddreg [dreg:$0x0];
	s2 =	stileid.u32  }
0x27: {  	s1 =	rddreg [dreg:$0x1];
	p0 =	sne.s32 s2, $0x0  }
0x28: {  	s3 =	rddreg [dreg:$0x2];
	[bflag:$0x3] =	sbarrier.arrive $0xFFFF;
	s2 =	simm.s32 @!p0 $0x1C02  }
0x29: {  	[timem:s3], [sflag:s2] =	dma.local @!p0 [hbm:s0], s1  }
0x2a: {  	s0 =	simm.s32 @!p0 $0x2  }
0x2b: {  	_ =	swait.ge @!p0 [sflag:s0], s1  }
0x2c: {  	s1 =	ssub.s32 @!p0 $0x0, s1;
	[sflag:s0] =	ssyncset.done @!p0 $0x0  }
0x2d: {  	[sflag:s0] =	ssyncadd.s32 @!p0 s1  }
0x2e: {  	[bflag:$0x3] =	sbarrier.arrive $0xFFFF  }
0x2f: {  	_ =	shalt  }

// kernel: kernel.29.cloned.1.call-start
scs
__scs_entry_jumppad:
0x0: {  	(pc) =	sbr.rel $0x88, $3  }
0x1: {  	(tag) =	ssettag $0x0;
	lr =	simm.s32 $0x1  }
0x2: {  	[smem:$0x3FA0] =	sst lr;
	_ =	strace $0xD0000000  }
0x3: {  	_ = 	snop  }
0x4: {  	_ = 	snop  }
0x5: {  	_ = 	snop  }
0x6: {  	_ = 	snop  }
0x7: {  	_ = 	snop  }
__scs_overlays_trampoline_lowered:
0x8: {  	[smem:$0x3FAF] =	sst s0  }
0x9: {  	[smem:$0x3FB0] =	sst s1  }
0xa: {  	[smem:$0x3FB1] =	sst s2  }
0xb: {  	[smem:$0x3FB2] =	sst s3  }
0xc: {  	[smem:$0x3FB3] =	sst s4  }
0xd: {  	[smem:$0x3FB4] =	sst s5  }
0xe: {  	[smem:$0x3FB5] =	sst s6  }
0xf: {  	[smem:$0x3FB6] =	sst s7  }
0x10: {  	[smem:$0x3FB7] =	sst s8  }
0x11: {  	[smem:$0x3FB8] =	sst s9;
	s0 =	simm.s32 @!p0 $0x0  }
0x12: {  	s1 =	sld [smem:$0x3F9E];
	s0 =	simm.s32 @p0 $0x1  }
0x13: {  	[smem:$0x3FB9] =	sst s0;
	s0 =	simm.s32 @!p1 $0x0  }
0x14: {  	s2 =	sld [smem:$0x3F9D];
	s0 =	simm.s32 @p1 $0x1  }
0x15: {  	[smem:$0x3FBA] =	sst s0;
	s0 =	simm.s32 @!p2 $0x0  }
0x16: {  	s3 =	sld [smem:$0x3FDB];
	s0 =	simm.s32 @p2 $0x1  }
0x17: {  	s4 =	simm.s32 $0x1BF5;
	[smem:$0x3FBC] =	sst s0  }
0x18: {  	s0 =	sld [smem:$0x3F9F];
	_ =	swait.ge [sflag:s4], $0x0  }
0x19: {  	s7 =	sld [smem:$0x3FA0]  }
0x1a: {  	s8 =	sadd.s32 $0xFFFFE003, lr  }
0x1b: {  	s9 =	sadd.s32 $0xFFFFFEF7, lr;
	s5 =	simm.s32 $0xFFFFFFFF;
	p2 =	slt.u32 s8, $0xFFFFF086  }
0x1c: {  	p1 =	slt.u32 s9, $0xF7A;
	s5 =	simm.s32 @!p2 $0x0  }
0x1d: {  	s5 =	simm.s32 @p1 $0x1;
	p0 =	seq.s32 s7, s2  }
0x1e: {  	s7 =	smul.u32 @!p0 $0xF7A, s2;
	p2 =	seq.s32 @!p0 s5, $0x0  }
0x1f: {  	s9 =	smul.u32 $0xF7A, s1;
	s8 =	simm.s32 @!p0 $0x1BF5;
	p2 =	por !p2, p0  }
0x20: {  	[sflag:s8] =	ssyncset.s32 @!p0 $0xFFFFF086;
	s6 =	sadd.s32 @!p0 s3, s7;
	s7 =	simm.s32 @!p0 $0x108  }
0x21: {  	s3 =	sadd.s32 s3, s9;
	s6 =	sadd.s32 @!p0 $0x88, s6;
	s7 =	simm.s32 @p2 $0x1082  }
0x22: {  	[simem:s7], [sflag:s8] =	dma.local @!p0 [hbm:s6], $0xF7A  }
0x23: {  	s9 =	sor.u32 $0xD0000000, s2;
	s6 =	simm.s32 $0x108;
	_ =	swait.ge @!p0 [sflag:s8], $0x0  }
0x24: {  	s3 =	sadd.s32 $0x88, s3;
	s6 =	simm.s32 @!p1 $0x1082;
	[sflag:s4] =	ssyncset.s32 $0xFFFFF086  }
0x25: {  	[simem:s6], [sflag:s4] =	dma.local [hbm:s3], $0xF7A  }
0x26: {  	[smem:$0x3FA0] =	sst s1;
	(tag) =	ssettag s2;
	_ =	strace s9  }
0x27: {  	s1 =	sld [smem:$0x3FB0]  }
0x28: {  	s2 =	sld [smem:$0x3FB1]  }
0x29: {  	s4 =	sld [smem:$0x3FB3]  }
0x2a: {  	p0 =	seq.s32 s5, $0x0;
	s5 =	sld [smem:$0x3FB4]  }
0x2b: {  	s6 =	sld [smem:$0x3FB5]  }
0x2c: {  	s7 =	sld [smem:$0x3FB6]  }
0x2d: {  	s3 =	simm.s32 $0x108;
	s8 =	sld [smem:$0x3FB7]  }
0x2e: {  	s3 =	simm.s32 @!p0 $0x1082;
	s9 =	sld [smem:$0x3FB8]  }
0x2f: {  	lr =	sadd.s32 s0, s3;
	s0 =	sld [smem:$0x3FAF]  }
0x30: {  	s3 =	sld [smem:$0x3FB2]  }
0x31: {  	[smem:$0x3FBB] =	sst s10  }
0x32: {  	s10 =	sld [smem:$0x3FB9];
	_ =	sdelay $0x3  }
0x33: {  	p0 =	seq.s32 s10, $0x1;
	s10 =	sld [smem:$0x3FBB];
	_ =	sdelay $0x3  }
0x34: {  	[smem:$0x3FBB] =	sst s10  }
0x35: {  	s10 =	sld [smem:$0x3FBA];
	_ =	sdelay $0x3  }
0x36: {  	p1 =	seq.s32 s10, $0x1;
	s10 =	sld [smem:$0x3FBB];
	_ =	sdelay $0x3  }
0x37: {  	[smem:$0x3FBB] =	sst s10  }
0x38: {  	s10 =	sld [smem:$0x3FBC]  }
0x39: {  	_ = 	snop;
	(pc) =	sbr.ind lr, $3  }
0x3a: {  	_ = 	snop  }
0x3b: {  	_ = 	snop  }
0x3c: {  	p2 =	seq.s32 s10, $0x1;
	s10 =	sld [smem:$0x3FBB]  }
0x3d: {  	_ =	shalt  }
0x3e: {  	_ =	shalt  }
0x3f: {  	_ =	shalt  }
0x40: {  	_ =	shalt  }
0x41: {  	_ =	shalt  }
0x42: {  	_ =	shalt  }
0x43: {  	_ =	shalt  }
0x44: {  	_ =	shalt  }
0x45: {  	_ =	shalt  }
0x46: {  	_ =	shalt  }
0x47: {  	_ =	shalt  }
0x48: {  	_ =	shalt  }
0x49: {  	_ =	shalt  }
0x4a: {  	_ =	shalt  }
0x4b: {  	_ =	shalt  }
0x4c: {  	_ =	shalt  }
0x4d: {  	_ =	shalt  }
0x4e: {  	_ =	shalt  }
0x4f: {  	_ =	shalt  }
0x50: {  	_ =	shalt  }
0x51: {  	_ =	shalt  }
0x52: {  	_ =	shalt  }
0x53: {  	_ =	shalt  }
0x54: {  	_ =	shalt  }
0x55: {  	_ =	shalt  }
0x56: {  	_ =	shalt  }
0x57: {  	_ =	shalt  }
0x58: {  	_ =	shalt  }
0x59: {  	_ =	shalt  }
0x5a: {  	_ =	shalt  }
0x5b: {  	_ =	shalt  }
0x5c: {  	_ =	shalt  }
0x5d: {  	_ =	shalt  }
0x5e: {  	_ =	shalt  }
0x5f: {  	_ =	shalt  }
0x60: {  	_ =	shalt  }
0x61: {  	_ =	shalt  }
0x62: {  	_ =	shalt  }
0x63: {  	_ =	shalt  }
0x64: {  	_ =	shalt  }
0x65: {  	_ =	shalt  }
0x66: {  	_ =	shalt  }
0x67: {  	_ =	shalt  }
0x68: {  	_ =	shalt  }
0x69: {  	_ =	shalt  }
0x6a: {  	_ =	shalt  }
0x6b: {  	_ =	shalt  }
0x6c: {  	_ =	shalt  }
0x6d: {  	_ =	shalt  }
0x6e: {  	_ =	shalt  }
0x6f: {  	_ =	shalt  }
0x70: {  	_ =	shalt  }
0x71: {  	_ =	shalt  }
0x72: {  	_ =	shalt  }
0x73: {  	_ =	shalt  }
0x74: {  	_ =	shalt  }
0x75: {  	_ =	shalt  }
0x76: {  	_ =	shalt  }
0x77: {  	_ =	shalt  }
0x78: {  	_ =	shalt  }
0x79: {  	_ =	shalt  }
0x7a: {  	_ =	shalt  }
0x7b: {  	_ =	shalt  }
0x7c: {  	_ =	shalt  }
0x7d: {  	_ =	shalt  }
0x7e: {  	_ =	shalt  }
0x7f: {  	_ =	shalt  }
0x80: {  	_ =	shalt  }
0x81: {  	_ =	shalt  }
0x82: {  	_ =	shalt  }
0x83: {  	_ =	shalt  }
0x84: {  	_ =	shalt  }
0x85: {  	_ =	shalt  }
0x86: {  	_ =	shalt  }
0x87: {  	_ =	shalt  }
.Lfunc_end0:
.L_simem_size_0:
called_computation.5_lowered:
.L_overlay_start_0:
0x88: {  	s2 =	sld [smem:$0x3FD9]  }
0x89: {  	s3 =	sld [smem:$0x3FFE];
	_ =	sdelay $0x1  }
0x8a: {  	s1 =	srdreg.scid  }
0x8b: {  	s0 =	sand.u32 $0x1, s1  }
0x8c: {  	s17 =	sshll.u32 s0, $0xA;
	s2 =	sadd.s32 s3, s2  }
0x8d: {  	s2 =	sadd.s32 s2, s17  }
0x8e: {  	[smem:$0x3FC7] =	sst s2  }
0x8f: {  	_ = 	snop  }
0x90: {  	(tm) =	ssettm $0x1  }
0x91: {  	s18 =	sld [smem:$0x3FFB];
	_ =	sdelay $0x3  }
0x92: {  	_ =	strace s18  }
0x93: {  	s2 =	sld [smem:$0x3FFC];
	_ =	sdelay $0x3  }
0x94: {  	_ =	strace s2  }
0x95: {  	s2 =	sld [smem:$0x3FFD];
	_ =	sdelay $0x3  }
0x96: {  	_ =	strace s2  }
0x97: {  	_ =	strace $0x8FFFFFFF  }
0x98: {  	s19 =	sld [smem:$0x3FDB];
	_ =	sdelay $0x1  }
0x99: {  	s20 =	simm.s32 $_scs_section_size  }
0x9a: {  	s4 =	simm.s32 $_size__tile_overlayer_lowered;
	s5 =	simm.s32 $_tile_overlayer_lowered  }
0x9b: {  	s6 =	simm.s32 $0x1BFF;
	s21 =	sshll.u32 s5, $0x1;
	s3 =	sadd.s32 s20, s19  }
0x9c: {  	s22 =	simm.s32 $0x0;
	s4 =	sshll.u32 s4, $0x1;
	s5 =	sadd.s32 s21, s3  }
0x9d: {  	[timem:s22], [sflag:s6] =	dma.local [hbm:s5], s4  }
0x9e: {  	_ =	swait.ge [sflag:s6], s4  }
0x9f: {  	s4 =	ssub.s32 $0x0, s4;
	[sflag:s6] =	ssyncset.done $0x0  }
0xa0: {  	[sflag:s6] =	ssyncadd.s32 s4;
	_ =	sdelay $0x1  }
0xa1: {  	s23 =	simm.s32 $0x1B8B  }
0xa2: {  	_ =	swait.ge [sflag:s23], $0x1  }
0xa3: {  	[sflag:s23] =	ssyncset.done $0x0  }
0xa4: {  	[sflag:s23] =	ssyncadd.s32 $0xFFFFFFFF  }
0xa5: {  	s4 =	sld [smem:$0x0]  }
0xa6: {  	s5 =	sand.u32 $0xFFFFFFFE, s1  }
0xa7: {  	p0 =	sne.s32 s1, s5  }
0xa8: {  	s5 =	sshll.u32 @p0 s5, $0xE  }
0xa9: {  	s5 =	sadd.s32 @p0 $0x11B8D, s5;
	s6 =	sshll.u32 @p0 s4, $0x11  }
0xaa: {  	s5 =	sor.u32 @p0 s6, s5  }
0xab: {  	[sflag:s5] =	ssyncadd.remote.s32 @p0 $0x1;
	_ =	sdelay $0x1  }
0xac: {  	s5 =	simm.s32 @p0 $0x1B8D  }
0xad: {  	_ =	swait.eq @p0 [sflag:s5], $0x1  }
0xae: {  	[sflag:s5] =	ssyncadd.s32 @p0 $0xFFFFFFFF  }
0xaf: {  	s6 =	sshll.u32 @!p0 s1, $0xE  }
0xb0: {  	s6 =	sor.u32 @!p0 $0x4000, s6;
	s5 =	simm.s32 @!p0 $0x1B8D  }
0xb1: {  	s4 =	sshll.u32 @!p0 s4, $0x11;
	s6 =	sadd.s32 @!p0 $0x11B8D, s6;
	_ =	swait.eq @!p0 [sflag:s5], $0x1  }
0xb2: {  	s4 =	sor.u32 @!p0 s4, s6;
	[sflag:s5] =	ssyncadd.s32 @!p0 $0xFFFFFFFF  }
0xb3: {  	s25 =	simm.s32 $0x1B8E;
	s24 =	sld [smem:$0x3FFE];
	[sflag:s4] =	ssyncadd.remote.s32 @!p0 $0x1  }
0xb4: {  	s26 =	simm.s32 $execute0_lowered;
	[smem:$0x3FD2] =	sst s25  }
0xb5: {  	s5 =	sshll.u32 s26, $0x1;
	_ =	strace $0x80000058;
	[dreg:$0x1] =	wrdreg $0xFFFFFFFF  }
0xb6: {  	s28 =	simm.s32 $_size_execute0_lowered;
	s3 =	sadd.s32 s3, s5;
	[dreg:$0x0] =	wrdreg $0x0  }
0xb7: {  	s5 =	sshll.u32 s28, $0x1;
	[dreg:$0x2] =	wrdreg s3  }
0xb8: {  	[dreg:$0x3] =	wrdreg s5  }
0xb9: {  	[dreg:$0x4] =	wrdreg $0xC0  }
0xba: {  	_ =	task [dreg:s22], $0x5FFFF  }
0xbb: {  	[dreg:$0x1] =	wrdreg $0xFFFFFFFF  }
0xbc: {  	[dreg:$0x0] =	wrdreg $0x60  }
0xbd: {  	[dreg:$0x2] =	wrdreg s24  }
0xbe: {  	[dreg:$0x3] =	wrdreg $0xC  }
0xbf: {  	_ =	task.clear_ibuf [dreg:s22], $0x4FFFF;
	_ =	strace $0x90000058  }
0xc0: {  	s29 =	simm.s32 $0xC;
	_ =	strace $0x8000005A  }
0xc1: {  	_ =	swait.ge [sflag:s29], $0x1  }
0xc2: {  	[sflag:s29] =	ssyncadd.s32 $0xFFFFFFFF  }
0xc3: {  	_ =	strace $0x9000005A  }
0xc4: {  	_ =	sfence  }
0xc5: {  	s30 =	sld [smem:$0x0];
	_ =	sdelay $0x2  }
0xc6: {  	s31 =	sshll.u32 s1, $0xD;
	s1 =	sshrl.u32 s1, $0x2  }
0xc7: {  	s4 =	sand.u32 $0x4000, s31;
	s1 =	sadd.s32 s1, s30  }
0xc8: {  	s0 =	sor.u32 s4, s0;
	s1 =	sshll.u32 s1, $0x11  }
0xc9: {  	s0 =	sor.u32 s1, s0  }
0xca: {  	s0 =	sadd.s32 $0x8F2B, s0  }
0xcb: {  	[sflag:s0] =	ssyncadd.remote.s32 $0x1  }
0xcc: {  	_ =	sfence.sel $0xFFFF  }
0xcd: {  	[dreg:$0x0] =	wrdreg $0xFFFFFFFF;
	(pc) =	sbr.abs _section_cstart, $3  }
0xce: {  	[dreg:$0x1] =	wrdreg $0xFFFFFFFF  }
0xcf: {  	_ =	task.clear_ibuf [dreg:s22], $0x2FFFF;
	_ =	strace $0x9FFFFFFF  }
0xd0: {  	(tm) =	ssettm $0x7FFFFFFF  }
0xd1: {  	_ =	shalt  }
tec
execute0_lowered:
.L_overlay_start_1:
0x0: {  	(tag) =	ssettag $0x1  }
0x1: {  	s4 =	rddreg [dreg:$0x0]  }
0x2: {  	s0 =	rddreg [dreg:$0x1];
	s2 =	simm.s32 $0x0;
	s3 =	srdreg.scid  }
0x3: {  	s1 =	stileid.u32;
	s10 =	simm.s32 $0x0;
	[smem:$0x7FF] =	sst s2  }
0x4: {  	s5 =	sand.u32 $0x1, s3;
	s6 =	sshll.u32 s1, $0xC;
	s3 =	sadd.s32 $0x2A00, s4  }
0x5: {  	s8 =	sshll.u32 s1, $0xF;
	_ =	strace $0x80000059;
	s7 =	sshll.u32 s5, $0xB  }
0x6: {  	s31 =	ssub.s32 $0x2, s5;
	s8 =	sadd.s32 s8, s4;
	s5 =	sshll.u32 s5, $0xE  }
0x7: {  	s6 =	sor.u32 s7, s6;
	s9 =	sshrl.u32 s31, $0x1;
	s5 =	sadd.s32 s5, s8  }
0x8: {  	s8 =	simm.s32 $0x80;
	s6 =	sshrl.u32 s6, $0x3;
	s7 =	ssub.s32 s31, s9  }
0x9: {  	s5 =	sadd.s32 $0x19B200, s5;
	s9 =	simm.s32 $0x1;
	s6 =	sadd.s32 s6, s4  }
0xa: {  	s4 =	smax.u32 s7, $0x1;
	s7 =	simm.s32 $0x2;
	s6 =	sadd.s32 $0x86A00, s6  }
.LBB2_1:
0xb: {  	s11 =	sadd.s32 $0x0, s6  }
0xc: {  	[tilespmem:s2], [sflag:$0x2] =	stream.linear.gather [hbm4b:s11+s2], $0x80, $0x38;
	[tilespmem:$0x2080] =	vst v63  }
0xd: {  	_ =	swait.ge [sflag:s7], $0x80  }
0xe: {  	[sflag:s7] =	ssyncset.done $0x0  }
0xf: {  	[sflag:s7] =	ssyncadd.s32 $0xFFFFFF80  }
0x10: {  	[tilespmem:s8], [sflag:$0x1] =	stream.indirect.gather [hbm4b:s3+s8], $0x40, s2, s8, $0xb8;
	[tilespmem:$0x2080] =	vst v63  }
0x11: {  	_ =	swait.ge [sflag:s9], $0x2000  }
0x12: {  	[sflag:s9] =	ssyncset.done $0x0  }
0x13: {  	[sflag:s9] =	ssyncadd.s32 $0xFFFFE000  }
0x14: {  	[hbm4b:s5+s2] =	stream.linear.scatter [tilespmem:s8], [sflag:$0x2], $0x2000, $0x38;
	[tilespmem:$0x2080] =	vst v63  }
0x15: {  	s12 =	simm.s32 $0x10;
	_ =	swait.ge [sflag:s7], $0x2000  }
0x16: {  	s13 =	simm.s32 $0x20;
	s11 =	sadd.s32 $0x400, s5;
	[sflag:s7] =	ssyncset.done $0x0  }
.LBB2_2:
0x17: {  	s14 =	sadd.s32 s12, s6  }
0x18: {  	[sflag:s7] =	ssyncadd.s32 $0xFFFFE000;
	s12 =	smov.u32 s13;
	s15 =	sadd.s32 $0x10, s13  }
0x19: {  	[tilespmem:s2], [sflag:$0x2] =	stream.linear.gather [hbm4b:s14+s2], $0x80, $0x38;
	[tilespmem:$0x2080] =	vst v63  }
0x1a: {  	p0 =	sne.s32 s13, $0xF0;
	_ =	swait.ge [sflag:s7], $0x80  }
0x1b: {  	[sflag:s7] =	ssyncset.done $0x0  }
0x1c: {  	[sflag:s7] =	ssyncadd.s32 $0xFFFFFF80  }
0x1d: {  	[tilespmem:s8], [sflag:$0x1] =	stream.indirect.gather [hbm4b:s3+s8], $0x40, s2, s8, $0xb8;
	[tilespmem:$0x2080] =	vst v63  }
0x1e: {  	_ =	swait.ge [sflag:s9], $0x2000  }
.Ltmp0:
0x1f: {  	[sflag:s9] =	ssyncset.done $0x0;
	(pc) =	sbr.rel @p0 .LBB2_2-.Ltmp0, $4  }
0x20: {  	[sflag:s9] =	ssyncadd.s32 $0xFFFFE000  }
0x21: {  	[hbm4b:s11+s2] =	stream.linear.scatter [tilespmem:s8], [sflag:$0x2], $0x2000, $0x38;
	[tilespmem:$0x2080] =	vst v63  }
0x22: {  	_ =	swait.ge [sflag:s7], $0x2000  }
0x23: {  	s13 =	smov.u32 s15;
	s11 =	sadd.s32 $0x400, s11;
	[sflag:s7] =	ssyncset.done $0x0  }
0x24: {  	s12 =	sadd.s32 s12, s6;
	[sflag:s7] =	ssyncadd.s32 $0xFFFFE000  }
0x25: {  	[tilespmem:s2], [sflag:$0x2] =	stream.linear.gather [hbm4b:s12+s2], $0x80, $0x38;
	[tilespmem:$0x2080] =	vst v63  }
0x26: {  	_ =	swait.ge [sflag:s7], $0x80  }
0x27: {  	[sflag:s7] =	ssyncset.done $0x0  }
0x28: {  	[sflag:s7] =	ssyncadd.s32 $0xFFFFFF80  }
0x29: {  	[tilespmem:s8], [sflag:$0x1] =	stream.indirect.gather [hbm4b:s3+s8], $0x40, s2, s8, $0xb8;
	[tilespmem:$0x2080] =	vst v63  }
0x2a: {  	s10 =	sadd.s32 $0x1, s10;
	_ =	swait.ge [sflag:s9], $0x2000  }
0x2b: {  	p0 =	sne.s32 s10, s4;
	[sflag:s9] =	ssyncset.done $0x0  }
.Ltmp1:
0x2c: {  	[sflag:s9] =	ssyncadd.s32 $0xFFFFE000;
	(pc) =	sbr.rel @p0 .LBB2_1-.Ltmp1, $4  }
0x2d: {  	[hbm4b:s11+s2] =	stream.linear.scatter [tilespmem:s8], [sflag:$0x2], $0x2000, $0x38;
	[tilespmem:$0x2080] =	vst v63  }
0x2e: {  	_ =	swait.ge [sflag:s7], $0x2000  }
0x2f: {  	[sflag:s7] =	ssyncset.done $0x0  }
0x30: {  	[sflag:s7] =	ssyncadd.s32 $0xFFFFE000  }
0x31: {  	_ =	sfence.sel $0x180000  }
0x32: {  	[bflag:$0x0] =	sbarrier.arrive $0xFFFF  }
0x33: {  	p0 =	sne.s32 s1, $0x0;
	_ =	strace $0x90000059  }
0x34: {  	s0 =	sadd.s32 @!p0 $0x100000, s0;
	[bflag:$0x2] =	sbarrier.arrive $0xFFFF  }
0x35: {  	[sflag:s0] =	ssyncadd.tile.s32 @!p0 $0x1;
	_ =	shalt  }
.Lfunc_end2:
_tile_overlayer_lowered:
.L_overlay_start_2:
0x36: {  	(tag) =	ssettag $0x2  }
0x37: {  	s0 =	rddreg [dreg:$0x0];
	s2 =	stileid.u32  }
0x38: {  	s1 =	rddreg [dreg:$0x1];
	p0 =	sne.s32 s2, $0x0  }
0x39: {  	s3 =	rddreg [dreg:$0x2];
	[bflag:$0x3] =	sbarrier.arrive $0xFFFF;
	s2 =	simm.s32 @!p0 $0x1C02  }
0x3a: {  	[timem:s3], [sflag:s2] =	dma.local @!p0 [hbm:s0], s1  }
0x3b: {  	s0 =	simm.s32 @!p0 $0x2  }
0x3c: {  	_ =	swait.ge @!p0 [sflag:s0], s1  }
0x3d: {  	s1 =	ssub.s32 @!p0 $0x0, s1;
	[sflag:s0] =	ssyncset.done @!p0 $0x0  }
0x3e: {  	[sflag:s0] =	ssyncadd.s32 @!p0 s1  }
0x3f: {  	[bflag:$0x3] =	sbarrier.arrive $0xFFFF  }
0x40: {  	_ =	shalt  }

// kernel: kernel.32.cloned.1.call-start
scs
__scs_entry_jumppad:
0x0: {  	(pc) =	sbr.rel $0x88, $3  }
0x1: {  	(tag) =	ssettag $0x0;
	lr =	simm.s32 $0x1  }
0x2: {  	[smem:$0x3FA0] =	sst lr;
	_ =	strace $0xD0000000  }
0x3: {  	_ = 	snop  }
0x4: {  	_ = 	snop  }
0x5: {  	_ = 	snop  }
0x6: {  	_ = 	snop  }
0x7: {  	_ = 	snop  }
__scs_overlays_trampoline_lowered:
0x8: {  	[smem:$0x3FAF] =	sst s0  }
0x9: {  	[smem:$0x3FB0] =	sst s1  }
0xa: {  	[smem:$0x3FB1] =	sst s2  }
0xb: {  	[smem:$0x3FB2] =	sst s3  }
0xc: {  	[smem:$0x3FB3] =	sst s4  }
0xd: {  	[smem:$0x3FB4] =	sst s5  }
0xe: {  	[smem:$0x3FB5] =	sst s6  }
0xf: {  	[smem:$0x3FB6] =	sst s7  }
0x10: {  	[smem:$0x3FB7] =	sst s8  }
0x11: {  	[smem:$0x3FB8] =	sst s9;
	s0 =	simm.s32 @!p0 $0x0  }
0x12: {  	s1 =	sld [smem:$0x3F9E];
	s0 =	simm.s32 @p0 $0x1  }
0x13: {  	[smem:$0x3FB9] =	sst s0;
	s0 =	simm.s32 @!p1 $0x0  }
0x14: {  	s2 =	sld [smem:$0x3F9D];
	s0 =	simm.s32 @p1 $0x1  }
0x15: {  	[smem:$0x3FBA] =	sst s0;
	s0 =	simm.s32 @!p2 $0x0  }
0x16: {  	s3 =	sld [smem:$0x3FDB];
	s0 =	simm.s32 @p2 $0x1  }
0x17: {  	s4 =	simm.s32 $0x1BF5;
	[smem:$0x3FBC] =	sst s0  }
0x18: {  	s0 =	sld [smem:$0x3F9F];
	_ =	swait.ge [sflag:s4], $0x0  }
0x19: {  	s7 =	sld [smem:$0x3FA0]  }
0x1a: {  	s8 =	sadd.s32 $0xFFFFE003, lr  }
0x1b: {  	s9 =	sadd.s32 $0xFFFFFEF7, lr;
	s5 =	simm.s32 $0xFFFFFFFF;
	p2 =	slt.u32 s8, $0xFFFFF086  }
0x1c: {  	p1 =	slt.u32 s9, $0xF7A;
	s5 =	simm.s32 @!p2 $0x0  }
0x1d: {  	s5 =	simm.s32 @p1 $0x1;
	p0 =	seq.s32 s7, s2  }
0x1e: {  	s7 =	smul.u32 @!p0 $0xF7A, s2;
	p2 =	seq.s32 @!p0 s5, $0x0  }
0x1f: {  	s9 =	smul.u32 $0xF7A, s1;
	s8 =	simm.s32 @!p0 $0x1BF5;
	p2 =	por !p2, p0  }
0x20: {  	[sflag:s8] =	ssyncset.s32 @!p0 $0xFFFFF086;
	s6 =	sadd.s32 @!p0 s3, s7;
	s7 =	simm.s32 @!p0 $0x108  }
0x21: {  	s3 =	sadd.s32 s3, s9;
	s6 =	sadd.s32 @!p0 $0x88, s6;
	s7 =	simm.s32 @p2 $0x1082  }
0x22: {  	[simem:s7], [sflag:s8] =	dma.local @!p0 [hbm:s6], $0xF7A  }
0x23: {  	s9 =	sor.u32 $0xD0000000, s2;
	s6 =	simm.s32 $0x108;
	_ =	swait.ge @!p0 [sflag:s8], $0x0  }
0x24: {  	s3 =	sadd.s32 $0x88, s3;
	s6 =	simm.s32 @!p1 $0x1082;
	[sflag:s4] =	ssyncset.s32 $0xFFFFF086  }
0x25: {  	[simem:s6], [sflag:s4] =	dma.local [hbm:s3], $0xF7A  }
0x26: {  	[smem:$0x3FA0] =	sst s1;
	(tag) =	ssettag s2;
	_ =	strace s9  }
0x27: {  	s1 =	sld [smem:$0x3FB0]  }
0x28: {  	s2 =	sld [smem:$0x3FB1]  }
0x29: {  	s4 =	sld [smem:$0x3FB3]  }
0x2a: {  	p0 =	seq.s32 s5, $0x0;
	s5 =	sld [smem:$0x3FB4]  }
0x2b: {  	s6 =	sld [smem:$0x3FB5]  }
0x2c: {  	s7 =	sld [smem:$0x3FB6]  }
0x2d: {  	s3 =	simm.s32 $0x108;
	s8 =	sld [smem:$0x3FB7]  }
0x2e: {  	s3 =	simm.s32 @!p0 $0x1082;
	s9 =	sld [smem:$0x3FB8]  }
0x2f: {  	lr =	sadd.s32 s0, s3;
	s0 =	sld [smem:$0x3FAF]  }
0x30: {  	s3 =	sld [smem:$0x3FB2]  }
0x31: {  	[smem:$0x3FBB] =	sst s10  }
0x32: {  	s10 =	sld [smem:$0x3FB9];
	_ =	sdelay $0x3  }
0x33: {  	p0 =	seq.s32 s10, $0x1;
	s10 =	sld [smem:$0x3FBB];
	_ =	sdelay $0x3  }
0x34: {  	[smem:$0x3FBB] =	sst s10  }
0x35: {  	s10 =	sld [smem:$0x3FBA];
	_ =	sdelay $0x3  }
0x36: {  	p1 =	seq.s32 s10, $0x1;
	s10 =	sld [smem:$0x3FBB];
	_ =	sdelay $0x3  }
0x37: {  	[smem:$0x3FBB] =	sst s10  }
0x38: {  	s10 =	sld [smem:$0x3FBC]  }
0x39: {  	_ = 	snop;
	(pc) =	sbr.ind lr, $3  }
0x3a: {  	_ = 	snop  }
0x3b: {  	_ = 	snop  }
0x3c: {  	p2 =	seq.s32 s10, $0x1;
	s10 =	sld [smem:$0x3FBB]  }
0x3d: {  	_ =	shalt  }
0x3e: {  	_ =	shalt  }
0x3f: {  	_ =	shalt  }
0x40: {  	_ =	shalt  }
0x41: {  	_ =	shalt  }
0x42: {  	_ =	shalt  }
0x43: {  	_ =	shalt  }
0x44: {  	_ =	shalt  }
0x45: {  	_ =	shalt  }
0x46: {  	_ =	shalt  }
0x47: {  	_ =	shalt  }
0x48: {  	_ =	shalt  }
0x49: {  	_ =	shalt  }
0x4a: {  	_ =	shalt  }
0x4b: {  	_ =	shalt  }
0x4c: {  	_ =	shalt  }
0x4d: {  	_ =	shalt  }
0x4e: {  	_ =	shalt  }
0x4f: {  	_ =	shalt  }
0x50: {  	_ =	shalt  }
0x51: {  	_ =	shalt  }
0x52: {  	_ =	shalt  }
0x53: {  	_ =	shalt  }
0x54: {  	_ =	shalt  }
0x55: {  	_ =	shalt  }
0x56: {  	_ =	shalt  }
0x57: {  	_ =	shalt  }
0x58: {  	_ =	shalt  }
0x59: {  	_ =	shalt  }
0x5a: {  	_ =	shalt  }
0x5b: {  	_ =	shalt  }
0x5c: {  	_ =	shalt  }
0x5d: {  	_ =	shalt  }
0x5e: {  	_ =	shalt  }
0x5f: {  	_ =	shalt  }
0x60: {  	_ =	shalt  }
0x61: {  	_ =	shalt  }
0x62: {  	_ =	shalt  }
0x63: {  	_ =	shalt  }
0x64: {  	_ =	shalt  }
0x65: {  	_ =	shalt  }
0x66: {  	_ =	shalt  }
0x67: {  	_ =	shalt  }
0x68: {  	_ =	shalt  }
0x69: {  	_ =	shalt  }
0x6a: {  	_ =	shalt  }
0x6b: {  	_ =	shalt  }
0x6c: {  	_ =	shalt  }
0x6d: {  	_ =	shalt  }
0x6e: {  	_ =	shalt  }
0x6f: {  	_ =	shalt  }
0x70: {  	_ =	shalt  }
0x71: {  	_ =	shalt  }
0x72: {  	_ =	shalt  }
0x73: {  	_ =	shalt  }
0x74: {  	_ =	shalt  }
0x75: {  	_ =	shalt  }
0x76: {  	_ =	shalt  }
0x77: {  	_ =	shalt  }
0x78: {  	_ =	shalt  }
0x79: {  	_ =	shalt  }
0x7a: {  	_ =	shalt  }
0x7b: {  	_ =	shalt  }
0x7c: {  	_ =	shalt  }
0x7d: {  	_ =	shalt  }
0x7e: {  	_ =	shalt  }
0x7f: {  	_ =	shalt  }
0x80: {  	_ =	shalt  }
0x81: {  	_ =	shalt  }
0x82: {  	_ =	shalt  }
0x83: {  	_ =	shalt  }
0x84: {  	_ =	shalt  }
0x85: {  	_ =	shalt  }
0x86: {  	_ =	shalt  }
0x87: {  	_ =	shalt  }
.Lfunc_end0:
.L_simem_size_0:
called_computation.6_lowered:
.L_overlay_start_0:
0x88: {  	s2 =	sld [smem:$0x3FD9]  }
0x89: {  	s3 =	sld [smem:$0x3FFE];
	_ =	sdelay $0x1  }
0x8a: {  	s1 =	srdreg.scid  }
0x8b: {  	s0 =	sand.u32 $0x1, s1  }
0x8c: {  	s17 =	sshll.u32 s0, $0xA;
	s2 =	sadd.s32 s3, s2  }
0x8d: {  	s2 =	sadd.s32 s2, s17  }
0x8e: {  	[smem:$0x3FC7] =	sst s2  }
0x8f: {  	_ = 	snop  }
0x90: {  	s18 =	sld [smem:$0x3FD0];
	(tm) =	ssettm $0x1  }
0x91: {  	s19 =	sld [smem:$0x3FFB];
	_ =	sdelay $0x3  }
0x92: {  	_ =	strace s19  }
0x93: {  	s2 =	sld [smem:$0x3FFC];
	_ =	sdelay $0x3  }
0x94: {  	_ =	strace s2  }
0x95: {  	s2 =	sld [smem:$0x3FFD];
	_ =	sdelay $0x3  }
0x96: {  	_ =	strace s2  }
0x97: {  	_ =	strace $0x8FFFFFFF  }
0x98: {  	s20 =	sld [smem:$0x3FDB];
	_ =	sdelay $0x1  }
0x99: {  	s4 =	simm.s32 $_scs_section_size  }
0x9a: {  	s5 =	simm.s32 $_size__tile_overlayer_lowered;
	s6 =	simm.s32 $_tile_overlayer_lowered  }
0x9b: {  	s7 =	simm.s32 $0x1BFF;
	s21 =	sshll.u32 s6, $0x1;
	s4 =	sadd.s32 s4, s20  }
0x9c: {  	s22 =	simm.s32 $0x0;
	s5 =	sshll.u32 s5, $0x1;
	s6 =	sadd.s32 s21, s4  }
0x9d: {  	[timem:s22], [sflag:s7] =	dma.local [hbm:s6], s5  }
0x9e: {  	_ =	swait.ge [sflag:s7], s5  }
0x9f: {  	s5 =	ssub.s32 $0x0, s5;
	[sflag:s7] =	ssyncset.done $0x0  }
0xa0: {  	[sflag:s7] =	ssyncadd.s32 s5;
	_ =	sdelay $0x1  }
0xa1: {  	s23 =	simm.s32 $0x1B8B  }
0xa2: {  	_ =	swait.ge [sflag:s23], $0x1  }
0xa3: {  	[sflag:s23] =	ssyncset.done $0x0  }
0xa4: {  	[sflag:s23] =	ssyncadd.s32 $0xFFFFFFFF  }
0xa5: {  	s5 =	sld [smem:$0x0]  }
0xa6: {  	s6 =	sand.u32 $0xFFFFFFFE, s1  }
0xa7: {  	p0 =	sne.s32 s1, s6  }
0xa8: {  	s6 =	sshll.u32 @p0 s6, $0xE  }
0xa9: {  	s6 =	sadd.s32 @p0 $0x11B8D, s6;
	s7 =	sshll.u32 @p0 s5, $0x11  }
0xaa: {  	s6 =	sor.u32 @p0 s7, s6  }
0xab: {  	[sflag:s6] =	ssyncadd.remote.s32 @p0 $0x1;
	_ =	sdelay $0x1  }
0xac: {  	s6 =	simm.s32 @p0 $0x1B8D  }
0xad: {  	_ =	swait.eq @p0 [sflag:s6], $0x1  }
0xae: {  	[sflag:s6] =	ssyncadd.s32 @p0 $0xFFFFFFFF  }
0xaf: {  	s7 =	sshll.u32 @!p0 s1, $0xE  }
0xb0: {  	s7 =	sor.u32 @!p0 $0x4000, s7;
	s6 =	simm.s32 @!p0 $0x1B8D  }
0xb1: {  	s5 =	sshll.u32 @!p0 s5, $0x11;
	s7 =	sadd.s32 @!p0 $0x11B8D, s7;
	_ =	swait.eq @!p0 [sflag:s6], $0x1  }
0xb2: {  	s5 =	sor.u32 @!p0 s5, s7;
	[sflag:s6] =	ssyncadd.s32 @!p0 $0xFFFFFFFF  }
0xb3: {  	s25 =	simm.s32 $0x1B8E;
	s24 =	sld [smem:$0x3FFE];
	[sflag:s5] =	ssyncadd.remote.s32 @!p0 $0x1  }
0xb4: {  	s26 =	simm.s32 $execute0_lowered;
	[smem:$0x3FD2] =	sst s25  }
0xb5: {  	s6 =	sshll.u32 s26, $0x1;
	_ =	strace $0x8000004F;
	[dreg:$0x1] =	wrdreg $0xFFFFFFFF  }
0xb6: {  	s28 =	simm.s32 $_size_execute0_lowered;
	s4 =	sadd.s32 s4, s6;
	[dreg:$0x0] =	wrdreg $0x0  }
0xb7: {  	s6 =	sshll.u32 s28, $0x1;
	[dreg:$0x2] =	wrdreg s4  }
0xb8: {  	[dreg:$0x3] =	wrdreg s6  }
0xb9: {  	[dreg:$0x4] =	wrdreg $0xC0  }
0xba: {  	_ =	task [dreg:s22], $0x5FFFF  }
0xbb: {  	[dreg:$0x1] =	wrdreg $0xFFFFFFFF  }
0xbc: {  	[dreg:$0x0] =	wrdreg $0x60  }
0xbd: {  	[dreg:$0x2] =	wrdreg s24  }
0xbe: {  	[dreg:$0x3] =	wrdreg s18  }
0xbf: {  	[dreg:$0x4] =	wrdreg $0xA  }
0xc0: {  	_ =	task.clear_ibuf [dreg:s22], $0x5FFFF;
	_ =	strace $0x9000004F  }
0xc1: {  	s29 =	simm.s32 $0xA;
	_ =	strace $0x80000051  }
0xc2: {  	_ =	swait.ge [sflag:s29], $0x1  }
0xc3: {  	[sflag:s29] =	ssyncadd.s32 $0xFFFFFFFF  }
0xc4: {  	_ =	strace $0x90000051  }
0xc5: {  	_ =	sfence  }
0xc6: {  	s30 =	sld [smem:$0x0];
	_ =	sdelay $0x2  }
0xc7: {  	s31 =	sshll.u32 s1, $0xD;
	s1 =	sshrl.u32 s1, $0x2  }
0xc8: {  	s4 =	sand.u32 $0x4000, s31;
	s1 =	sadd.s32 s1, s30  }
0xc9: {  	s0 =	sor.u32 s4, s0;
	s1 =	sshll.u32 s1, $0x11  }
0xca: {  	s0 =	sor.u32 s1, s0  }
0xcb: {  	s0 =	sadd.s32 $0x8F2B, s0  }
0xcc: {  	[sflag:s0] =	ssyncadd.remote.s32 $0x1  }
0xcd: {  	_ =	sfence.sel $0xFFFF  }
0xce: {  	[dreg:$0x0] =	wrdreg $0xFFFFFFFF;
	(pc) =	sbr.abs _section_cstart, $3  }
0xcf: {  	[dreg:$0x1] =	wrdreg $0xFFFFFFFF  }
0xd0: {  	_ =	task.clear_ibuf [dreg:s22], $0x2FFFF;
	_ =	strace $0x9FFFFFFF  }
0xd1: {  	(tm) =	ssettm $0x7FFFFFFF  }
tec
execute0_lowered:
.L_overlay_start_1:
0x0: {  	(tag) =	ssettag $0x1  }
0x1: {  	s1 =	srdreg.scid  }
0x2: {  	s0 =	stileid.u32;
	s6 =	sand.u32 $0x1, s1  }
0x3: {  	s5 =	rddreg [dreg:$0x0];
	s30 =	sshll.u32 s0, $0x8;
	s2 =	sshll.u32 s6, $0x7  }
0x4: {  	s8 =	rddreg [dreg:$0x1];
	s9 =	sor.u32 s2, s30  }
0x5: {  	s1 =	rddreg [dreg:$0x2];
	s2 =	simm.s32 $0x0;
	s3 =	sshrl.u32 s9, $0x3  }
0x6: {  	s10 =	ssub.s32 $0x2, s6;
	[smem:$0x7FF] =	sst s2;
	s3 =	sadd.s32 s3, s5  }
0x7: {  	_ =	strace $0x80000050;
	s4 =	sadd.s32 $0x9B000, s3;
	s3 =	simm.s32 $0x2  }
0x8: {  	[tilespmem:s2], [sflag:$0x2] =	stream.linear.gather [hbm4b:s4+s2], $0x80, $0x38;
	[tilespmem:$0x2080] =	vst v63  }
0x9: {  	s7 =	simm.s32 $0x1;
	s11 =	sshrl.u32 s10, $0x1;
	_ =	swait.ge [sflag:s3], $0x80  }
0xa: {  	s6 =	simm.s32 $0x80;
	s10 =	ssub.s32 s10, s11;
	[sflag:s3] =	ssyncset.done $0x0  }
0xb: {  	s5 =	sadd.s32 $0x2A00, s5;
	s31 =	smax.u32 s10, $0x1;
	[sflag:s3] =	ssyncadd.s32 $0xFFFFFF80  }
0xc: {  	[tilespmem:s6], [sflag:$0x1] =	stream.indirect.gather [hbm4b:s5+s6], $0x40, s2, s6, $0xb8;
	[tilespmem:$0x2080] =	vst v63  }
0xd: {  	p0 =	sne.s32 s31, $0x1;
	_ =	swait.ge [sflag:s7], $0x2000  }
.Ltmp0:
0xe: {  	s9 =	sshll.u32 s9, $0x3;
	[sflag:s7] =	ssyncset.done $0x0;
	(pc) =	sbr.rel @!p0 .LBB2_2-.Ltmp0, $4  }
0xf: {  	s8 =	sadd.s32 s8, s9;
	[sflag:s7] =	ssyncadd.s32 $0xFFFFE000  }
0x10: {  	[hbm4b:s8+s2] =	stream.linear.scatter [tilespmem:s6], [sflag:$0x2], $0x2000, $0x38;
	[tilespmem:$0x2080] =	vst v63  }
0x11: {  	_ =	swait.ge [sflag:s3], $0x2000  }
0x12: {  	s9 =	sadd.s32 $0xFFFFFFFF, s31;
	[sflag:s3] =	ssyncset.done $0x0  }
.LBB2_1:
0x13: {  	p0 =	sne.s32 s9, $0x1;
	s9 =	sadd.s32 $0xFFFFFFFF, s9;
	[sflag:s3] =	ssyncadd.s32 $0xFFFFE000  }
0x14: {  	[tilespmem:s2], [sflag:$0x2] =	stream.linear.gather [hbm4b:s4+s2], $0x80, $0x38;
	[tilespmem:$0x2080] =	vst v63  }
0x15: {  	_ =	swait.ge [sflag:s3], $0x80  }
0x16: {  	[sflag:s3] =	ssyncset.done $0x0  }
0x17: {  	[sflag:s3] =	ssyncadd.s32 $0xFFFFFF80  }
0x18: {  	[tilespmem:s6], [sflag:$0x1] =	stream.indirect.gather [hbm4b:s5+s6], $0x40, s2, s6, $0xb8;
	[tilespmem:$0x2080] =	vst v63  }
0x19: {  	_ =	swait.ge [sflag:s7], $0x2000  }
.Ltmp1:
0x1a: {  	[sflag:s7] =	ssyncset.done $0x0;
	(pc) =	sbr.rel @p0 .LBB2_1-.Ltmp1, $4  }
0x1b: {  	[sflag:s7] =	ssyncadd.s32 $0xFFFFE000  }
0x1c: {  	[hbm4b:s8+s2] =	stream.linear.scatter [tilespmem:s6], [sflag:$0x2], $0x2000, $0x38;
	[tilespmem:$0x2080] =	vst v63  }
0x1d: {  	_ =	swait.ge [sflag:s3], $0x2000  }
0x1e: {  	[sflag:s3] =	ssyncset.done $0x0  }
.LBB2_2:
0x1f: {  	[sflag:s3] =	ssyncadd.s32 $0xFFFFE000  }
0x20: {  	_ =	sfence.sel $0x180000  }
0x21: {  	[bflag:$0x0] =	sbarrier.arrive $0xFFFF  }
0x22: {  	p0 =	sne.s32 s0, $0x0;
	_ =	strace $0x90000050  }
0x23: {  	s0 =	sadd.s32 @!p0 $0x100000, s1;
	[bflag:$0x2] =	sbarrier.arrive $0xFFFF  }
0x24: {  	[sflag:s0] =	ssyncadd.tile.s32 @!p0 $0x1;
	_ =	shalt  }
.Lfunc_end2:
_tile_overlayer_lowered:
.L_overlay_start_2:
0x25: {  	(tag) =	ssettag $0x2  }
0x26: {  	s0 =	rddreg [dreg:$0x0];
	s2 =	stileid.u32  }
0x27: {  	s1 =	rddreg [dreg:$0x1];
	p0 =	sne.s32 s2, $0x0  }
0x28: {  	s3 =	rddreg [dreg:$0x2];
	[bflag:$0x3] =	sbarrier.arrive $0xFFFF;
	s2 =	simm.s32 @!p0 $0x1C02  }
0x29: {  	[timem:s3], [sflag:s2] =	dma.local @!p0 [hbm:s0], s1  }
0x2a: {  	s0 =	simm.s32 @!p0 $0x2  }
0x2b: {  	_ =	swait.ge @!p0 [sflag:s0], s1  }
0x2c: {  	s1 =	ssub.s32 @!p0 $0x0, s1;
	[sflag:s0] =	ssyncset.done @!p0 $0x0  }
0x2d: {  	[sflag:s0] =	ssyncadd.s32 @!p0 s1  }
0x2e: {  	[bflag:$0x3] =	sbarrier.arrive $0xFFFF  }
0x2f: {  	_ =	shalt  }

// kernel: kernel.35.cloned.1.call-start
scs
__scs_entry_jumppad:
0x0: {  	(pc) =	sbr.rel $0x88, $3  }
0x1: {  	(tag) =	ssettag $0x0;
	lr =	simm.s32 $0x1  }
0x2: {  	[smem:$0x3FA0] =	sst lr;
	_ =	strace $0xD0000000  }
0x3: {  	_ = 	snop  }
0x4: {  	_ = 	snop  }
0x5: {  	_ = 	snop  }
0x6: {  	_ = 	snop  }
0x7: {  	_ = 	snop  }
__scs_overlays_trampoline_lowered:
0x8: {  	[smem:$0x3FAF] =	sst s0  }
0x9: {  	[smem:$0x3FB0] =	sst s1  }
0xa: {  	[smem:$0x3FB1] =	sst s2  }
0xb: {  	[smem:$0x3FB2] =	sst s3  }
0xc: {  	[smem:$0x3FB3] =	sst s4  }
0xd: {  	[smem:$0x3FB4] =	sst s5  }
0xe: {  	[smem:$0x3FB5] =	sst s6  }
0xf: {  	[smem:$0x3FB6] =	sst s7  }
0x10: {  	[smem:$0x3FB7] =	sst s8  }
0x11: {  	[smem:$0x3FB8] =	sst s9;
	s0 =	simm.s32 @!p0 $0x0  }
0x12: {  	s1 =	sld [smem:$0x3F9E];
	s0 =	simm.s32 @p0 $0x1  }
0x13: {  	[smem:$0x3FB9] =	sst s0;
	s0 =	simm.s32 @!p1 $0x0  }
0x14: {  	s2 =	sld [smem:$0x3F9D];
	s0 =	simm.s32 @p1 $0x1  }
0x15: {  	[smem:$0x3FBA] =	sst s0;
	s0 =	simm.s32 @!p2 $0x0  }
0x16: {  	s3 =	sld [smem:$0x3FDB];
	s0 =	simm.s32 @p2 $0x1  }
0x17: {  	s4 =	simm.s32 $0x1BF5;
	[smem:$0x3FBC] =	sst s0  }
0x18: {  	s0 =	sld [smem:$0x3F9F];
	_ =	swait.ge [sflag:s4], $0x0  }
0x19: {  	s7 =	sld [smem:$0x3FA0]  }
0x1a: {  	s8 =	sadd.s32 $0xFFFFE003, lr  }
0x1b: {  	s9 =	sadd.s32 $0xFFFFFEF7, lr;
	s5 =	simm.s32 $0xFFFFFFFF;
	p2 =	slt.u32 s8, $0xFFFFF086  }
0x1c: {  	p1 =	slt.u32 s9, $0xF7A;
	s5 =	simm.s32 @!p2 $0x0  }
0x1d: {  	s5 =	simm.s32 @p1 $0x1;
	p0 =	seq.s32 s7, s2  }
0x1e: {  	s7 =	smul.u32 @!p0 $0xF7A, s2;
	p2 =	seq.s32 @!p0 s5, $0x0  }
0x1f: {  	s9 =	smul.u32 $0xF7A, s1;
	s8 =	simm.s32 @!p0 $0x1BF5;
	p2 =	por !p2, p0  }
0x20: {  	[sflag:s8] =	ssyncset.s32 @!p0 $0xFFFFF086;
	s6 =	sadd.s32 @!p0 s3, s7;
	s7 =	simm.s32 @!p0 $0x108  }
0x21: {  	s3 =	sadd.s32 s3, s9;
	s6 =	sadd.s32 @!p0 $0x88, s6;
	s7 =	simm.s32 @p2 $0x1082  }
0x22: {  	[simem:s7], [sflag:s8] =	dma.local @!p0 [hbm:s6], $0xF7A  }
0x23: {  	s9 =	sor.u32 $0xD0000000, s2;
	s6 =	simm.s32 $0x108;
	_ =	swait.ge @!p0 [sflag:s8], $0x0  }
0x24: {  	s3 =	sadd.s32 $0x88, s3;
	s6 =	simm.s32 @!p1 $0x1082;
	[sflag:s4] =	ssyncset.s32 $0xFFFFF086  }
0x25: {  	[simem:s6], [sflag:s4] =	dma.local [hbm:s3], $0xF7A  }
0x26: {  	[smem:$0x3FA0] =	sst s1;
	(tag) =	ssettag s2;
	_ =	strace s9  }
0x27: {  	s1 =	sld [smem:$0x3FB0]  }
0x28: {  	s2 =	sld [smem:$0x3FB1]  }
0x29: {  	s4 =	sld [smem:$0x3FB3]  }
0x2a: {  	p0 =	seq.s32 s5, $0x0;
	s5 =	sld [smem:$0x3FB4]  }
0x2b: {  	s6 =	sld [smem:$0x3FB5]  }
0x2c: {  	s7 =	sld [smem:$0x3FB6]  }
0x2d: {  	s3 =	simm.s32 $0x108;
	s8 =	sld [smem:$0x3FB7]  }
0x2e: {  	s3 =	simm.s32 @!p0 $0x1082;
	s9 =	sld [smem:$0x3FB8]  }
0x2f: {  	lr =	sadd.s32 s0, s3;
	s0 =	sld [smem:$0x3FAF]  }
0x30: {  	s3 =	sld [smem:$0x3FB2]  }
0x31: {  	[smem:$0x3FBB] =	sst s10  }
0x32: {  	s10 =	sld [smem:$0x3FB9];
	_ =	sdelay $0x3  }
0x33: {  	p0 =	seq.s32 s10, $0x1;
	s10 =	sld [smem:$0x3FBB];
	_ =	sdelay $0x3  }
0x34: {  	[smem:$0x3FBB] =	sst s10  }
0x35: {  	s10 =	sld [smem:$0x3FBA];
	_ =	sdelay $0x3  }
0x36: {  	p1 =	seq.s32 s10, $0x1;
	s10 =	sld [smem:$0x3FBB];
	_ =	sdelay $0x3  }
0x37: {  	[smem:$0x3FBB] =	sst s10  }
0x38: {  	s10 =	sld [smem:$0x3FBC]  }
0x39: {  	_ = 	snop;
	(pc) =	sbr.ind lr, $3  }
0x3a: {  	_ = 	snop  }
0x3b: {  	_ = 	snop  }
0x3c: {  	p2 =	seq.s32 s10, $0x1;
	s10 =	sld [smem:$0x3FBB]  }
0x3d: {  	_ =	shalt  }
0x3e: {  	_ =	shalt  }
0x3f: {  	_ =	shalt  }
0x40: {  	_ =	shalt  }
0x41: {  	_ =	shalt  }
0x42: {  	_ =	shalt  }
0x43: {  	_ =	shalt  }
0x44: {  	_ =	shalt  }
0x45: {  	_ =	shalt  }
0x46: {  	_ =	shalt  }
0x47: {  	_ =	shalt  }
0x48: {  	_ =	shalt  }
0x49: {  	_ =	shalt  }
0x4a: {  	_ =	shalt  }
0x4b: {  	_ =	shalt  }
0x4c: {  	_ =	shalt  }
0x4d: {  	_ =	shalt  }
0x4e: {  	_ =	shalt  }
0x4f: {  	_ =	shalt  }
0x50: {  	_ =	shalt  }
0x51: {  	_ =	shalt  }
0x52: {  	_ =	shalt  }
0x53: {  	_ =	shalt  }
0x54: {  	_ =	shalt  }
0x55: {  	_ =	shalt  }
0x56: {  	_ =	shalt  }
0x57: {  	_ =	shalt  }
0x58: {  	_ =	shalt  }
0x59: {  	_ =	shalt  }
0x5a: {  	_ =	shalt  }
0x5b: {  	_ =	shalt  }
0x5c: {  	_ =	shalt  }
0x5d: {  	_ =	shalt  }
0x5e: {  	_ =	shalt  }
0x5f: {  	_ =	shalt  }
0x60: {  	_ =	shalt  }
0x61: {  	_ =	shalt  }
0x62: {  	_ =	shalt  }
0x63: {  	_ =	shalt  }
0x64: {  	_ =	shalt  }
0x65: {  	_ =	shalt  }
0x66: {  	_ =	shalt  }
0x67: {  	_ =	shalt  }
0x68: {  	_ =	shalt  }
0x69: {  	_ =	shalt  }
0x6a: {  	_ =	shalt  }
0x6b: {  	_ =	shalt  }
0x6c: {  	_ =	shalt  }
0x6d: {  	_ =	shalt  }
0x6e: {  	_ =	shalt  }
0x6f: {  	_ =	shalt  }
0x70: {  	_ =	shalt  }
0x71: {  	_ =	shalt  }
0x72: {  	_ =	shalt  }
0x73: {  	_ =	shalt  }
0x74: {  	_ =	shalt  }
0x75: {  	_ =	shalt  }
0x76: {  	_ =	shalt  }
0x77: {  	_ =	shalt  }
0x78: {  	_ =	shalt  }
0x79: {  	_ =	shalt  }
0x7a: {  	_ =	shalt  }
0x7b: {  	_ =	shalt  }
0x7c: {  	_ =	shalt  }
0x7d: {  	_ =	shalt  }
0x7e: {  	_ =	shalt  }
0x7f: {  	_ =	shalt  }
0x80: {  	_ =	shalt  }
0x81: {  	_ =	shalt  }
0x82: {  	_ =	shalt  }
0x83: {  	_ =	shalt  }
0x84: {  	_ =	shalt  }
0x85: {  	_ =	shalt  }
0x86: {  	_ =	shalt  }
0x87: {  	_ =	shalt  }
.Lfunc_end0:
.L_simem_size_0:
called_computation.7_lowered:
.L_overlay_start_0:
0x88: {  	s2 =	sld [smem:$0x3FD9]  }
0x89: {  	s3 =	sld [smem:$0x3FFE];
	_ =	sdelay $0x1  }
0x8a: {  	s1 =	srdreg.scid  }
0x8b: {  	s0 =	sand.u32 $0x1, s1  }
0x8c: {  	s17 =	sshll.u32 s0, $0xA;
	s2 =	sadd.s32 s3, s2  }
0x8d: {  	s2 =	sadd.s32 s2, s17  }
0x8e: {  	[smem:$0x3FC7] =	sst s2  }
0x8f: {  	_ = 	snop  }
0x90: {  	(tm) =	ssettm $0x1  }
0x91: {  	s18 =	sld [smem:$0x3FFB];
	_ =	sdelay $0x3  }
0x92: {  	_ =	strace s18  }
0x93: {  	s2 =	sld [smem:$0x3FFC];
	_ =	sdelay $0x3  }
0x94: {  	_ =	strace s2  }
0x95: {  	s2 =	sld [smem:$0x3FFD];
	_ =	sdelay $0x3  }
0x96: {  	_ =	strace s2  }
0x97: {  	_ =	strace $0x8FFFFFFF  }
0x98: {  	s19 =	sld [smem:$0x3FDB];
	_ =	sdelay $0x1  }
0x99: {  	s20 =	simm.s32 $_scs_section_size  }
0x9a: {  	s4 =	simm.s32 $_size__tile_overlayer_lowered;
	s5 =	simm.s32 $_tile_overlayer_lowered  }
0x9b: {  	s6 =	simm.s32 $0x1BFF;
	s21 =	sshll.u32 s5, $0x1;
	s3 =	sadd.s32 s20, s19  }
0x9c: {  	s22 =	simm.s32 $0x0;
	s4 =	sshll.u32 s4, $0x1;
	s5 =	sadd.s32 s21, s3  }
0x9d: {  	[timem:s22], [sflag:s6] =	dma.local [hbm:s5], s4  }
0x9e: {  	_ =	swait.ge [sflag:s6], s4  }
0x9f: {  	s4 =	ssub.s32 $0x0, s4;
	[sflag:s6] =	ssyncset.done $0x0  }
0xa0: {  	[sflag:s6] =	ssyncadd.s32 s4;
	_ =	sdelay $0x1  }
0xa1: {  	s23 =	simm.s32 $0x1B8B  }
0xa2: {  	_ =	swait.ge [sflag:s23], $0x1  }
0xa3: {  	[sflag:s23] =	ssyncset.done $0x0  }
0xa4: {  	[sflag:s23] =	ssyncadd.s32 $0xFFFFFFFF  }
0xa5: {  	s4 =	sld [smem:$0x0]  }
0xa6: {  	s5 =	sand.u32 $0xFFFFFFFE, s1  }
0xa7: {  	p0 =	sne.s32 s1, s5  }
0xa8: {  	s5 =	sshll.u32 @p0 s5, $0xE  }
0xa9: {  	s5 =	sadd.s32 @p0 $0x11B8D, s5;
	s6 =	sshll.u32 @p0 s4, $0x11  }
0xaa: {  	s5 =	sor.u32 @p0 s6, s5  }
0xab: {  	[sflag:s5] =	ssyncadd.remote.s32 @p0 $0x1;
	_ =	sdelay $0x1  }
0xac: {  	s5 =	simm.s32 @p0 $0x1B8D  }
0xad: {  	_ =	swait.eq @p0 [sflag:s5], $0x1  }
0xae: {  	[sflag:s5] =	ssyncadd.s32 @p0 $0xFFFFFFFF  }
0xaf: {  	s6 =	sshll.u32 @!p0 s1, $0xE  }
0xb0: {  	s6 =	sor.u32 @!p0 $0x4000, s6;
	s5 =	simm.s32 @!p0 $0x1B8D  }
0xb1: {  	s4 =	sshll.u32 @!p0 s4, $0x11;
	s6 =	sadd.s32 @!p0 $0x11B8D, s6;
	_ =	swait.eq @!p0 [sflag:s5], $0x1  }
0xb2: {  	s4 =	sor.u32 @!p0 s4, s6;
	[sflag:s5] =	ssyncadd.s32 @!p0 $0xFFFFFFFF  }
0xb3: {  	s25 =	simm.s32 $0x1B8E;
	s24 =	sld [smem:$0x3FFE];
	[sflag:s4] =	ssyncadd.remote.s32 @!p0 $0x1  }
0xb4: {  	s26 =	simm.s32 $execute0_lowered;
	[smem:$0x3FD2] =	sst s25  }
0xb5: {  	s5 =	sshll.u32 s26, $0x1;
	_ =	strace $0x8000005B;
	[dreg:$0x1] =	wrdreg $0xFFFFFFFF  }
0xb6: {  	s28 =	simm.s32 $_size_execute0_lowered;
	s3 =	sadd.s32 s3, s5;
	[dreg:$0x0] =	wrdreg $0x0  }
0xb7: {  	s5 =	sshll.u32 s28, $0x1;
	[dreg:$0x2] =	wrdreg s3  }
0xb8: {  	[dreg:$0x3] =	wrdreg s5  }
0xb9: {  	[dreg:$0x4] =	wrdreg $0xC0  }
0xba: {  	_ =	task [dreg:s22], $0x5FFFF  }
0xbb: {  	[dreg:$0x1] =	wrdreg $0xFFFFFFFF  }
0xbc: {  	[dreg:$0x0] =	wrdreg $0x60  }
0xbd: {  	[dreg:$0x2] =	wrdreg s24  }
0xbe: {  	[dreg:$0x3] =	wrdreg $0xA  }
0xbf: {  	_ =	task.clear_ibuf [dreg:s22], $0x4FFFF;
	_ =	strace $0x9000005B  }
0xc0: {  	s29 =	simm.s32 $0xA;
	_ =	strace $0x8000005D  }
0xc1: {  	_ =	swait.ge [sflag:s29], $0x1  }
0xc2: {  	[sflag:s29] =	ssyncadd.s32 $0xFFFFFFFF  }
0xc3: {  	_ =	strace $0x9000005D  }
0xc4: {  	_ =	sfence  }
0xc5: {  	s30 =	sld [smem:$0x0];
	_ =	sdelay $0x2  }
0xc6: {  	s31 =	sshll.u32 s1, $0xD;
	s1 =	sshrl.u32 s1, $0x2  }
0xc7: {  	s4 =	sand.u32 $0x4000, s31;
	s1 =	sadd.s32 s1, s30  }
0xc8: {  	s0 =	sor.u32 s4, s0;
	s1 =	sshll.u32 s1, $0x11  }
0xc9: {  	s0 =	sor.u32 s1, s0  }
0xca: {  	s0 =	sadd.s32 $0x8F2B, s0  }
0xcb: {  	[sflag:s0] =	ssyncadd.remote.s32 $0x1  }
0xcc: {  	_ =	sfence.sel $0xFFFF  }
0xcd: {  	[dreg:$0x0] =	wrdreg $0xFFFFFFFF;
	(pc) =	sbr.abs _section_cstart, $3  }
0xce: {  	[dreg:$0x1] =	wrdreg $0xFFFFFFFF  }
0xcf: {  	_ =	task.clear_ibuf [dreg:s22], $0x2FFFF;
	_ =	strace $0x9FFFFFFF  }
0xd0: {  	(tm) =	ssettm $0x7FFFFFFF  }
0xd1: {  	_ =	shalt  }
tec
execute0_lowered:
.L_overlay_start_1:
0x0: {  	(tag) =	ssettag $0x1  }
0x1: {  	s4 =	rddreg [dreg:$0x0]  }
0x2: {  	s0 =	rddreg [dreg:$0x1];
	s2 =	simm.s32 $0x0;
	s3 =	srdreg.scid  }
0x3: {  	s1 =	stileid.u32;
	s10 =	simm.s32 $0x0;
	[smem:$0x7FF] =	sst s2  }
0x4: {  	s5 =	sand.u32 $0x1, s3;
	s6 =	sshll.u32 s1, $0xC;
	s3 =	sadd.s32 $0x2A00, s4  }
0x5: {  	s8 =	sshll.u32 s1, $0xF;
	_ =	strace $0x8000005C;
	s7 =	sshll.u32 s5, $0xB  }
0x6: {  	s31 =	ssub.s32 $0x2, s5;
	s8 =	sadd.s32 s8, s4;
	s5 =	sshll.u32 s5, $0xE  }
0x7: {  	s6 =	sor.u32 s7, s6;
	s9 =	sshrl.u32 s31, $0x1;
	s5 =	sadd.s32 s5, s8  }
0x8: {  	s8 =	simm.s32 $0x80;
	s6 =	sshrl.u32 s6, $0x3;
	s7 =	ssub.s32 s31, s9  }
0x9: {  	s5 =	sadd.s32 $0x21B200, s5;
	s9 =	simm.s32 $0x1;
	s6 =	sadd.s32 s6, s4  }
0xa: {  	s4 =	smax.u32 s7, $0x1;
	s7 =	simm.s32 $0x2;
	s6 =	sadd.s32 $0x88A00, s6  }
.LBB2_1:
0xb: {  	s11 =	sadd.s32 $0x0, s6  }
0xc: {  	[tilespmem:s2], [sflag:$0x2] =	stream.linear.gather [hbm4b:s11+s2], $0x80, $0x38;
	[tilespmem:$0x2080] =	vst v63  }
0xd: {  	_ =	swait.ge [sflag:s7], $0x80  }
0xe: {  	[sflag:s7] =	ssyncset.done $0x0  }
0xf: {  	[sflag:s7] =	ssyncadd.s32 $0xFFFFFF80  }
0x10: {  	[tilespmem:s8], [sflag:$0x1] =	stream.indirect.gather [hbm4b:s3+s8], $0x40, s2, s8, $0xb8;
	[tilespmem:$0x2080] =	vst v63  }
0x11: {  	_ =	swait.ge [sflag:s9], $0x2000  }
0x12: {  	[sflag:s9] =	ssyncset.done $0x0  }
0x13: {  	[sflag:s9] =	ssyncadd.s32 $0xFFFFE000  }
0x14: {  	[hbm4b:s5+s2] =	stream.linear.scatter [tilespmem:s8], [sflag:$0x2], $0x2000, $0x38;
	[tilespmem:$0x2080] =	vst v63  }
0x15: {  	s12 =	simm.s32 $0x10;
	_ =	swait.ge [sflag:s7], $0x2000  }
0x16: {  	s13 =	simm.s32 $0x20;
	s11 =	sadd.s32 $0x400, s5;
	[sflag:s7] =	ssyncset.done $0x0  }
.LBB2_2:
0x17: {  	s14 =	sadd.s32 s12, s6  }
0x18: {  	[sflag:s7] =	ssyncadd.s32 $0xFFFFE000;
	s12 =	smov.u32 s13;
	s15 =	sadd.s32 $0x10, s13  }
0x19: {  	[tilespmem:s2], [sflag:$0x2] =	stream.linear.gather [hbm4b:s14+s2], $0x80, $0x38;
	[tilespmem:$0x2080] =	vst v63  }
0x1a: {  	p0 =	sne.s32 s13, $0xF0;
	_ =	swait.ge [sflag:s7], $0x80  }
0x1b: {  	[sflag:s7] =	ssyncset.done $0x0  }
0x1c: {  	[sflag:s7] =	ssyncadd.s32 $0xFFFFFF80  }
0x1d: {  	[tilespmem:s8], [sflag:$0x1] =	stream.indirect.gather [hbm4b:s3+s8], $0x40, s2, s8, $0xb8;
	[tilespmem:$0x2080] =	vst v63  }
0x1e: {  	_ =	swait.ge [sflag:s9], $0x2000  }
.Ltmp0:
0x1f: {  	[sflag:s9] =	ssyncset.done $0x0;
	(pc) =	sbr.rel @p0 .LBB2_2-.Ltmp0, $4  }
0x20: {  	[sflag:s9] =	ssyncadd.s32 $0xFFFFE000  }
0x21: {  	[hbm4b:s11+s2] =	stream.linear.scatter [tilespmem:s8], [sflag:$0x2], $0x2000, $0x38;
	[tilespmem:$0x2080] =	vst v63  }
0x22: {  	_ =	swait.ge [sflag:s7], $0x2000  }
0x23: {  	s13 =	smov.u32 s15;
	s11 =	sadd.s32 $0x400, s11;
	[sflag:s7] =	ssyncset.done $0x0  }
0x24: {  	s12 =	sadd.s32 s12, s6;
	[sflag:s7] =	ssyncadd.s32 $0xFFFFE000  }
0x25: {  	[tilespmem:s2], [sflag:$0x2] =	stream.linear.gather [hbm4b:s12+s2], $0x80, $0x38;
	[tilespmem:$0x2080] =	vst v63  }
0x26: {  	_ =	swait.ge [sflag:s7], $0x80  }
0x27: {  	[sflag:s7] =	ssyncset.done $0x0  }
0x28: {  	[sflag:s7] =	ssyncadd.s32 $0xFFFFFF80  }
0x29: {  	[tilespmem:s8], [sflag:$0x1] =	stream.indirect.gather [hbm4b:s3+s8], $0x40, s2, s8, $0xb8;
	[tilespmem:$0x2080] =	vst v63  }
0x2a: {  	s10 =	sadd.s32 $0x1, s10;
	_ =	swait.ge [sflag:s9], $0x2000  }
0x2b: {  	p0 =	sne.s32 s10, s4;
	[sflag:s9] =	ssyncset.done $0x0  }
.Ltmp1:
0x2c: {  	[sflag:s9] =	ssyncadd.s32 $0xFFFFE000;
	(pc) =	sbr.rel @p0 .LBB2_1-.Ltmp1, $4  }
0x2d: {  	[hbm4b:s11+s2] =	stream.linear.scatter [tilespmem:s8], [sflag:$0x2], $0x2000, $0x38;
	[tilespmem:$0x2080] =	vst v63  }
0x2e: {  	_ =	swait.ge [sflag:s7], $0x2000  }
0x2f: {  	[sflag:s7] =	ssyncset.done $0x0  }
0x30: {  	[sflag:s7] =	ssyncadd.s32 $0xFFFFE000  }
0x31: {  	_ =	sfence.sel $0x180000  }
0x32: {  	[bflag:$0x0] =	sbarrier.arrive $0xFFFF  }
0x33: {  	p0 =	sne.s32 s1, $0x0;
	_ =	strace $0x9000005C  }
0x34: {  	s0 =	sadd.s32 @!p0 $0x100000, s0;
	[bflag:$0x2] =	sbarrier.arrive $0xFFFF  }
0x35: {  	[sflag:s0] =	ssyncadd.tile.s32 @!p0 $0x1;
	_ =	shalt  }
.Lfunc_end2:
_tile_overlayer_lowered:
.L_overlay_start_2:
0x36: {  	(tag) =	ssettag $0x2  }
0x37: {  	s0 =	rddreg [dreg:$0x0];
	s2 =	stileid.u32  }
0x38: {  	s1 =	rddreg [dreg:$0x1];
	p0 =	sne.s32 s2, $0x0  }
0x39: {  	s3 =	rddreg [dreg:$0x2];
	[bflag:$0x3] =	sbarrier.arrive $0xFFFF;
	s2 =	simm.s32 @!p0 $0x1C02  }
0x3a: {  	[timem:s3], [sflag:s2] =	dma.local @!p0 [hbm:s0], s1  }
0x3b: {  	s0 =	simm.s32 @!p0 $0x2  }
0x3c: {  	_ =	swait.ge @!p0 [sflag:s0], s1  }
0x3d: {  	s1 =	ssub.s32 @!p0 $0x0, s1;
	[sflag:s0] =	ssyncset.done @!p0 $0x0  }
0x3e: {  	[sflag:s0] =	ssyncadd.s32 @!p0 s1  }
0x3f: {  	[bflag:$0x3] =	sbarrier.arrive $0xFFFF  }
0x40: {  	_ =	shalt  }

</sc_bundles>
